<compile_context>
chip_gen: v7x
topology: tpu7x:2x2x1
jax: 0.10.2.dev20260603
libtpu: 0.0.44.dev20260713+nightly
codegen_flags: <defaults>
</compile_context>

<pallas_src>
import functools

import jax
import jax.numpy as jnp
from jax import lax
from jax.experimental import pallas as pl
from jax.experimental.pallas import tpu as pltpu
from jax.experimental.pallas import tpu_sc as plsc

N = 10000
R = 25
D = 128
E = 320000
E_PAD = 327680
PAD_SRC = 10000
CKEYS = 256000
ACC_ROWS = 10240
C = 128


def _mm_body(x_ref, w_ref, o_ref):
    o_ref[...] = jnp.dot(x_ref[...], w_ref[...],
                         preferred_element_type=jnp.float32)


def _matmul(x, w_all):
    return pl.pallas_call(
        _mm_body,
        grid=(10, 5),
        in_specs=[
            pl.BlockSpec((1000, 128), lambda i, j: (i, 0)),
            pl.BlockSpec((128, 640), lambda i, j: (0, j)),
        ],
        out_specs=pl.BlockSpec((1000, 640), lambda i, j: (i, j)),
        out_shape=jax.ShapeDtypeStruct((N, R * D), jnp.float32),
    )(x, w_all)


def _comb_body(p0_ref, p1_ref, ys_ref, b_ref, o_ref):
    o_ref[...] = p0_ref[...] + p1_ref[...] + ys_ref[...] + b_ref[...]


def _combine(p0, p1, yself, bias2d):
    return pl.pallas_call(
        _comb_body,
        grid=(5,),
        in_specs=[
            pl.BlockSpec((2000, 128), lambda i: (i, 0)),
            pl.BlockSpec((2000, 128), lambda i: (i, 0)),
            pl.BlockSpec((2000, 128), lambda i: (i, 0)),
            pl.BlockSpec((1, 128), lambda i: (0, 0)),
        ],
        out_specs=pl.BlockSpec((2000, 128), lambda i: (i, 0)),
        out_shape=jax.ShapeDtypeStruct((N, D), jnp.float32),
    )(p0, p1, yself, bias2d)


def _sc_body(src_hbm, dst_hbm, et_hbm, y_hbm, out_hbm,
             counts_sh, acc_sh, zrow, zbuf, srcb, dstb, etb,
             ckeyb, yidxb, valsb, onesb, rowsb, sem):
    c = lax.axis_index("c")
    s = lax.axis_index("s")

    zero16 = jnp.zeros((16,), jnp.float32)
    one16 = jnp.ones((16,), jnp.float32)

    def _z_zrow(i, _):
        zrow[pl.ds(i * 16, 16)] = zero16
        return _
    lax.fori_loop(0, 125, _z_zrow, 0)

    def _z_zbuf(i, _):
        for j in range(8):
            zbuf[i, pl.ds(j * 16, 16)] = zero16
        return _
    lax.fori_loop(0, 64, _z_zbuf, 0)

    for i in range(8):
        onesb[pl.ds(i * 16, 16)] = one16

    def _z_counts(i, _):
        pltpu.sync_copy(zrow, counts_sh.at[pl.ds(s * 16000 + i * 2000, 2000)])
        return _
    lax.fori_loop(0, 8, _z_counts, 0)

    def _z_acc(i, _):
        pltpu.sync_copy(zbuf, acc_sh.at[pl.ds(s * 640 + i * 64, 64), :])
        return _
    lax.fori_loop(0, 10, _z_acc, 0)

    plsc.subcore_barrier()

    def _count_chunk(k, _):
        off = s * 20480 + k * C
        pltpu.sync_copy(src_hbm.at[pl.ds(off, C)], srcb)
        pltpu.sync_copy(et_hbm.at[pl.ds(off, C)], etb)
        for i in range(8):
            sl = pl.ds(i * 16, 16)
            ckeyb[sl] = srcb[sl] * R + etb[sl]
        pltpu.sync_copy(onesb, counts_sh.at[ckeyb], add=True)
        return _
    lax.fori_loop(0, 160, _count_chunk, 0)

    plsc.subcore_barrier()

    wbase = (c * 16 + s) * 10240

    def _agg_chunk(k, _):
        off = wbase + k * C
        pltpu.sync_copy(src_hbm.at[pl.ds(off, C)], srcb)
        pltpu.sync_copy(dst_hbm.at[pl.ds(off, C)], dstb)
        pltpu.sync_copy(et_hbm.at[pl.ds(off, C)], etb)
        for i in range(8):
            sl = pl.ds(i * 16, 16)
            ckeyb[sl] = srcb[sl] * R + etb[sl]
            yidxb[sl] = dstb[sl] * R + etb[sl]
        pltpu.sync_copy(counts_sh.at[ckeyb], valsb)
        for i in range(8):
            sl = pl.ds(i * 16, 16)
            valsb[sl] = one16 / valsb[sl]
        pltpu.async_copy(y_hbm.at[yidxb], rowsb, sem).wait()

        def _scale(g, _):
            vv = valsb[pl.ds(g * 16, 16)]
            for i in range(16):
                bv = lax.broadcast(vv[i], (16,))
                e = g * 16 + i
                for j in range(8):
                    sl = pl.ds(j * 16, 16)
                    rowsb[e, sl] = rowsb[e, sl] * bv
            return _
        lax.fori_loop(0, C // 16, _scale, 0)

        pltpu.sync_copy(rowsb, acc_sh.at[srcb], add=True)
        return _
    lax.fori_loop(0, 80, _agg_chunk, 0)

    plsc.subcore_barrier()

    obase = c * 10240 + s * 640

    def _out_chunk(i, _):
        pltpu.sync_copy(acc_sh.at[pl.ds(s * 640 + i * 64, 64), :], zbuf)
        pltpu.sync_copy(zbuf, out_hbm.at[pl.ds(obase + i * 64, 64), :])
        return _
    lax.fori_loop(0, 10, _out_chunk, 0)


def _sc_aggregate(srcp, dstp, etp, y_rows):
    mesh = plsc.VectorSubcoreMesh(core_axis_name="c", subcore_axis_name="s")
    fn = functools.partial(
        pl.kernel,
        out_type=jax.ShapeDtypeStruct((2 * 10240, D), jnp.float32),
        mesh=mesh,
        scratch_types=[
            pltpu.VMEM_SHARED((CKEYS,), jnp.float32),
            pltpu.VMEM_SHARED((ACC_ROWS, D), jnp.float32),
            pltpu.VMEM((2000,), jnp.float32),
            pltpu.VMEM((64, D), jnp.float32),
            pltpu.VMEM((C,), jnp.int32),
            pltpu.VMEM((C,), jnp.int32),
            pltpu.VMEM((C,), jnp.int32),
            pltpu.VMEM((C,), jnp.int32),
            pltpu.VMEM((C,), jnp.int32),
            pltpu.VMEM((C,), jnp.float32),
            pltpu.VMEM((C,), jnp.float32),
            pltpu.VMEM((C, D), jnp.float32),
            pltpu.SemaphoreType.DMA,
        ],
    )(_sc_body)
    return fn(srcp, dstp, etp, y_rows)


def kernel(x, r, edge_index, edge_type, weights, bias):
    src = edge_index[0].astype(jnp.int32)
    dst = edge_index[1].astype(jnp.int32)
    et = edge_type.astype(jnp.int32)

    npad = E_PAD - E
    srcp = jnp.concatenate([src, jnp.full((npad,), PAD_SRC, jnp.int32)])
    dstp = jnp.concatenate([dst, jnp.zeros((npad,), jnp.int32)])
    etp = jnp.concatenate([et, jnp.zeros((npad,), jnp.int32)])

    w_all = weights.transpose(1, 0, 2).reshape(D, R * D)
    y = _matmul(x, w_all)
    y_rows = y.reshape(N * R, D)

    sc_out = _sc_aggregate(srcp, dstp, etp, y_rows)
    p0 = sc_out[0:N]
    p1 = sc_out[10240:10240 + N]

    yself = y.reshape(N, R, D)[:, R - 1, :]
    out = _combine(p0, p1, yself, bias.reshape(1, D))
    return (out, r)

# --- scband reference (transcript-rebuilt; emitter-appended) ---
"""Pipeline reference for scband-torch-rgcn-layer-28346784154212 (READ-ONLY COPY).

The authoritative reference and input builder live on the scoring server;
editing this copy changes nothing except your own understanding.
"""

import jax, jax.numpy as jnp
import numpy as np

NUM_ENTITIES = 10000
NUM_ORIG_RELATIONS = 12
NUM_RELATIONS = NUM_ORIG_RELATIONS * 2 + 1  # 25 (both directions + self-loop relation)
IN_DIM = 128
OUT_DIM = 128
NUM_EDGES = 320000


def setup_inputs(seed: int = 0) -> dict:
    key = jax.random.key(seed)
    k1, k2, k3, k4, k5 = jax.random.split(key, 5)
    x = jax.random.normal(k1, (NUM_ENTITIES, IN_DIM), dtype=jnp.float32)
    r = jax.random.normal(k2, (NUM_RELATIONS, IN_DIM), dtype=jnp.float32)
    edge_index = jax.random.randint(k3, (2, NUM_EDGES), 0, NUM_ENTITIES, dtype=jnp.int32)
    edge_type = jax.random.randint(k4, (NUM_EDGES,), 0, NUM_RELATIONS - 1, dtype=jnp.int32)
    # learned parameters (no decomposition -> full per-relation weight tensor)
    weights = jax.random.normal(k5, (NUM_RELATIONS, IN_DIM, OUT_DIM), dtype=jnp.float32) * (1.0 / np.sqrt(IN_DIM))
    bias = jnp.zeros((OUT_DIM,), dtype=jnp.float32)
    return {"x": x, "r": r, "edge_index": edge_index, "edge_type": edge_type,
            "weights": weights, "bias": bias}


def reference(x, r, edge_index, edge_type, weights, bias):
    """Faithful JAX port of TorchRgcnLayer.forward with edge_dropout=0,
    self_edge_dropout=0, weight_decomposition='None', vertical_stacking=True."""
    n = NUM_ENTITIES
    R = NUM_RELATIONS
    # _add_self_edge: append (i, i) edges with relation id R-1 (no dropout)
    self_nodes = jnp.arange(n, dtype=edge_index.dtype)
    ei = jnp.concatenate([edge_index, jnp.stack([self_nodes, self_nodes])], axis=1)
    et = jnp.concatenate([edge_type, jnp.full((n,), R - 1, dtype=edge_type.dtype)])
    # _stack_adj_matrices (vertical): adj of size (R*n, n), row = rel*n + src, col = dst
    rows = et.astype(jnp.int32) * n + ei[0].astype(jnp.int32)
    cols = ei[1].astype(jnp.int32)
    num_edges = rows.shape[0]
    vals = jnp.ones((num_edges,), dtype=jnp.float32)
    # _sum_sparse: row-wise normalization of the stacked adjacency
    row_sums = jax.ops.segment_sum(vals, rows, num_segments=R * n)
    vals = vals / row_sums[rows]
    # AX = spmm(adj, x): scatter-add normalized neighbor features
    msgs = vals[:, None] * jnp.take(x, cols, axis=0)
    AX = jnp.zeros((R * n, IN_DIM), dtype=jnp.float32).at[rows].add(msgs)
    AX = AX.reshape(R, n, IN_DIM)
    # out = einsum('rio, rni -> no', weights, AX)
    out = jnp.einsum('rio,rni->no', weights, AX)
    out = out + bias
    return (out, r)

if __name__ == "__main__":
    import jax
    _d = setup_inputs()
    print(jax.jit(kernel)(*tuple(_d.values())))

</pallas_src>

<mosaic_0001>
#map = affine_map<(d0, d1) -> (0)>
#map1 = affine_map<(d0, d1) -> (0, 0)>
module attributes {stable_mosaic.version = 14 : i64} {
  func.func @_sc_body(%arg0: i32, %arg1: i32, %arg2: memref<327680xi32, #tpu.memory_space<hbm>>, %arg3: memref<327680xi32, #tpu.memory_space<hbm>>, %arg4: memref<327680xi32, #tpu.memory_space<hbm>>, %arg5: memref<250000x128xf32, #tpu.memory_space<hbm>>, %arg6: memref<20480x128xf32, #tpu.memory_space<hbm>>, %arg7: memref<256000xf32, #tpu.memory_space<vmem_shared>>, %arg8: memref<10240x128xf32, #tpu.memory_space<vmem_shared>>, %arg9: memref<2000xf32, #tpu.memory_space<vmem>>, %arg10: memref<64x128xf32, #tpu.memory_space<vmem>>, %arg11: memref<128xi32, #tpu.memory_space<vmem>>, %arg12: memref<128xi32, #tpu.memory_space<vmem>>, %arg13: memref<128xi32, #tpu.memory_space<vmem>>, %arg14: memref<128xi32, #tpu.memory_space<vmem>>, %arg15: memref<128xi32, #tpu.memory_space<vmem>>, %arg16: memref<128xf32, #tpu.memory_space<vmem>>, %arg17: memref<128xf32, #tpu.memory_space<vmem>>, %arg18: memref<128x128xf32, #tpu.memory_space<vmem>>, %arg19: memref<!tpu.dma_semaphore, #tpu.memory_space<semaphore_mem>>) attributes {dimension_semantics = [#tpu.dimension_semantics<core_parallel>, #tpu.dimension_semantics<subcore_parallel>], iteration_bounds = array<i64: 2, 16>, scalar_prefetch = 0 : i64, scratch_operands = 13 : i64, tpu.core_type = #tpu.core_type<sc_vector_subcore>, window_params = [{transform_indices = #map}, {transform_indices = #map}, {transform_indices = #map}, {transform_indices = #map1}, {transform_indices = #map1}]} {
    %broadcast_in_dim3A = arith.constant 0.000000e+00 : f32
    %broadcast_in_dim3A_0 = vector.broadcast %broadcast_in_dim3A : f32 to vector<16xf32>
    %broadcast_in_dim3A_1 = arith.constant 1.000000e+00 : f32
    %broadcast_in_dim3A_2 = vector.broadcast %broadcast_in_dim3A_1 : f32 to vector<16xf32>
    %scan3A = arith.constant 0 : i32
    %scan3A_3 = arith.constant 0 : i32
    %scan3A_4 = arith.constant 125 : i32
    %scan3A_5 = arith.addi %scan3A_3, %scan3A_4 : i32
    %scan3A_6 = arith.constant 1 : i32
    scf.for %scan3A_85 = %scan3A_3 to %scan3A_5 step %scan3A_6  : i32 {
      %mul3A_86 = arith.constant 16 : i32
      %mul3A_87 = arith.muli %scan3A_85, %mul3A_86 : i32
      %swap3A_88 = arith.index_cast %mul3A_87 : i32 to index
      %swap3A_89 = tpu.vector_load %arg9[%swap3A_88] {strides = array<i32>} : memref<2000xf32, #tpu.memory_space<vmem>>, vector<16xf32>,
      %swap3A_90 = vector.shape_cast %swap3A_89 : vector<16xf32> to vector<16xf32>
      %swap3A_91 = vector.shape_cast %broadcast_in_dim3A_0 : vector<16xf32> to vector<16xf32>
      tpu.vector_store %arg9[%swap3A_88], %swap3A_91 {strides = array<i32>} : memref<2000xf32, #tpu.memory_space<vmem>>, vector<16xf32>,
    }
    %scan3A_7 = arith.constant 125 : i32
    %scan3A_8 = arith.constant 0 : i32
    %scan3A_9 = arith.constant 0 : i32
    %scan3A_10 = arith.constant 64 : i32
    %scan3A_11 = arith.addi %scan3A_9, %scan3A_10 : i32
    %scan3A_12 = arith.constant 1 : i32
    scf.for %scan3A_85 = %scan3A_9 to %scan3A_11 step %scan3A_12  : i32 {
      %swap3A_86 = arith.index_cast %scan3A_85 : i32 to index
      %swap3A_87 = arith.constant 0 : index
      %swap3A_88 = tpu.vector_load %arg10[%swap3A_86, %swap3A_87] {strides = array<i32>} : memref<64x128xf32, #tpu.memory_space<vmem>>, vector<1x16xf32>,
      %swap3A_89 = vector.shape_cast %swap3A_88 : vector<1x16xf32> to vector<16xf32>
      %swap3A_90 = vector.shape_cast %broadcast_in_dim3A_0 : vector<16xf32> to vector<1x16xf32>
      tpu.vector_store %arg10[%swap3A_86, %swap3A_87], %swap3A_90 {strides = array<i32>} : memref<64x128xf32, #tpu.memory_space<vmem>>, vector<1x16xf32>,
      %swap3A_91 = arith.index_cast %scan3A_85 : i32 to index
      %swap3A_92 = arith.constant 16 : index
      %swap3A_93 = tpu.vector_load %arg10[%swap3A_91, %swap3A_92] {strides = array<i32>} : memref<64x128xf32, #tpu.memory_space<vmem>>, vector<1x16xf32>,
      %swap3A_94 = vector.shape_cast %swap3A_93 : vector<1x16xf32> to vector<16xf32>
      %swap3A_95 = vector.shape_cast %broadcast_in_dim3A_0 : vector<16xf32> to vector<1x16xf32>
      tpu.vector_store %arg10[%swap3A_91, %swap3A_92], %swap3A_95 {strides = array<i32>} : memref<64x128xf32, #tpu.memory_space<vmem>>, vector<1x16xf32>,
      %swap3A_96 = arith.index_cast %scan3A_85 : i32 to index
      %swap3A_97 = arith.constant 32 : index
      %swap3A_98 = tpu.vector_load %arg10[%swap3A_96, %swap3A_97] {strides = array<i32>} : memref<64x128xf32, #tpu.memory_space<vmem>>, vector<1x16xf32>,
      %swap3A_99 = vector.shape_cast %swap3A_98 : vector<1x16xf32> to vector<16xf32>
      %swap3A_100 = vector.shape_cast %broadcast_in_dim3A_0 : vector<16xf32> to vector<1x16xf32>
      tpu.vector_store %arg10[%swap3A_96, %swap3A_97], %swap3A_100 {strides = array<i32>} : memref<64x128xf32, #tpu.memory_space<vmem>>, vector<1x16xf32>,
      %swap3A_101 = arith.index_cast %scan3A_85 : i32 to index
      %swap3A_102 = arith.constant 48 : index
      %swap3A_103 = tpu.vector_load %arg10[%swap3A_101, %swap3A_102] {strides = array<i32>} : memref<64x128xf32, #tpu.memory_space<vmem>>, vector<1x16xf32>,
      %swap3A_104 = vector.shape_cast %swap3A_103 : vector<1x16xf32> to vector<16xf32>
      %swap3A_105 = vector.shape_cast %broadcast_in_dim3A_0 : vector<16xf32> to vector<1x16xf32>
      tpu.vector_store %arg10[%swap3A_101, %swap3A_102], %swap3A_105 {strides = array<i32>} : memref<64x128xf32, #tpu.memory_space<vmem>>, vector<1x16xf32>,
      %swap3A_106 = arith.index_cast %scan3A_85 : i32 to index
      %swap3A_107 = arith.constant 64 : index
      %swap3A_108 = tpu.vector_load %arg10[%swap3A_106, %swap3A_107] {strides = array<i32>} : memref<64x128xf32, #tpu.memory_space<vmem>>, vector<1x16xf32>,
      %swap3A_109 = vector.shape_cast %swap3A_108 : vector<1x16xf32> to vector<16xf32>
      %swap3A_110 = vector.shape_cast %broadcast_in_dim3A_0 : vector<16xf32> to vector<1x16xf32>
      tpu.vector_store %arg10[%swap3A_106, %swap3A_107], %swap3A_110 {strides = array<i32>} : memref<64x128xf32, #tpu.memory_space<vmem>>, vector<1x16xf32>,
      %swap3A_111 = arith.index_cast %scan3A_85 : i32 to index
      %swap3A_112 = arith.constant 80 : index
      %swap3A_113 = tpu.vector_load %arg10[%swap3A_111, %swap3A_112] {strides = array<i32>} : memref<64x128xf32, #tpu.memory_space<vmem>>, vector<1x16xf32>,
      %swap3A_114 = vector.shape_cast %swap3A_113 : vector<1x16xf32> to vector<16xf32>
      %swap3A_115 = vector.shape_cast %broadcast_in_dim3A_0 : vector<16xf32> to vector<1x16xf32>
      tpu.vector_store %arg10[%swap3A_111, %swap3A_112], %swap3A_115 {strides = array<i32>} : memref<64x128xf32, #tpu.memory_space<vmem>>, vector<1x16xf32>,
      %swap3A_116 = arith.index_cast %scan3A_85 : i32 to index
      %swap3A_117 = arith.constant 96 : index
      %swap3A_118 = tpu.vector_load %arg10[%swap3A_116, %swap3A_117] {strides = array<i32>} : memref<64x128xf32, #tpu.memory_space<vmem>>, vector<1x16xf32>,
      %swap3A_119 = vector.shape_cast %swap3A_118 : vector<1x16xf32> to vector<16xf32>
      %swap3A_120 = vector.shape_cast %broadcast_in_dim3A_0 : vector<16xf32> to vector<1x16xf32>
      tpu.vector_store %arg10[%swap3A_116, %swap3A_117], %swap3A_120 {strides = array<i32>} : memref<64x128xf32, #tpu.memory_space<vmem>>, vector<1x16xf32>,
      %swap3A_121 = arith.index_cast %scan3A_85 : i32 to index
      %swap3A_122 = arith.constant 112 : index
      %swap3A_123 = tpu.vector_load %arg10[%swap3A_121, %swap3A_122] {strides = array<i32>} : memref<64x128xf32, #tpu.memory_space<vmem>>, vector<1x16xf32>,
      %swap3A_124 = vector.shape_cast %swap3A_123 : vector<1x16xf32> to vector<16xf32>
      %swap3A_125 = vector.shape_cast %broadcast_in_dim3A_0 : vector<16xf32> to vector<1x16xf32>
      tpu.vector_store %arg10[%swap3A_121, %swap3A_122], %swap3A_125 {strides = array<i32>} : memref<64x128xf32, #tpu.memory_space<vmem>>, vector<1x16xf32>,
    }
    %scan3A_13 = arith.constant 64 : i32
    %swap3A = arith.constant 0 : index
    %swap3A_14 = tpu.vector_load %arg17[%swap3A] {strides = array<i32>} : memref<128xf32, #tpu.memory_space<vmem>>, vector<16xf32>,
    %swap3A_15 = vector.shape_cast %swap3A_14 : vector<16xf32> to vector<16xf32>
    %swap3A_16 = vector.shape_cast %broadcast_in_dim3A_2 : vector<16xf32> to vector<16xf32>
    tpu.vector_store %arg17[%swap3A], %swap3A_16 {strides = array<i32>} : memref<128xf32, #tpu.memory_space<vmem>>, vector<16xf32>,
    %swap3A_17 = arith.constant 16 : index
    %swap3A_18 = tpu.vector_load %arg17[%swap3A_17] {strides = array<i32>} : memref<128xf32, #tpu.memory_space<vmem>>, vector<16xf32>,
    %swap3A_19 = vector.shape_cast %swap3A_18 : vector<16xf32> to vector<16xf32>
    %swap3A_20 = vector.shape_cast %broadcast_in_dim3A_2 : vector<16xf32> to vector<16xf32>
    tpu.vector_store %arg17[%swap3A_17], %swap3A_20 {strides = array<i32>} : memref<128xf32, #tpu.memory_space<vmem>>, vector<16xf32>,
    %swap3A_21 = arith.constant 32 : index
    %swap3A_22 = tpu.vector_load %arg17[%swap3A_21] {strides = array<i32>} : memref<128xf32, #tpu.memory_space<vmem>>, vector<16xf32>,
    %swap3A_23 = vector.shape_cast %swap3A_22 : vector<16xf32> to vector<16xf32>
    %swap3A_24 = vector.shape_cast %broadcast_in_dim3A_2 : vector<16xf32> to vector<16xf32>
    tpu.vector_store %arg17[%swap3A_21], %swap3A_24 {strides = array<i32>} : memref<128xf32, #tpu.memory_space<vmem>>, vector<16xf32>,
    %swap3A_25 = arith.constant 48 : index
    %swap3A_26 = tpu.vector_load %arg17[%swap3A_25] {strides = array<i32>} : memref<128xf32, #tpu.memory_space<vmem>>, vector<16xf32>,
    %swap3A_27 = vector.shape_cast %swap3A_26 : vector<16xf32> to vector<16xf32>
    %swap3A_28 = vector.shape_cast %broadcast_in_dim3A_2 : vector<16xf32> to vector<16xf32>
    tpu.vector_store %arg17[%swap3A_25], %swap3A_28 {strides = array<i32>} : memref<128xf32, #tpu.memory_space<vmem>>, vector<16xf32>,
    %swap3A_29 = arith.constant 64 : index
    %swap3A_30 = tpu.vector_load %arg17[%swap3A_29] {strides = array<i32>} : memref<128xf32, #tpu.memory_space<vmem>>, vector<16xf32>,
    %swap3A_31 = vector.shape_cast %swap3A_30 : vector<16xf32> to vector<16xf32>
    %swap3A_32 = vector.shape_cast %broadcast_in_dim3A_2 : vector<16xf32> to vector<16xf32>
    tpu.vector_store %arg17[%swap3A_29], %swap3A_32 {strides = array<i32>} : memref<128xf32, #tpu.memory_space<vmem>>, vector<16xf32>,
    %swap3A_33 = arith.constant 80 : index
    %swap3A_34 = tpu.vector_load %arg17[%swap3A_33] {strides = array<i32>} : memref<128xf32, #tpu.memory_space<vmem>>, vector<16xf32>,
    %swap3A_35 = vector.shape_cast %swap3A_34 : vector<16xf32> to vector<16xf32>
    %swap3A_36 = vector.shape_cast %broadcast_in_dim3A_2 : vector<16xf32> to vector<16xf32>
    tpu.vector_store %arg17[%swap3A_33], %swap3A_36 {strides = array<i32>} : memref<128xf32, #tpu.memory_space<vmem>>, vector<16xf32>,
    %swap3A_37 = arith.constant 96 : index
    %swap3A_38 = tpu.vector_load %arg17[%swap3A_37] {strides = array<i32>} : memref<128xf32, #tpu.memory_space<vmem>>, vector<16xf32>,
    %swap3A_39 = vector.shape_cast %swap3A_38 : vector<16xf32> to vector<16xf32>
    %swap3A_40 = vector.shape_cast %broadcast_in_dim3A_2 : vector<16xf32> to vector<16xf32>
    tpu.vector_store %arg17[%swap3A_37], %swap3A_40 {strides = array<i32>} : memref<128xf32, #tpu.memory_space<vmem>>, vector<16xf32>,
    %swap3A_41 = arith.constant 112 : index
    %swap3A_42 = tpu.vector_load %arg17[%swap3A_41] {strides = array<i32>} : memref<128xf32, #tpu.memory_space<vmem>>, vector<16xf32>,
    %swap3A_43 = vector.shape_cast %swap3A_42 : vector<16xf32> to vector<16xf32>
    %swap3A_44 = vector.shape_cast %broadcast_in_dim3A_2 : vector<16xf32> to vector<16xf32>
    tpu.vector_store %arg17[%swap3A_41], %swap3A_44 {strides = array<i32>} : memref<128xf32, #tpu.memory_space<vmem>>, vector<16xf32>,
    %scan3A_45 = arith.constant 0 : i32
    %scan3A_46 = arith.constant 0 : i32
    %scan3A_47 = arith.constant 8 : i32
    %scan3A_48 = arith.addi %scan3A_46, %scan3A_47 : i32
    %scan3A_49 = arith.constant 1 : i32
    scf.for %scan3A_85 = %scan3A_46 to %scan3A_48 step %scan3A_49  : i32 {
      %mul3A_86 = arith.constant 16000 : i32
      %mul3A_87 = arith.muli %arg1, %mul3A_86 : i32
      %mul3A_88 = arith.constant 2000 : i32
      %mul3A_89 = arith.muli %scan3A_85, %mul3A_88 : i32
      %add3A_90 = arith.addi %mul3A_87, %mul3A_89 : i32
      "tpu.region"() ({
        %run_scoped3A = tpu.sem_alloc : memref<!tpu.dma_semaphore, #tpu.memory_space<semaphore_mem>>
        %dma_start3A = tpu.memref_slice %arg7[%add3A_90] : memref<256000xf32, #tpu.memory_space<vmem_shared>> -> memref<2000xf32, #tpu.memory_space<vmem_shared>>
        %dma_start3A_91 = tpu.memref_slice %arg7[%add3A_90] : memref<256000xf32, #tpu.memory_space<vmem_shared>> -> memref<2000xf32, #tpu.memory_space<vmem_shared>>
        tpu.enqueue_dma source(%arg9 : memref<2000xf32, #tpu.memory_space<vmem>>) target(%dma_start3A_91 : memref<2000xf32, #tpu.memory_space<vmem_shared>>) target_semaphore(%run_scoped3A : memref<!tpu.dma_semaphore, #tpu.memory_space<semaphore_mem>>)
        %dma_wait3A = tpu.memref_slice %arg7[%add3A_90] : memref<256000xf32, #tpu.memory_space<vmem_shared>> -> memref<2000xf32, #tpu.memory_space<vmem_shared>>
        %dma_wait3A_92 = tpu.memref_slice %arg7[%add3A_90] : memref<256000xf32, #tpu.memory_space<vmem_shared>> -> memref<2000xf32, #tpu.memory_space<vmem_shared>>
        tpu.wait_dma2 semaphore(%run_scoped3A : memref<!tpu.dma_semaphore, #tpu.memory_space<semaphore_mem>>) src(%arg9 : memref<2000xf32, #tpu.memory_space<vmem>>) dst(%dma_wait3A_92 : memref<2000xf32, #tpu.memory_space<vmem_shared>>)
        tpu.yield
      }) : () -> ()
    }
    %scan3A_50 = arith.constant 8 : i32
    %scan3A_51 = arith.constant 0 : i32
    %scan3A_52 = arith.constant 0 : i32
    %scan3A_53 = arith.constant 10 : i32
    %scan3A_54 = arith.addi %scan3A_52, %scan3A_53 : i32
    %scan3A_55 = arith.constant 1 : i32
    scf.for %scan3A_85 = %scan3A_52 to %scan3A_54 step %scan3A_55  : i32 {
      %mul3A_86 = arith.constant 640 : i32
      %mul3A_87 = arith.muli %arg1, %mul3A_86 : i32
      %mul3A_88 = arith.constant 64 : i32
      %mul3A_89 = arith.muli %scan3A_85, %mul3A_88 : i32
      %add3A_90 = arith.addi %mul3A_87, %mul3A_89 : i32
      "tpu.region"() ({
        %run_scoped3A = tpu.sem_alloc : memref<!tpu.dma_semaphore, #tpu.memory_space<semaphore_mem>>
        %dma_start3A = arith.constant 0 : i32
        %dma_start3A_91 = tpu.memref_slice %arg8[%add3A_90, %dma_start3A] : memref<10240x128xf32, #tpu.memory_space<vmem_shared>> -> memref<64x128xf32, #tpu.memory_space<vmem_shared>>
        %dma_start3A_92 = arith.constant 0 : i32
        %dma_start3A_93 = tpu.memref_slice %arg8[%add3A_90, %dma_start3A_92] : memref<10240x128xf32, #tpu.memory_space<vmem_shared>> -> memref<64x128xf32, #tpu.memory_space<vmem_shared>>
        tpu.enqueue_dma source(%arg10 : memref<64x128xf32, #tpu.memory_space<vmem>>) target(%dma_start3A_93 : memref<64x128xf32, #tpu.memory_space<vmem_shared>>) target_semaphore(%run_scoped3A : memref<!tpu.dma_semaphore, #tpu.memory_space<semaphore_mem>>)
        %dma_wait3A = arith.constant 0 : i32
        %dma_wait3A_94 = tpu.memref_slice %arg8[%add3A_90, %dma_wait3A] : memref<10240x128xf32, #tpu.memory_space<vmem_shared>> -> memref<64x128xf32, #tpu.memory_space<vmem_shared>>
        %dma_wait3A_95 = arith.constant 0 : i32
        %dma_wait3A_96 = tpu.memref_slice %arg8[%add3A_90, %dma_wait3A_95] : memref<10240x128xf32, #tpu.memory_space<vmem_shared>> -> memref<64x128xf32, #tpu.memory_space<vmem_shared>>
        tpu.wait_dma2 semaphore(%run_scoped3A : memref<!tpu.dma_semaphore, #tpu.memory_space<semaphore_mem>>) src(%arg10 : memref<64x128xf32, #tpu.memory_space<vmem>>) dst(%dma_wait3A_96 : memref<64x128xf32, #tpu.memory_space<vmem_shared>>)
        tpu.yield
      }) : () -> ()
    }
    %scan3A_56 = arith.constant 10 : i32
    %barrier3A = arith.constant 0 : index
    tpu.barrier barrier_id(%barrier3A)
    %scan3A_57 = arith.constant 0 : i32
    %scan3A_58 = arith.constant 0 : i32
    %scan3A_59 = arith.constant 160 : i32
    %scan3A_60 = arith.addi %scan3A_58, %scan3A_59 : i32
    %scan3A_61 = arith.constant 1 : i32
    scf.for %scan3A_85 = %scan3A_58 to %scan3A_60 step %scan3A_61  : i32 {
      %mul3A_86 = arith.constant 20480 : i32
      %mul3A_87 = arith.muli %arg1, %mul3A_86 : i32
      %mul3A_88 = arith.constant 128 : i32
      %mul3A_89 = arith.muli %scan3A_85, %mul3A_88 : i32
      %add3A_90 = arith.addi %mul3A_87, %mul3A_89 : i32
      "tpu.region"() ({
        %run_scoped3A = tpu.sem_alloc : memref<!tpu.dma_semaphore, #tpu.memory_space<semaphore_mem>>
        %dma_start3A = tpu.memref_slice %arg2[%add3A_90] : memref<327680xi32, #tpu.memory_space<hbm>> -> memref<128xi32, #tpu.memory_space<hbm>>
        %dma_start3A_202 = tpu.memref_slice %arg2[%add3A_90] : memref<327680xi32, #tpu.memory_space<hbm>> -> memref<128xi32, #tpu.memory_space<hbm>>
        tpu.enqueue_dma source(%dma_start3A_202 : memref<128xi32, #tpu.memory_space<hbm>>) target(%arg11 : memref<128xi32, #tpu.memory_space<vmem>>) target_semaphore(%run_scoped3A : memref<!tpu.dma_semaphore, #tpu.memory_space<semaphore_mem>>)
        %dma_wait3A = tpu.memref_slice %arg2[%add3A_90] : memref<327680xi32, #tpu.memory_space<hbm>> -> memref<128xi32, #tpu.memory_space<hbm>>
        %dma_wait3A_203 = tpu.memref_slice %arg2[%add3A_90] : memref<327680xi32, #tpu.memory_space<hbm>> -> memref<128xi32, #tpu.memory_space<hbm>>
        tpu.wait_dma2 semaphore(%run_scoped3A : memref<!tpu.dma_semaphore, #tpu.memory_space<semaphore_mem>>) src(%dma_wait3A_203 : memref<128xi32, #tpu.memory_space<hbm>>) dst(%arg11 : memref<128xi32, #tpu.memory_space<vmem>>)
        tpu.yield
      }) : () -> ()
      "tpu.region"() ({
        %run_scoped3A = tpu.sem_alloc : memref<!tpu.dma_semaphore, #tpu.memory_space<semaphore_mem>>
        %dma_start3A = tpu.memref_slice %arg4[%add3A_90] : memref<327680xi32, #tpu.memory_space<hbm>> -> memref<128xi32, #tpu.memory_space<hbm>>
        %dma_start3A_202 = tpu.memref_slice %arg4[%add3A_90] : memref<327680xi32, #tpu.memory_space<hbm>> -> memref<128xi32, #tpu.memory_space<hbm>>
        tpu.enqueue_dma source(%dma_start3A_202 : memref<128xi32, #tpu.memory_space<hbm>>) target(%arg13 : memref<128xi32, #tpu.memory_space<vmem>>) target_semaphore(%run_scoped3A : memref<!tpu.dma_semaphore, #tpu.memory_space<semaphore_mem>>)
        %dma_wait3A = tpu.memref_slice %arg4[%add3A_90] : memref<327680xi32, #tpu.memory_space<hbm>> -> memref<128xi32, #tpu.memory_space<hbm>>
        %dma_wait3A_203 = tpu.memref_slice %arg4[%add3A_90] : memref<327680xi32, #tpu.memory_space<hbm>> -> memref<128xi32, #tpu.memory_space<hbm>>
        tpu.wait_dma2 semaphore(%run_scoped3A : memref<!tpu.dma_semaphore, #tpu.memory_space<semaphore_mem>>) src(%dma_wait3A_203 : memref<128xi32, #tpu.memory_space<hbm>>) dst(%arg13 : memref<128xi32, #tpu.memory_space<vmem>>)
        tpu.yield
      }) : () -> ()
      %get3A = arith.constant 0 : index
      %get3A_91 = tpu.vector_load %arg11[%get3A] {strides = array<i32>} : memref<128xi32, #tpu.memory_space<vmem>>, vector<16xi32>,
      %get3A_92 = vector.shape_cast %get3A_91 : vector<16xi32> to vector<16xi32>
      %mul3A_93 = arith.constant 25 : i32
      %mul3A_94 = vector.broadcast %mul3A_93 : i32 to vector<16xi32>
      %mul3A_95 = arith.muli %get3A_92, %mul3A_94 : vector<16xi32>
      %get3A_96 = arith.constant 0 : index
      %get3A_97 = tpu.vector_load %arg13[%get3A_96] {strides = array<i32>} : memref<128xi32, #tpu.memory_space<vmem>>, vector<16xi32>,
      %get3A_98 = vector.shape_cast %get3A_97 : vector<16xi32> to vector<16xi32>
      %add3A_99 = arith.addi %mul3A_95, %get3A_98 : vector<16xi32>
      %swap3A_100 = arith.constant 0 : index
      %swap3A_101 = tpu.vector_load %arg14[%swap3A_100] {strides = array<i32>} : memref<128xi32, #tpu.memory_space<vmem>>, vector<16xi32>,
      %swap3A_102 = vector.shape_cast %swap3A_101 : vector<16xi32> to vector<16xi32>
      %swap3A_103 = vector.shape_cast %add3A_99 : vector<16xi32> to vector<16xi32>
      tpu.vector_store %arg14[%swap3A_100], %swap3A_103 {strides = array<i32>} : memref<128xi32, #tpu.memory_space<vmem>>, vector<16xi32>,
      %get3A_104 = arith.constant 16 : index
      %get3A_105 = tpu.vector_load %arg11[%get3A_104] {strides = array<i32>} : memref<128xi32, #tpu.memory_space<vmem>>, vector<16xi32>,
      %get3A_106 = vector.shape_cast %get3A_105 : vector<16xi32> to vector<16xi32>
      %mul3A_107 = arith.constant 25 : i32
      %mul3A_108 = vector.broadcast %mul3A_107 : i32 to vector<16xi32>
      %mul3A_109 = arith.muli %get3A_106, %mul3A_108 : vector<16xi32>
      %get3A_110 = arith.constant 16 : index
      %get3A_111 = tpu.vector_load %arg13[%get3A_110] {strides = array<i32>} : memref<128xi32, #tpu.memory_space<vmem>>, vector<16xi32>,
      %get3A_112 = vector.shape_cast %get3A_111 : vector<16xi32> to vector<16xi32>
      %add3A_113 = arith.addi %mul3A_109, %get3A_112 : vector<16xi32>
      %swap3A_114 = arith.constant 16 : index
      %swap3A_115 = tpu.vector_load %arg14[%swap3A_114] {strides = array<i32>} : memref<128xi32, #tpu.memory_space<vmem>>, vector<16xi32>,
      %swap3A_116 = vector.shape_cast %swap3A_115 : vector<16xi32> to vector<16xi32>
      %swap3A_117 = vector.shape_cast %add3A_113 : vector<16xi32> to vector<16xi32>
      tpu.vector_store %arg14[%swap3A_114], %swap3A_117 {strides = array<i32>} : memref<128xi32, #tpu.memory_space<vmem>>, vector<16xi32>,
      %get3A_118 = arith.constant 32 : index
      %get3A_119 = tpu.vector_load %arg11[%get3A_118] {strides = array<i32>} : memref<128xi32, #tpu.memory_space<vmem>>, vector<16xi32>,
      %get3A_120 = vector.shape_cast %get3A_119 : vector<16xi32> to vector<16xi32>
      %mul3A_121 = arith.constant 25 : i32
      %mul3A_122 = vector.broadcast %mul3A_121 : i32 to vector<16xi32>
      %mul3A_123 = arith.muli %get3A_120, %mul3A_122 : vector<16xi32>
      %get3A_124 = arith.constant 32 : index
      %get3A_125 = tpu.vector_load %arg13[%get3A_124] {strides = array<i32>} : memref<128xi32, #tpu.memory_space<vmem>>, vector<16xi32>,
      %get3A_126 = vector.shape_cast %get3A_125 : vector<16xi32> to vector<16xi32>
      %add3A_127 = arith.addi %mul3A_123, %get3A_126 : vector<16xi32>
      %swap3A_128 = arith.constant 32 : index
      %swap3A_129 = tpu.vector_load %arg14[%swap3A_128] {strides = array<i32>} : memref<128xi32, #tpu.memory_space<vmem>>, vector<16xi32>,
      %swap3A_130 = vector.shape_cast %swap3A_129 : vector<16xi32> to vector<16xi32>
      %swap3A_131 = vector.shape_cast %add3A_127 : vector<16xi32> to vector<16xi32>
      tpu.vector_store %arg14[%swap3A_128], %swap3A_131 {strides = array<i32>} : memref<128xi32, #tpu.memory_space<vmem>>, vector<16xi32>,
      %get3A_132 = arith.constant 48 : index
      %get3A_133 = tpu.vector_load %arg11[%get3A_132] {strides = array<i32>} : memref<128xi32, #tpu.memory_space<vmem>>, vector<16xi32>,
      %get3A_134 = vector.shape_cast %get3A_133 : vector<16xi32> to vector<16xi32>
      %mul3A_135 = arith.constant 25 : i32
      %mul3A_136 = vector.broadcast %mul3A_135 : i32 to vector<16xi32>
      %mul3A_137 = arith.muli %get3A_134, %mul3A_136 : vector<16xi32>
      %get3A_138 = arith.constant 48 : index
      %get3A_139 = tpu.vector_load %arg13[%get3A_138] {strides = array<i32>} : memref<128xi32, #tpu.memory_space<vmem>>, vector<16xi32>,
      %get3A_140 = vector.shape_cast %get3A_139 : vector<16xi32> to vector<16xi32>
      %add3A_141 = arith.addi %mul3A_137, %get3A_140 : vector<16xi32>
      %swap3A_142 = arith.constant 48 : index
      %swap3A_143 = tpu.vector_load %arg14[%swap3A_142] {strides = array<i32>} : memref<128xi32, #tpu.memory_space<vmem>>, vector<16xi32>,
      %swap3A_144 = vector.shape_cast %swap3A_143 : vector<16xi32> to vector<16xi32>
      %swap3A_145 = vector.shape_cast %add3A_141 : vector<16xi32> to vector<16xi32>
      tpu.vector_store %arg14[%swap3A_142], %swap3A_145 {strides = array<i32>} : memref<128xi32, #tpu.memory_space<vmem>>, vector<16xi32>,
      %get3A_146 = arith.constant 64 : index
      %get3A_147 = tpu.vector_load %arg11[%get3A_146] {strides = array<i32>} : memref<128xi32, #tpu.memory_space<vmem>>, vector<16xi32>,
      %get3A_148 = vector.shape_cast %get3A_147 : vector<16xi32> to vector<16xi32>
      %mul3A_149 = arith.constant 25 : i32
      %mul3A_150 = vector.broadcast %mul3A_149 : i32 to vector<16xi32>
      %mul3A_151 = arith.muli %get3A_148, %mul3A_150 : vector<16xi32>
      %get3A_152 = arith.constant 64 : index
      %get3A_153 = tpu.vector_load %arg13[%get3A_152] {strides = array<i32>} : memref<128xi32, #tpu.memory_space<vmem>>, vector<16xi32>,
      %get3A_154 = vector.shape_cast %get3A_153 : vector<16xi32> to vector<16xi32>
      %add3A_155 = arith.addi %mul3A_151, %get3A_154 : vector<16xi32>
      %swap3A_156 = arith.constant 64 : index
      %swap3A_157 = tpu.vector_load %arg14[%swap3A_156] {strides = array<i32>} : memref<128xi32, #tpu.memory_space<vmem>>, vector<16xi32>,
      %swap3A_158 = vector.shape_cast %swap3A_157 : vector<16xi32> to vector<16xi32>
      %swap3A_159 = vector.shape_cast %add3A_155 : vector<16xi32> to vector<16xi32>
      tpu.vector_store %arg14[%swap3A_156], %swap3A_159 {strides = array<i32>} : memref<128xi32, #tpu.memory_space<vmem>>, vector<16xi32>,
      %get3A_160 = arith.constant 80 : index
      %get3A_161 = tpu.vector_load %arg11[%get3A_160] {strides = array<i32>} : memref<128xi32, #tpu.memory_space<vmem>>, vector<16xi32>,
      %get3A_162 = vector.shape_cast %get3A_161 : vector<16xi32> to vector<16xi32>
      %mul3A_163 = arith.constant 25 : i32
      %mul3A_164 = vector.broadcast %mul3A_163 : i32 to vector<16xi32>
      %mul3A_165 = arith.muli %get3A_162, %mul3A_164 : vector<16xi32>
      %get3A_166 = arith.constant 80 : index
      %get3A_167 = tpu.vector_load %arg13[%get3A_166] {strides = array<i32>} : memref<128xi32, #tpu.memory_space<vmem>>, vector<16xi32>,
      %get3A_168 = vector.shape_cast %get3A_167 : vector<16xi32> to vector<16xi32>
      %add3A_169 = arith.addi %mul3A_165, %get3A_168 : vector<16xi32>
      %swap3A_170 = arith.constant 80 : index
      %swap3A_171 = tpu.vector_load %arg14[%swap3A_170] {strides = array<i32>} : memref<128xi32, #tpu.memory_space<vmem>>, vector<16xi32>,
      %swap3A_172 = vector.shape_cast %swap3A_171 : vector<16xi32> to vector<16xi32>
      %swap3A_173 = vector.shape_cast %add3A_169 : vector<16xi32> to vector<16xi32>
      tpu.vector_store %arg14[%swap3A_170], %swap3A_173 {strides = array<i32>} : memref<128xi32, #tpu.memory_space<vmem>>, vector<16xi32>,
      %get3A_174 = arith.constant 96 : index
      %get3A_175 = tpu.vector_load %arg11[%get3A_174] {strides = array<i32>} : memref<128xi32, #tpu.memory_space<vmem>>, vector<16xi32>,
      %get3A_176 = vector.shape_cast %get3A_175 : vector<16xi32> to vector<16xi32>
      %mul3A_177 = arith.constant 25 : i32
      %mul3A_178 = vector.broadcast %mul3A_177 : i32 to vector<16xi32>
      %mul3A_179 = arith.muli %get3A_176, %mul3A_178 : vector<16xi32>
      %get3A_180 = arith.constant 96 : index
      %get3A_181 = tpu.vector_load %arg13[%get3A_180] {strides = array<i32>} : memref<128xi32, #tpu.memory_space<vmem>>, vector<16xi32>,
      %get3A_182 = vector.shape_cast %get3A_181 : vector<16xi32> to vector<16xi32>
      %add3A_183 = arith.addi %mul3A_179, %get3A_182 : vector<16xi32>
      %swap3A_184 = arith.constant 96 : index
      %swap3A_185 = tpu.vector_load %arg14[%swap3A_184] {strides = array<i32>} : memref<128xi32, #tpu.memory_space<vmem>>, vector<16xi32>,
      %swap3A_186 = vector.shape_cast %swap3A_185 : vector<16xi32> to vector<16xi32>
      %swap3A_187 = vector.shape_cast %add3A_183 : vector<16xi32> to vector<16xi32>
      tpu.vector_store %arg14[%swap3A_184], %swap3A_187 {strides = array<i32>} : memref<128xi32, #tpu.memory_space<vmem>>, vector<16xi32>,
      %get3A_188 = arith.constant 112 : index
      %get3A_189 = tpu.vector_load %arg11[%get3A_188] {strides = array<i32>} : memref<128xi32, #tpu.memory_space<vmem>>, vector<16xi32>,
      %get3A_190 = vector.shape_cast %get3A_189 : vector<16xi32> to vector<16xi32>
      %mul3A_191 = arith.constant 25 : i32
      %mul3A_192 = vector.broadcast %mul3A_191 : i32 to vector<16xi32>
      %mul3A_193 = arith.muli %get3A_190, %mul3A_192 : vector<16xi32>
      %get3A_194 = arith.constant 112 : index
      %get3A_195 = tpu.vector_load %arg13[%get3A_194] {strides = array<i32>} : memref<128xi32, #tpu.memory_space<vmem>>, vector<16xi32>,
      %get3A_196 = vector.shape_cast %get3A_195 : vector<16xi32> to vector<16xi32>
      %add3A_197 = arith.addi %mul3A_193, %get3A_196 : vector<16xi32>
      %swap3A_198 = arith.constant 112 : index
      %swap3A_199 = tpu.vector_load %arg14[%swap3A_198] {strides = array<i32>} : memref<128xi32, #tpu.memory_space<vmem>>, vector<16xi32>,
      %swap3A_200 = vector.shape_cast %swap3A_199 : vector<16xi32> to vector<16xi32>
      %swap3A_201 = vector.shape_cast %add3A_197 : vector<16xi32> to vector<16xi32>
      tpu.vector_store %arg14[%swap3A_198], %swap3A_201 {strides = array<i32>} : memref<128xi32, #tpu.memory_space<vmem>>, vector<16xi32>,
      "tpu.region"() ({
        %run_scoped3A = tpu.sem_alloc : memref<!tpu.dma_semaphore, #tpu.memory_space<semaphore_mem>>
        %dma_start3A = arith.constant 0 : i32
        %dma_start3A_202 = tpu.memref_slice %arg7[%dma_start3A] : memref<256000xf32, #tpu.memory_space<vmem_shared>> -> memref<256000xf32, #tpu.memory_space<vmem_shared>>
        tpu.enqueue_indirect_dma source(%arg17 : memref<128xf32, #tpu.memory_space<vmem>>) target(%dma_start3A_202 : memref<256000xf32, #tpu.memory_space<vmem_shared>>) offsets(%arg14 : memref<128xi32, #tpu.memory_space<vmem>>) semaphore(%run_scoped3A : memref<!tpu.dma_semaphore, #tpu.memory_space<semaphore_mem>>) {add = true}
        %dma_wait3A = arith.constant 0 : i32
        %dma_wait3A_203 = tpu.memref_slice %arg7[%dma_wait3A] : memref<256000xf32, #tpu.memory_space<vmem_shared>> -> memref<256000xf32, #tpu.memory_space<vmem_shared>>
        tpu.wait_indirect_dma semaphore(%run_scoped3A : memref<!tpu.dma_semaphore, #tpu.memory_space<semaphore_mem>>) src(%arg17 : memref<128xf32, #tpu.memory_space<vmem>>) dst(%dma_wait3A_203 : memref<256000xf32, #tpu.memory_space<vmem_shared>>)
        tpu.yield
      }) : () -> ()
    }
    %scan3A_62 = arith.constant 160 : i32
    %barrier3A_63 = arith.constant 0 : index
    tpu.barrier barrier_id(%barrier3A_63)
    %mul3A = arith.constant 16 : i32
    %mul3A_64 = arith.muli %arg0, %mul3A : i32
    %add3A = arith.addi %mul3A_64, %arg1 : i32
    %mul3A_65 = arith.constant 10240 : i32
    %mul3A_66 = arith.muli %add3A, %mul3A_65 : i32
    %scan3A_67 = arith.constant 0 : i32
    %scan3A_68 = arith.constant 0 : i32
    %scan3A_69 = arith.constant 80 : i32
    %scan3A_70 = arith.addi %scan3A_68, %scan3A_69 : i32
    %scan3A_71 = arith.constant 1 : i32
    scf.for %scan3A_85 = %scan3A_68 to %scan3A_70 step %scan3A_71  : i32 {
      %mul3A_86 = arith.constant 128 : i32
      %mul3A_87 = arith.muli %scan3A_85, %mul3A_86 : i32
      %add3A_88 = arith.addi %mul3A_66, %mul3A_87 : i32
      "tpu.region"() ({
        %run_scoped3A = tpu.sem_alloc : memref<!tpu.dma_semaphore, #tpu.memory_space<semaphore_mem>>
        %dma_start3A_385 = tpu.memref_slice %arg2[%add3A_88] : memref<327680xi32, #tpu.memory_space<hbm>> -> memref<128xi32, #tpu.memory_space<hbm>>
        %dma_start3A_386 = tpu.memref_slice %arg2[%add3A_88] : memref<327680xi32, #tpu.memory_space<hbm>> -> memref<128xi32, #tpu.memory_space<hbm>>
        tpu.enqueue_dma source(%dma_start3A_386 : memref<128xi32, #tpu.memory_space<hbm>>) target(%arg11 : memref<128xi32, #tpu.memory_space<vmem>>) target_semaphore(%run_scoped3A : memref<!tpu.dma_semaphore, #tpu.memory_space<semaphore_mem>>)
        %dma_wait3A_387 = tpu.memref_slice %arg2[%add3A_88] : memref<327680xi32, #tpu.memory_space<hbm>> -> memref<128xi32, #tpu.memory_space<hbm>>
        %dma_wait3A_388 = tpu.memref_slice %arg2[%add3A_88] : memref<327680xi32, #tpu.memory_space<hbm>> -> memref<128xi32, #tpu.memory_space<hbm>>
        tpu.wait_dma2 semaphore(%run_scoped3A : memref<!tpu.dma_semaphore, #tpu.memory_space<semaphore_mem>>) src(%dma_wait3A_388 : memref<128xi32, #tpu.memory_space<hbm>>) dst(%arg11 : memref<128xi32, #tpu.memory_space<vmem>>)
        tpu.yield
      }) : () -> ()
      "tpu.region"() ({
        %run_scoped3A = tpu.sem_alloc : memref<!tpu.dma_semaphore, #tpu.memory_space<semaphore_mem>>
        %dma_start3A_385 = tpu.memref_slice %arg3[%add3A_88] : memref<327680xi32, #tpu.memory_space<hbm>> -> memref<128xi32, #tpu.memory_space<hbm>>
        %dma_start3A_386 = tpu.memref_slice %arg3[%add3A_88] : memref<327680xi32, #tpu.memory_space<hbm>> -> memref<128xi32, #tpu.memory_space<hbm>>
        tpu.enqueue_dma source(%dma_start3A_386 : memref<128xi32, #tpu.memory_space<hbm>>) target(%arg12 : memref<128xi32, #tpu.memory_space<vmem>>) target_semaphore(%run_scoped3A : memref<!tpu.dma_semaphore, #tpu.memory_space<semaphore_mem>>)
        %dma_wait3A_387 = tpu.memref_slice %arg3[%add3A_88] : memref<327680xi32, #tpu.memory_space<hbm>> -> memref<128xi32, #tpu.memory_space<hbm>>
        %dma_wait3A_388 = tpu.memref_slice %arg3[%add3A_88] : memref<327680xi32, #tpu.memory_space<hbm>> -> memref<128xi32, #tpu.memory_space<hbm>>
        tpu.wait_dma2 semaphore(%run_scoped3A : memref<!tpu.dma_semaphore, #tpu.memory_space<semaphore_mem>>) src(%dma_wait3A_388 : memref<128xi32, #tpu.memory_space<hbm>>) dst(%arg12 : memref<128xi32, #tpu.memory_space<vmem>>)
        tpu.yield
      }) : () -> ()
      "tpu.region"() ({
        %run_scoped3A = tpu.sem_alloc : memref<!tpu.dma_semaphore, #tpu.memory_space<semaphore_mem>>
        %dma_start3A_385 = tpu.memref_slice %arg4[%add3A_88] : memref<327680xi32, #tpu.memory_space<hbm>> -> memref<128xi32, #tpu.memory_space<hbm>>
        %dma_start3A_386 = tpu.memref_slice %arg4[%add3A_88] : memref<327680xi32, #tpu.memory_space<hbm>> -> memref<128xi32, #tpu.memory_space<hbm>>
        tpu.enqueue_dma source(%dma_start3A_386 : memref<128xi32, #tpu.memory_space<hbm>>) target(%arg13 : memref<128xi32, #tpu.memory_space<vmem>>) target_semaphore(%run_scoped3A : memref<!tpu.dma_semaphore, #tpu.memory_space<semaphore_mem>>)
        %dma_wait3A_387 = tpu.memref_slice %arg4[%add3A_88] : memref<327680xi32, #tpu.memory_space<hbm>> -> memref<128xi32, #tpu.memory_space<hbm>>
        %dma_wait3A_388 = tpu.memref_slice %arg4[%add3A_88] : memref<327680xi32, #tpu.memory_space<hbm>> -> memref<128xi32, #tpu.memory_space<hbm>>
        tpu.wait_dma2 semaphore(%run_scoped3A : memref<!tpu.dma_semaphore, #tpu.memory_space<semaphore_mem>>) src(%dma_wait3A_388 : memref<128xi32, #tpu.memory_space<hbm>>) dst(%arg13 : memref<128xi32, #tpu.memory_space<vmem>>)
        tpu.yield
      }) : () -> ()
      %get3A = arith.constant 0 : index
      %get3A_89 = tpu.vector_load %arg11[%get3A] {strides = array<i32>} : memref<128xi32, #tpu.memory_space<vmem>>, vector<16xi32>,
      %get3A_90 = vector.shape_cast %get3A_89 : vector<16xi32> to vector<16xi32>
      %mul3A_91 = arith.constant 25 : i32
      %mul3A_92 = vector.broadcast %mul3A_91 : i32 to vector<16xi32>
      %mul3A_93 = arith.muli %get3A_90, %mul3A_92 : vector<16xi32>
      %get3A_94 = arith.constant 0 : index
      %get3A_95 = tpu.vector_load %arg13[%get3A_94] {strides = array<i32>} : memref<128xi32, #tpu.memory_space<vmem>>, vector<16xi32>,
      %get3A_96 = vector.shape_cast %get3A_95 : vector<16xi32> to vector<16xi32>
      %add3A_97 = arith.addi %mul3A_93, %get3A_96 : vector<16xi32>
      %swap3A_98 = arith.constant 0 : index
      %swap3A_99 = tpu.vector_load %arg14[%swap3A_98] {strides = array<i32>} : memref<128xi32, #tpu.memory_space<vmem>>, vector<16xi32>,
      %swap3A_100 = vector.shape_cast %swap3A_99 : vector<16xi32> to vector<16xi32>
      %swap3A_101 = vector.shape_cast %add3A_97 : vector<16xi32> to vector<16xi32>
      tpu.vector_store %arg14[%swap3A_98], %swap3A_101 {strides = array<i32>} : memref<128xi32, #tpu.memory_space<vmem>>, vector<16xi32>,
      %get3A_102 = arith.constant 0 : index
      %get3A_103 = tpu.vector_load %arg12[%get3A_102] {strides = array<i32>} : memref<128xi32, #tpu.memory_space<vmem>>, vector<16xi32>,
      %get3A_104 = vector.shape_cast %get3A_103 : vector<16xi32> to vector<16xi32>
      %mul3A_105 = arith.constant 25 : i32
      %mul3A_106 = vector.broadcast %mul3A_105 : i32 to vector<16xi32>
      %mul3A_107 = arith.muli %get3A_104, %mul3A_106 : vector<16xi32>
      %get3A_108 = arith.constant 0 : index
      %get3A_109 = tpu.vector_load %arg13[%get3A_108] {strides = array<i32>} : memref<128xi32, #tpu.memory_space<vmem>>, vector<16xi32>,
      %get3A_110 = vector.shape_cast %get3A_109 : vector<16xi32> to vector<16xi32>
      %add3A_111 = arith.addi %mul3A_107, %get3A_110 : vector<16xi32>
      %swap3A_112 = arith.constant 0 : index
      %swap3A_113 = tpu.vector_load %arg15[%swap3A_112] {strides = array<i32>} : memref<128xi32, #tpu.memory_space<vmem>>, vector<16xi32>,
      %swap3A_114 = vector.shape_cast %swap3A_113 : vector<16xi32> to vector<16xi32>
      %swap3A_115 = vector.shape_cast %add3A_111 : vector<16xi32> to vector<16xi32>
      tpu.vector_store %arg15[%swap3A_112], %swap3A_115 {strides = array<i32>} : memref<128xi32, #tpu.memory_space<vmem>>, vector<16xi32>,
      %get3A_116 = arith.constant 16 : index
      %get3A_117 = tpu.vector_load %arg11[%get3A_116] {strides = array<i32>} : memref<128xi32, #tpu.memory_space<vmem>>, vector<16xi32>,
      %get3A_118 = vector.shape_cast %get3A_117 : vector<16xi32> to vector<16xi32>
      %mul3A_119 = arith.constant 25 : i32
      %mul3A_120 = vector.broadcast %mul3A_119 : i32 to vector<16xi32>
      %mul3A_121 = arith.muli %get3A_118, %mul3A_120 : vector<16xi32>
      %get3A_122 = arith.constant 16 : index
      %get3A_123 = tpu.vector_load %arg13[%get3A_122] {strides = array<i32>} : memref<128xi32, #tpu.memory_space<vmem>>, vector<16xi32>,
      %get3A_124 = vector.shape_cast %get3A_123 : vector<16xi32> to vector<16xi32>
      %add3A_125 = arith.addi %mul3A_121, %get3A_124 : vector<16xi32>
      %swap3A_126 = arith.constant 16 : index
      %swap3A_127 = tpu.vector_load %arg14[%swap3A_126] {strides = array<i32>} : memref<128xi32, #tpu.memory_space<vmem>>, vector<16xi32>,
      %swap3A_128 = vector.shape_cast %swap3A_127 : vector<16xi32> to vector<16xi32>
      %swap3A_129 = vector.shape_cast %add3A_125 : vector<16xi32> to vector<16xi32>
      tpu.vector_store %arg14[%swap3A_126], %swap3A_129 {strides = array<i32>} : memref<128xi32, #tpu.memory_space<vmem>>, vector<16xi32>,
      %get3A_130 = arith.constant 16 : index
      %get3A_131 = tpu.vector_load %arg12[%get3A_130] {strides = array<i32>} : memref<128xi32, #tpu.memory_space<vmem>>, vector<16xi32>,
      %get3A_132 = vector.shape_cast %get3A_131 : vector<16xi32> to vector<16xi32>
      %mul3A_133 = arith.constant 25 : i32
      %mul3A_134 = vector.broadcast %mul3A_133 : i32 to vector<16xi32>
      %mul3A_135 = arith.muli %get3A_132, %mul3A_134 : vector<16xi32>
      %get3A_136 = arith.constant 16 : index
      %get3A_137 = tpu.vector_load %arg13[%get3A_136] {strides = array<i32>} : memref<128xi32, #tpu.memory_space<vmem>>, vector<16xi32>,
      %get3A_138 = vector.shape_cast %get3A_137 : vector<16xi32> to vector<16xi32>
      %add3A_139 = arith.addi %mul3A_135, %get3A_138 : vector<16xi32>
      %swap3A_140 = arith.constant 16 : index
      %swap3A_141 = tpu.vector_load %arg15[%swap3A_140] {strides = array<i32>} : memref<128xi32, #tpu.memory_space<vmem>>, vector<16xi32>,
      %swap3A_142 = vector.shape_cast %swap3A_141 : vector<16xi32> to vector<16xi32>
      %swap3A_143 = vector.shape_cast %add3A_139 : vector<16xi32> to vector<16xi32>
      tpu.vector_store %arg15[%swap3A_140], %swap3A_143 {strides = array<i32>} : memref<128xi32, #tpu.memory_space<vmem>>, vector<16xi32>,
      %get3A_144 = arith.constant 32 : index
      %get3A_145 = tpu.vector_load %arg11[%get3A_144] {strides = array<i32>} : memref<128xi32, #tpu.memory_space<vmem>>, vector<16xi32>,
      %get3A_146 = vector.shape_cast %get3A_145 : vector<16xi32> to vector<16xi32>
      %mul3A_147 = arith.constant 25 : i32
      %mul3A_148 = vector.broadcast %mul3A_147 : i32 to vector<16xi32>
      %mul3A_149 = arith.muli %get3A_146, %mul3A_148 : vector<16xi32>
      %get3A_150 = arith.constant 32 : index
      %get3A_151 = tpu.vector_load %arg13[%get3A_150] {strides = array<i32>} : memref<128xi32, #tpu.memory_space<vmem>>, vector<16xi32>,
      %get3A_152 = vector.shape_cast %get3A_151 : vector<16xi32> to vector<16xi32>
      %add3A_153 = arith.addi %mul3A_149, %get3A_152 : vector<16xi32>
      %swap3A_154 = arith.constant 32 : index
      %swap3A_155 = tpu.vector_load %arg14[%swap3A_154] {strides = array<i32>} : memref<128xi32, #tpu.memory_space<vmem>>, vector<16xi32>,
      %swap3A_156 = vector.shape_cast %swap3A_155 : vector<16xi32> to vector<16xi32>
      %swap3A_157 = vector.shape_cast %add3A_153 : vector<16xi32> to vector<16xi32>
      tpu.vector_store %arg14[%swap3A_154], %swap3A_157 {strides = array<i32>} : memref<128xi32, #tpu.memory_space<vmem>>, vector<16xi32>,
      %get3A_158 = arith.constant 32 : index
      %get3A_159 = tpu.vector_load %arg12[%get3A_158] {strides = array<i32>} : memref<128xi32, #tpu.memory_space<vmem>>, vector<16xi32>,
      %get3A_160 = vector.shape_cast %get3A_159 : vector<16xi32> to vector<16xi32>
      %mul3A_161 = arith.constant 25 : i32
      %mul3A_162 = vector.broadcast %mul3A_161 : i32 to vector<16xi32>
      %mul3A_163 = arith.muli %get3A_160, %mul3A_162 : vector<16xi32>
      %get3A_164 = arith.constant 32 : index
      %get3A_165 = tpu.vector_load %arg13[%get3A_164] {strides = array<i32>} : memref<128xi32, #tpu.memory_space<vmem>>, vector<16xi32>,
      %get3A_166 = vector.shape_cast %get3A_165 : vector<16xi32> to vector<16xi32>
      %add3A_167 = arith.addi %mul3A_163, %get3A_166 : vector<16xi32>
      %swap3A_168 = arith.constant 32 : index
      %swap3A_169 = tpu.vector_load %arg15[%swap3A_168] {strides = array<i32>} : memref<128xi32, #tpu.memory_space<vmem>>, vector<16xi32>,
      %swap3A_170 = vector.shape_cast %swap3A_169 : vector<16xi32> to vector<16xi32>
      %swap3A_171 = vector.shape_cast %add3A_167 : vector<16xi32> to vector<16xi32>
      tpu.vector_store %arg15[%swap3A_168], %swap3A_171 {strides = array<i32>} : memref<128xi32, #tpu.memory_space<vmem>>, vector<16xi32>,
      %get3A_172 = arith.constant 48 : index
      %get3A_173 = tpu.vector_load %arg11[%get3A_172] {strides = array<i32>} : memref<128xi32, #tpu.memory_space<vmem>>, vector<16xi32>,
      %get3A_174 = vector.shape_cast %get3A_173 : vector<16xi32> to vector<16xi32>
      %mul3A_175 = arith.constant 25 : i32
      %mul3A_176 = vector.broadcast %mul3A_175 : i32 to vector<16xi32>
      %mul3A_177 = arith.muli %get3A_174, %mul3A_176 : vector<16xi32>
      %get3A_178 = arith.constant 48 : index
      %get3A_179 = tpu.vector_load %arg13[%get3A_178] {strides = array<i32>} : memref<128xi32, #tpu.memory_space<vmem>>, vector<16xi32>,
      %get3A_180 = vector.shape_cast %get3A_179 : vector<16xi32> to vector<16xi32>
      %add3A_181 = arith.addi %mul3A_177, %get3A_180 : vector<16xi32>
      %swap3A_182 = arith.constant 48 : index
      %swap3A_183 = tpu.vector_load %arg14[%swap3A_182] {strides = array<i32>} : memref<128xi32, #tpu.memory_space<vmem>>, vector<16xi32>,
      %swap3A_184 = vector.shape_cast %swap3A_183 : vector<16xi32> to vector<16xi32>
      %swap3A_185 = vector.shape_cast %add3A_181 : vector<16xi32> to vector<16xi32>
      tpu.vector_store %arg14[%swap3A_182], %swap3A_185 {strides = array<i32>} : memref<128xi32, #tpu.memory_space<vmem>>, vector<16xi32>,
      %get3A_186 = arith.constant 48 : index
      %get3A_187 = tpu.vector_load %arg12[%get3A_186] {strides = array<i32>} : memref<128xi32, #tpu.memory_space<vmem>>, vector<16xi32>,
      %get3A_188 = vector.shape_cast %get3A_187 : vector<16xi32> to vector<16xi32>
      %mul3A_189 = arith.constant 25 : i32
      %mul3A_190 = vector.broadcast %mul3A_189 : i32 to vector<16xi32>
      %mul3A_191 = arith.muli %get3A_188, %mul3A_190 : vector<16xi32>
      %get3A_192 = arith.constant 48 : index
      %get3A_193 = tpu.vector_load %arg13[%get3A_192] {strides = array<i32>} : memref<128xi32, #tpu.memory_space<vmem>>, vector<16xi32>,
      %get3A_194 = vector.shape_cast %get3A_193 : vector<16xi32> to vector<16xi32>
      %add3A_195 = arith.addi %mul3A_191, %get3A_194 : vector<16xi32>
      %swap3A_196 = arith.constant 48 : index
      %swap3A_197 = tpu.vector_load %arg15[%swap3A_196] {strides = array<i32>} : memref<128xi32, #tpu.memory_space<vmem>>, vector<16xi32>,
      %swap3A_198 = vector.shape_cast %swap3A_197 : vector<16xi32> to vector<16xi32>
      %swap3A_199 = vector.shape_cast %add3A_195 : vector<16xi32> to vector<16xi32>
      tpu.vector_store %arg15[%swap3A_196], %swap3A_199 {strides = array<i32>} : memref<128xi32, #tpu.memory_space<vmem>>, vector<16xi32>,
      %get3A_200 = arith.constant 64 : index
      %get3A_201 = tpu.vector_load %arg11[%get3A_200] {strides = array<i32>} : memref<128xi32, #tpu.memory_space<vmem>>, vector<16xi32>,
      %get3A_202 = vector.shape_cast %get3A_201 : vector<16xi32> to vector<16xi32>
      %mul3A_203 = arith.constant 25 : i32
      %mul3A_204 = vector.broadcast %mul3A_203 : i32 to vector<16xi32>
      %mul3A_205 = arith.muli %get3A_202, %mul3A_204 : vector<16xi32>
      %get3A_206 = arith.constant 64 : index
      %get3A_207 = tpu.vector_load %arg13[%get3A_206] {strides = array<i32>} : memref<128xi32, #tpu.memory_space<vmem>>, vector<16xi32>,
      %get3A_208 = vector.shape_cast %get3A_207 : vector<16xi32> to vector<16xi32>
      %add3A_209 = arith.addi %mul3A_205, %get3A_208 : vector<16xi32>
      %swap3A_210 = arith.constant 64 : index
      %swap3A_211 = tpu.vector_load %arg14[%swap3A_210] {strides = array<i32>} : memref<128xi32, #tpu.memory_space<vmem>>, vector<16xi32>,
      %swap3A_212 = vector.shape_cast %swap3A_211 : vector<16xi32> to vector<16xi32>
      %swap3A_213 = vector.shape_cast %add3A_209 : vector<16xi32> to vector<16xi32>
      tpu.vector_store %arg14[%swap3A_210], %swap3A_213 {strides = array<i32>} : memref<128xi32, #tpu.memory_space<vmem>>, vector<16xi32>,
      %get3A_214 = arith.constant 64 : index
      %get3A_215 = tpu.vector_load %arg12[%get3A_214] {strides = array<i32>} : memref<128xi32, #tpu.memory_space<vmem>>, vector<16xi32>,
      %get3A_216 = vector.shape_cast %get3A_215 : vector<16xi32> to vector<16xi32>
      %mul3A_217 = arith.constant 25 : i32
      %mul3A_218 = vector.broadcast %mul3A_217 : i32 to vector<16xi32>
      %mul3A_219 = arith.muli %get3A_216, %mul3A_218 : vector<16xi32>
      %get3A_220 = arith.constant 64 : index
      %get3A_221 = tpu.vector_load %arg13[%get3A_220] {strides = array<i32>} : memref<128xi32, #tpu.memory_space<vmem>>, vector<16xi32>,
      %get3A_222 = vector.shape_cast %get3A_221 : vector<16xi32> to vector<16xi32>
      %add3A_223 = arith.addi %mul3A_219, %get3A_222 : vector<16xi32>
      %swap3A_224 = arith.constant 64 : index
      %swap3A_225 = tpu.vector_load %arg15[%swap3A_224] {strides = array<i32>} : memref<128xi32, #tpu.memory_space<vmem>>, vector<16xi32>,
      %swap3A_226 = vector.shape_cast %swap3A_225 : vector<16xi32> to vector<16xi32>
      %swap3A_227 = vector.shape_cast %add3A_223 : vector<16xi32> to vector<16xi32>
      tpu.vector_store %arg15[%swap3A_224], %swap3A_227 {strides = array<i32>} : memref<128xi32, #tpu.memory_space<vmem>>, vector<16xi32>,
      %get3A_228 = arith.constant 80 : index
      %get3A_229 = tpu.vector_load %arg11[%get3A_228] {strides = array<i32>} : memref<128xi32, #tpu.memory_space<vmem>>, vector<16xi32>,
      %get3A_230 = vector.shape_cast %get3A_229 : vector<16xi32> to vector<16xi32>
      %mul3A_231 = arith.constant 25 : i32
      %mul3A_232 = vector.broadcast %mul3A_231 : i32 to vector<16xi32>
      %mul3A_233 = arith.muli %get3A_230, %mul3A_232 : vector<16xi32>
      %get3A_234 = arith.constant 80 : index
      %get3A_235 = tpu.vector_load %arg13[%get3A_234] {strides = array<i32>} : memref<128xi32, #tpu.memory_space<vmem>>, vector<16xi32>,
      %get3A_236 = vector.shape_cast %get3A_235 : vector<16xi32> to vector<16xi32>
      %add3A_237 = arith.addi %mul3A_233, %get3A_236 : vector<16xi32>
      %swap3A_238 = arith.constant 80 : index
      %swap3A_239 = tpu.vector_load %arg14[%swap3A_238] {strides = array<i32>} : memref<128xi32, #tpu.memory_space<vmem>>, vector<16xi32>,
      %swap3A_240 = vector.shape_cast %swap3A_239 : vector<16xi32> to vector<16xi32>
      %swap3A_241 = vector.shape_cast %add3A_237 : vector<16xi32> to vector<16xi32>
      tpu.vector_store %arg14[%swap3A_238], %swap3A_241 {strides = array<i32>} : memref<128xi32, #tpu.memory_space<vmem>>, vector<16xi32>,
      %get3A_242 = arith.constant 80 : index
      %get3A_243 = tpu.vector_load %arg12[%get3A_242] {strides = array<i32>} : memref<128xi32, #tpu.memory_space<vmem>>, vector<16xi32>,
      %get3A_244 = vector.shape_cast %get3A_243 : vector<16xi32> to vector<16xi32>
      %mul3A_245 = arith.constant 25 : i32
      %mul3A_246 = vector.broadcast %mul3A_245 : i32 to vector<16xi32>
      %mul3A_247 = arith.muli %get3A_244, %mul3A_246 : vector<16xi32>
      %get3A_248 = arith.constant 80 : index
      %get3A_249 = tpu.vector_load %arg13[%get3A_248] {strides = array<i32>} : memref<128xi32, #tpu.memory_space<vmem>>, vector<16xi32>,
      %get3A_250 = vector.shape_cast %get3A_249 : vector<16xi32> to vector<16xi32>
      %add3A_251 = arith.addi %mul3A_247, %get3A_250 : vector<16xi32>
      %swap3A_252 = arith.constant 80 : index
      %swap3A_253 = tpu.vector_load %arg15[%swap3A_252] {strides = array<i32>} : memref<128xi32, #tpu.memory_space<vmem>>, vector<16xi32>,
      %swap3A_254 = vector.shape_cast %swap3A_253 : vector<16xi32> to vector<16xi32>
      %swap3A_255 = vector.shape_cast %add3A_251 : vector<16xi32> to vector<16xi32>
      tpu.vector_store %arg15[%swap3A_252], %swap3A_255 {strides = array<i32>} : memref<128xi32, #tpu.memory_space<vmem>>, vector<16xi32>,
      %get3A_256 = arith.constant 96 : index
      %get3A_257 = tpu.vector_load %arg11[%get3A_256] {strides = array<i32>} : memref<128xi32, #tpu.memory_space<vmem>>, vector<16xi32>,
      %get3A_258 = vector.shape_cast %get3A_257 : vector<16xi32> to vector<16xi32>
      %mul3A_259 = arith.constant 25 : i32
      %mul3A_260 = vector.broadcast %mul3A_259 : i32 to vector<16xi32>
      %mul3A_261 = arith.muli %get3A_258, %mul3A_260 : vector<16xi32>
      %get3A_262 = arith.constant 96 : index
      %get3A_263 = tpu.vector_load %arg13[%get3A_262] {strides = array<i32>} : memref<128xi32, #tpu.memory_space<vmem>>, vector<16xi32>,
      %get3A_264 = vector.shape_cast %get3A_263 : vector<16xi32> to vector<16xi32>
      %add3A_265 = arith.addi %mul3A_261, %get3A_264 : vector<16xi32>
      %swap3A_266 = arith.constant 96 : index
      %swap3A_267 = tpu.vector_load %arg14[%swap3A_266] {strides = array<i32>} : memref<128xi32, #tpu.memory_space<vmem>>, vector<16xi32>,
      %swap3A_268 = vector.shape_cast %swap3A_267 : vector<16xi32> to vector<16xi32>
      %swap3A_269 = vector.shape_cast %add3A_265 : vector<16xi32> to vector<16xi32>
      tpu.vector_store %arg14[%swap3A_266], %swap3A_269 {strides = array<i32>} : memref<128xi32, #tpu.memory_space<vmem>>, vector<16xi32>,
      %get3A_270 = arith.constant 96 : index
      %get3A_271 = tpu.vector_load %arg12[%get3A_270] {strides = array<i32>} : memref<128xi32, #tpu.memory_space<vmem>>, vector<16xi32>,
      %get3A_272 = vector.shape_cast %get3A_271 : vector<16xi32> to vector<16xi32>
      %mul3A_273 = arith.constant 25 : i32
      %mul3A_274 = vector.broadcast %mul3A_273 : i32 to vector<16xi32>
      %mul3A_275 = arith.muli %get3A_272, %mul3A_274 : vector<16xi32>
      %get3A_276 = arith.constant 96 : index
      %get3A_277 = tpu.vector_load %arg13[%get3A_276] {strides = array<i32>} : memref<128xi32, #tpu.memory_space<vmem>>, vector<16xi32>,
      %get3A_278 = vector.shape_cast %get3A_277 : vector<16xi32> to vector<16xi32>
      %add3A_279 = arith.addi %mul3A_275, %get3A_278 : vector<16xi32>
      %swap3A_280 = arith.constant 96 : index
      %swap3A_281 = tpu.vector_load %arg15[%swap3A_280] {strides = array<i32>} : memref<128xi32, #tpu.memory_space<vmem>>, vector<16xi32>,
      %swap3A_282 = vector.shape_cast %swap3A_281 : vector<16xi32> to vector<16xi32>
      %swap3A_283 = vector.shape_cast %add3A_279 : vector<16xi32> to vector<16xi32>
      tpu.vector_store %arg15[%swap3A_280], %swap3A_283 {strides = array<i32>} : memref<128xi32, #tpu.memory_space<vmem>>, vector<16xi32>,
      %get3A_284 = arith.constant 112 : index
      %get3A_285 = tpu.vector_load %arg11[%get3A_284] {strides = array<i32>} : memref<128xi32, #tpu.memory_space<vmem>>, vector<16xi32>,
      %get3A_286 = vector.shape_cast %get3A_285 : vector<16xi32> to vector<16xi32>
      %mul3A_287 = arith.constant 25 : i32
      %mul3A_288 = vector.broadcast %mul3A_287 : i32 to vector<16xi32>
      %mul3A_289 = arith.muli %get3A_286, %mul3A_288 : vector<16xi32>
      %get3A_290 = arith.constant 112 : index
      %get3A_291 = tpu.vector_load %arg13[%get3A_290] {strides = array<i32>} : memref<128xi32, #tpu.memory_space<vmem>>, vector<16xi32>,
      %get3A_292 = vector.shape_cast %get3A_291 : vector<16xi32> to vector<16xi32>
      %add3A_293 = arith.addi %mul3A_289, %get3A_292 : vector<16xi32>
      %swap3A_294 = arith.constant 112 : index
      %swap3A_295 = tpu.vector_load %arg14[%swap3A_294] {strides = array<i32>} : memref<128xi32, #tpu.memory_space<vmem>>, vector<16xi32>,
      %swap3A_296 = vector.shape_cast %swap3A_295 : vector<16xi32> to vector<16xi32>
      %swap3A_297 = vector.shape_cast %add3A_293 : vector<16xi32> to vector<16xi32>
      tpu.vector_store %arg14[%swap3A_294], %swap3A_297 {strides = array<i32>} : memref<128xi32, #tpu.memory_space<vmem>>, vector<16xi32>,
      %get3A_298 = arith.constant 112 : index
      %get3A_299 = tpu.vector_load %arg12[%get3A_298] {strides = array<i32>} : memref<128xi32, #tpu.memory_space<vmem>>, vector<16xi32>,
      %get3A_300 = vector.shape_cast %get3A_299 : vector<16xi32> to vector<16xi32>
      %mul3A_301 = arith.constant 25 : i32
      %mul3A_302 = vector.broadcast %mul3A_301 : i32 to vector<16xi32>
      %mul3A_303 = arith.muli %get3A_300, %mul3A_302 : vector<16xi32>
      %get3A_304 = arith.constant 112 : index
      %get3A_305 = tpu.vector_load %arg13[%get3A_304] {strides = array<i32>} : memref<128xi32, #tpu.memory_space<vmem>>, vector<16xi32>,
      %get3A_306 = vector.shape_cast %get3A_305 : vector<16xi32> to vector<16xi32>
      %add3A_307 = arith.addi %mul3A_303, %get3A_306 : vector<16xi32>
      %swap3A_308 = arith.constant 112 : index
      %swap3A_309 = tpu.vector_load %arg15[%swap3A_308] {strides = array<i32>} : memref<128xi32, #tpu.memory_space<vmem>>, vector<16xi32>,
      %swap3A_310 = vector.shape_cast %swap3A_309 : vector<16xi32> to vector<16xi32>
      %swap3A_311 = vector.shape_cast %add3A_307 : vector<16xi32> to vector<16xi32>
      tpu.vector_store %arg15[%swap3A_308], %swap3A_311 {strides = array<i32>} : memref<128xi32, #tpu.memory_space<vmem>>, vector<16xi32>,
      "tpu.region"() ({
        %run_scoped3A = tpu.sem_alloc : memref<!tpu.dma_semaphore, #tpu.memory_space<semaphore_mem>>
        %dma_start3A_385 = arith.constant 0 : i32
        %dma_start3A_386 = tpu.memref_slice %arg7[%dma_start3A_385] : memref<256000xf32, #tpu.memory_space<vmem_shared>> -> memref<256000xf32, #tpu.memory_space<vmem_shared>>
        tpu.enqueue_indirect_dma source(%dma_start3A_386 : memref<256000xf32, #tpu.memory_space<vmem_shared>>) target(%arg16 : memref<128xf32, #tpu.memory_space<vmem>>) offsets(%arg14 : memref<128xi32, #tpu.memory_space<vmem>>) semaphore(%run_scoped3A : memref<!tpu.dma_semaphore, #tpu.memory_space<semaphore_mem>>)
        %dma_wait3A_387 = arith.constant 0 : i32
        %dma_wait3A_388 = tpu.memref_slice %arg7[%dma_wait3A_387] : memref<256000xf32, #tpu.memory_space<vmem_shared>> -> memref<256000xf32, #tpu.memory_space<vmem_shared>>
        tpu.wait_indirect_dma semaphore(%run_scoped3A : memref<!tpu.dma_semaphore, #tpu.memory_space<semaphore_mem>>) src(%dma_wait3A_388 : memref<256000xf32, #tpu.memory_space<vmem_shared>>) dst(%arg16 : memref<128xf32, #tpu.memory_space<vmem>>)
        tpu.yield
      }) : () -> ()
      %get3A_312 = arith.constant 0 : index
      %get3A_313 = tpu.vector_load %arg16[%get3A_312] {strides = array<i32>} : memref<128xf32, #tpu.memory_space<vmem>>, vector<16xf32>,
      %get3A_314 = vector.shape_cast %get3A_313 : vector<16xf32> to vector<16xf32>
      %div3A = arith.divf %broadcast_in_dim3A_2, %get3A_314 : vector<16xf32>
      %swap3A_315 = arith.constant 0 : index
      %swap3A_316 = tpu.vector_load %arg16[%swap3A_315] {strides = array<i32>} : memref<128xf32, #tpu.memory_space<vmem>>, vector<16xf32>,
      %swap3A_317 = vector.shape_cast %swap3A_316 : vector<16xf32> to vector<16xf32>
      %swap3A_318 = vector.shape_cast %div3A : vector<16xf32> to vector<16xf32>
      tpu.vector_store %arg16[%swap3A_315], %swap3A_318 {strides = array<i32>} : memref<128xf32, #tpu.memory_space<vmem>>, vector<16xf32>,
      %get3A_319 = arith.constant 16 : index
      %get3A_320 = tpu.vector_load %arg16[%get3A_319] {strides = array<i32>} : memref<128xf32, #tpu.memory_space<vmem>>, vector<16xf32>,
      %get3A_321 = vector.shape_cast %get3A_320 : vector<16xf32> to vector<16xf32>
      %div3A_322 = arith.divf %broadcast_in_dim3A_2, %get3A_321 : vector<16xf32>
      %swap3A_323 = arith.constant 16 : index
      %swap3A_324 = tpu.vector_load %arg16[%swap3A_323] {strides = array<i32>} : memref<128xf32, #tpu.memory_space<vmem>>, vector<16xf32>,
      %swap3A_325 = vector.shape_cast %swap3A_324 : vector<16xf32> to vector<16xf32>
      %swap3A_326 = vector.shape_cast %div3A_322 : vector<16xf32> to vector<16xf32>
      tpu.vector_store %arg16[%swap3A_323], %swap3A_326 {strides = array<i32>} : memref<128xf32, #tpu.memory_space<vmem>>, vector<16xf32>,
      %get3A_327 = arith.constant 32 : index
      %get3A_328 = tpu.vector_load %arg16[%get3A_327] {strides = array<i32>} : memref<128xf32, #tpu.memory_space<vmem>>, vector<16xf32>,
      %get3A_329 = vector.shape_cast %get3A_328 : vector<16xf32> to vector<16xf32>
      %div3A_330 = arith.divf %broadcast_in_dim3A_2, %get3A_329 : vector<16xf32>
      %swap3A_331 = arith.constant 32 : index
      %swap3A_332 = tpu.vector_load %arg16[%swap3A_331] {strides = array<i32>} : memref<128xf32, #tpu.memory_space<vmem>>, vector<16xf32>,
      %swap3A_333 = vector.shape_cast %swap3A_332 : vector<16xf32> to vector<16xf32>
      %swap3A_334 = vector.shape_cast %div3A_330 : vector<16xf32> to vector<16xf32>
      tpu.vector_store %arg16[%swap3A_331], %swap3A_334 {strides = array<i32>} : memref<128xf32, #tpu.memory_space<vmem>>, vector<16xf32>,
      %get3A_335 = arith.constant 48 : index
      %get3A_336 = tpu.vector_load %arg16[%get3A_335] {strides = array<i32>} : memref<128xf32, #tpu.memory_space<vmem>>, vector<16xf32>,
      %get3A_337 = vector.shape_cast %get3A_336 : vector<16xf32> to vector<16xf32>
      %div3A_338 = arith.divf %broadcast_in_dim3A_2, %get3A_337 : vector<16xf32>
      %swap3A_339 = arith.constant 48 : index
      %swap3A_340 = tpu.vector_load %arg16[%swap3A_339] {strides = array<i32>} : memref<128xf32, #tpu.memory_space<vmem>>, vector<16xf32>,
      %swap3A_341 = vector.shape_cast %swap3A_340 : vector<16xf32> to vector<16xf32>
      %swap3A_342 = vector.shape_cast %div3A_338 : vector<16xf32> to vector<16xf32>
      tpu.vector_store %arg16[%swap3A_339], %swap3A_342 {strides = array<i32>} : memref<128xf32, #tpu.memory_space<vmem>>, vector<16xf32>,
      %get3A_343 = arith.constant 64 : index
      %get3A_344 = tpu.vector_load %arg16[%get3A_343] {strides = array<i32>} : memref<128xf32, #tpu.memory_space<vmem>>, vector<16xf32>,
      %get3A_345 = vector.shape_cast %get3A_344 : vector<16xf32> to vector<16xf32>
      %div3A_346 = arith.divf %broadcast_in_dim3A_2, %get3A_345 : vector<16xf32>
      %swap3A_347 = arith.constant 64 : index
      %swap3A_348 = tpu.vector_load %arg16[%swap3A_347] {strides = array<i32>} : memref<128xf32, #tpu.memory_space<vmem>>, vector<16xf32>,
      %swap3A_349 = vector.shape_cast %swap3A_348 : vector<16xf32> to vector<16xf32>
      %swap3A_350 = vector.shape_cast %div3A_346 : vector<16xf32> to vector<16xf32>
      tpu.vector_store %arg16[%swap3A_347], %swap3A_350 {strides = array<i32>} : memref<128xf32, #tpu.memory_space<vmem>>, vector<16xf32>,
      %get3A_351 = arith.constant 80 : index
      %get3A_352 = tpu.vector_load %arg16[%get3A_351] {strides = array<i32>} : memref<128xf32, #tpu.memory_space<vmem>>, vector<16xf32>,
      %get3A_353 = vector.shape_cast %get3A_352 : vector<16xf32> to vector<16xf32>
      %div3A_354 = arith.divf %broadcast_in_dim3A_2, %get3A_353 : vector<16xf32>
      %swap3A_355 = arith.constant 80 : index
      %swap3A_356 = tpu.vector_load %arg16[%swap3A_355] {strides = array<i32>} : memref<128xf32, #tpu.memory_space<vmem>>, vector<16xf32>,
      %swap3A_357 = vector.shape_cast %swap3A_356 : vector<16xf32> to vector<16xf32>
      %swap3A_358 = vector.shape_cast %div3A_354 : vector<16xf32> to vector<16xf32>
      tpu.vector_store %arg16[%swap3A_355], %swap3A_358 {strides = array<i32>} : memref<128xf32, #tpu.memory_space<vmem>>, vector<16xf32>,
      %get3A_359 = arith.constant 96 : index
      %get3A_360 = tpu.vector_load %arg16[%get3A_359] {strides = array<i32>} : memref<128xf32, #tpu.memory_space<vmem>>, vector<16xf32>,
      %get3A_361 = vector.shape_cast %get3A_360 : vector<16xf32> to vector<16xf32>
      %div3A_362 = arith.divf %broadcast_in_dim3A_2, %get3A_361 : vector<16xf32>
      %swap3A_363 = arith.constant 96 : index
      %swap3A_364 = tpu.vector_load %arg16[%swap3A_363] {strides = array<i32>} : memref<128xf32, #tpu.memory_space<vmem>>, vector<16xf32>,
      %swap3A_365 = vector.shape_cast %swap3A_364 : vector<16xf32> to vector<16xf32>
      %swap3A_366 = vector.shape_cast %div3A_362 : vector<16xf32> to vector<16xf32>
      tpu.vector_store %arg16[%swap3A_363], %swap3A_366 {strides = array<i32>} : memref<128xf32, #tpu.memory_space<vmem>>, vector<16xf32>,
      %get3A_367 = arith.constant 112 : index
      %get3A_368 = tpu.vector_load %arg16[%get3A_367] {strides = array<i32>} : memref<128xf32, #tpu.memory_space<vmem>>, vector<16xf32>,
      %get3A_369 = vector.shape_cast %get3A_368 : vector<16xf32> to vector<16xf32>
      %div3A_370 = arith.divf %broadcast_in_dim3A_2, %get3A_369 : vector<16xf32>
      %swap3A_371 = arith.constant 112 : index
      %swap3A_372 = tpu.vector_load %arg16[%swap3A_371] {strides = array<i32>} : memref<128xf32, #tpu.memory_space<vmem>>, vector<16xf32>,
      %swap3A_373 = vector.shape_cast %swap3A_372 : vector<16xf32> to vector<16xf32>
      %swap3A_374 = vector.shape_cast %div3A_370 : vector<16xf32> to vector<16xf32>
      tpu.vector_store %arg16[%swap3A_371], %swap3A_374 {strides = array<i32>} : memref<128xf32, #tpu.memory_space<vmem>>, vector<16xf32>,
      %dma_start3A = arith.constant 0 : i32
      %dma_start3A_375 = arith.constant 0 : i32
      %dma_start3A_376 = tpu.memref_slice %arg5[%dma_start3A, %dma_start3A_375] : memref<250000x128xf32, #tpu.memory_space<hbm>> -> memref<250000x128xf32, #tpu.memory_space<hbm>>
      tpu.enqueue_indirect_dma source(%dma_start3A_376 : memref<250000x128xf32, #tpu.memory_space<hbm>>) target(%arg18 : memref<128x128xf32, #tpu.memory_space<vmem>>) offsets(%arg15 : memref<128xi32, #tpu.memory_space<vmem>>) semaphore(%arg19 : memref<!tpu.dma_semaphore, #tpu.memory_space<semaphore_mem>>)
      %dma_wait3A = arith.constant 0 : i32
      %dma_wait3A_377 = arith.constant 0 : i32
      %dma_wait3A_378 = tpu.memref_slice %arg5[%dma_wait3A, %dma_wait3A_377] : memref<250000x128xf32, #tpu.memory_space<hbm>> -> memref<250000x128xf32, #tpu.memory_space<hbm>>
      tpu.wait_indirect_dma semaphore(%arg19 : memref<!tpu.dma_semaphore, #tpu.memory_space<semaphore_mem>>) src(%dma_wait3A_378 : memref<250000x128xf32, #tpu.memory_space<hbm>>) dst(%arg18 : memref<128x128xf32, #tpu.memory_space<vmem>>)
      %scan3A_379 = arith.constant 0 : i32
      %scan3A_380 = arith.constant 0 : i32
      %scan3A_381 = arith.constant 8 : i32
      %scan3A_382 = arith.addi %scan3A_380, %scan3A_381 : i32
      %scan3A_383 = arith.constant 1 : i32
      scf.for %scan3A_385 = %scan3A_380 to %scan3A_382 step %scan3A_383  : i32 {
        %mul3A_386 = arith.constant 16 : i32
        %mul3A_387 = arith.muli %scan3A_385, %mul3A_386 : i32
        %get3A_388 = arith.index_cast %mul3A_387 : i32 to index
        %get3A_389 = tpu.vector_load %arg16[%get3A_388] {strides = array<i32>} : memref<128xf32, #tpu.memory_space<vmem>>, vector<16xf32>,
        %get3A_390 = vector.shape_cast %get3A_389 : vector<16xf32> to vector<16xf32>
        %slice3A = vector.extract_strided_slice %get3A_390 {offsets = [0], sizes = [1], strides = [1]} : vector<16xf32> to vector<1xf32>
        %squeeze3A = vector.extract %slice3A[0] : f32 from vector<1xf32>
        %broadcast_in_dim3A_391 = vector.broadcast %squeeze3A : f32 to vector<16xf32>
        %mul3A_392 = arith.constant 16 : i32
        %mul3A_393 = arith.muli %scan3A_385, %mul3A_392 : i32
        %add3A_394 = arith.constant 0 : i32
        %add3A_395 = arith.addi %mul3A_393, %add3A_394 : i32
        %get3A_396 = arith.index_cast %add3A_395 : i32 to index
        %get3A_397 = arith.constant 0 : index
        %get3A_398 = tpu.vector_load %arg18[%get3A_396, %get3A_397] {strides = array<i32>} : memref<128x128xf32, #tpu.memory_space<vmem>>, vector<1x16xf32>,
        %get3A_399 = vector.shape_cast %get3A_398 : vector<1x16xf32> to vector<16xf32>
        %mul3A_400 = arith.mulf %get3A_399, %broadcast_in_dim3A_391 : vector<16xf32>
        %swap3A_401 = arith.index_cast %add3A_395 : i32 to index
        %swap3A_402 = arith.constant 0 : index
        %swap3A_403 = tpu.vector_load %arg18[%swap3A_401, %swap3A_402] {strides = array<i32>} : memref<128x128xf32, #tpu.memory_space<vmem>>, vector<1x16xf32>,
        %swap3A_404 = vector.shape_cast %swap3A_403 : vector<1x16xf32> to vector<16xf32>
        %swap3A_405 = vector.shape_cast %mul3A_400 : vector<16xf32> to vector<1x16xf32>
        tpu.vector_store %arg18[%swap3A_401, %swap3A_402], %swap3A_405 {strides = array<i32>} : memref<128x128xf32, #tpu.memory_space<vmem>>, vector<1x16xf32>,
        %get3A_406 = arith.index_cast %add3A_395 : i32 to index
        %get3A_407 = arith.constant 16 : index
        %get3A_408 = tpu.vector_load %arg18[%get3A_406, %get3A_407] {strides = array<i32>} : memref<128x128xf32, #tpu.memory_space<vmem>>, vector<1x16xf32>,
        %get3A_409 = vector.shape_cast %get3A_408 : vector<1x16xf32> to vector<16xf32>
        %mul3A_410 = arith.mulf %get3A_409, %broadcast_in_dim3A_391 : vector<16xf32>
        %swap3A_411 = arith.index_cast %add3A_395 : i32 to index
        %swap3A_412 = arith.constant 16 : index
        %swap3A_413 = tpu.vector_load %arg18[%swap3A_411, %swap3A_412] {strides = array<i32>} : memref<128x128xf32, #tpu.memory_space<vmem>>, vector<1x16xf32>,
        %swap3A_414 = vector.shape_cast %swap3A_413 : vector<1x16xf32> to vector<16xf32>
        %swap3A_415 = vector.shape_cast %mul3A_410 : vector<16xf32> to vector<1x16xf32>
        tpu.vector_store %arg18[%swap3A_411, %swap3A_412], %swap3A_415 {strides = array<i32>} : memref<128x128xf32, #tpu.memory_space<vmem>>, vector<1x16xf32>,
        %get3A_416 = arith.index_cast %add3A_395 : i32 to index
        %get3A_417 = arith.constant 32 : index
        %get3A_418 = tpu.vector_load %arg18[%get3A_416, %get3A_417] {strides = array<i32>} : memref<128x128xf32, #tpu.memory_space<vmem>>, vector<1x16xf32>,
        %get3A_419 = vector.shape_cast %get3A_418 : vector<1x16xf32> to vector<16xf32>
        %mul3A_420 = arith.mulf %get3A_419, %broadcast_in_dim3A_391 : vector<16xf32>
        %swap3A_421 = arith.index_cast %add3A_395 : i32 to index
        %swap3A_422 = arith.constant 32 : index
        %swap3A_423 = tpu.vector_load %arg18[%swap3A_421, %swap3A_422] {strides = array<i32>} : memref<128x128xf32, #tpu.memory_space<vmem>>, vector<1x16xf32>,
        %swap3A_424 = vector.shape_cast %swap3A_423 : vector<1x16xf32> to vector<16xf32>
        %swap3A_425 = vector.shape_cast %mul3A_420 : vector<16xf32> to vector<1x16xf32>
        tpu.vector_store %arg18[%swap3A_421, %swap3A_422], %swap3A_425 {strides = array<i32>} : memref<128x128xf32, #tpu.memory_space<vmem>>, vector<1x16xf32>,
        %get3A_426 = arith.index_cast %add3A_395 : i32 to index
        %get3A_427 = arith.constant 48 : index
        %get3A_428 = tpu.vector_load %arg18[%get3A_426, %get3A_427] {strides = array<i32>} : memref<128x128xf32, #tpu.memory_space<vmem>>, vector<1x16xf32>,
        %get3A_429 = vector.shape_cast %get3A_428 : vector<1x16xf32> to vector<16xf32>
        %mul3A_430 = arith.mulf %get3A_429, %broadcast_in_dim3A_391 : vector<16xf32>
        %swap3A_431 = arith.index_cast %add3A_395 : i32 to index
        %swap3A_432 = arith.constant 48 : index
        %swap3A_433 = tpu.vector_load %arg18[%swap3A_431, %swap3A_432] {strides = array<i32>} : memref<128x128xf32, #tpu.memory_space<vmem>>, vector<1x16xf32>,
        %swap3A_434 = vector.shape_cast %swap3A_433 : vector<1x16xf32> to vector<16xf32>
        %swap3A_435 = vector.shape_cast %mul3A_430 : vector<16xf32> to vector<1x16xf32>
        tpu.vector_store %arg18[%swap3A_431, %swap3A_432], %swap3A_435 {strides = array<i32>} : memref<128x128xf32, #tpu.memory_space<vmem>>, vector<1x16xf32>,
        %get3A_436 = arith.index_cast %add3A_395 : i32 to index
        %get3A_437 = arith.constant 64 : index
        %get3A_438 = tpu.vector_load %arg18[%get3A_436, %get3A_437] {strides = array<i32>} : memref<128x128xf32, #tpu.memory_space<vmem>>, vector<1x16xf32>,
        %get3A_439 = vector.shape_cast %get3A_438 : vector<1x16xf32> to vector<16xf32>
        %mul3A_440 = arith.mulf %get3A_439, %broadcast_in_dim3A_391 : vector<16xf32>
        %swap3A_441 = arith.index_cast %add3A_395 : i32 to index
        %swap3A_442 = arith.constant 64 : index
        %swap3A_443 = tpu.vector_load %arg18[%swap3A_441, %swap3A_442] {strides = array<i32>} : memref<128x128xf32, #tpu.memory_space<vmem>>, vector<1x16xf32>,
        %swap3A_444 = vector.shape_cast %swap3A_443 : vector<1x16xf32> to vector<16xf32>
        %swap3A_445 = vector.shape_cast %mul3A_440 : vector<16xf32> to vector<1x16xf32>
        tpu.vector_store %arg18[%swap3A_441, %swap3A_442], %swap3A_445 {strides = array<i32>} : memref<128x128xf32, #tpu.memory_space<vmem>>, vector<1x16xf32>,
        %get3A_446 = arith.index_cast %add3A_395 : i32 to index
        %get3A_447 = arith.constant 80 : index
        %get3A_448 = tpu.vector_load %arg18[%get3A_446, %get3A_447] {strides = array<i32>} : memref<128x128xf32, #tpu.memory_space<vmem>>, vector<1x16xf32>,
        %get3A_449 = vector.shape_cast %get3A_448 : vector<1x16xf32> to vector<16xf32>
        %mul3A_450 = arith.mulf %get3A_449, %broadcast_in_dim3A_391 : vector<16xf32>
        %swap3A_451 = arith.index_cast %add3A_395 : i32 to index
        %swap3A_452 = arith.constant 80 : index
        %swap3A_453 = tpu.vector_load %arg18[%swap3A_451, %swap3A_452] {strides = array<i32>} : memref<128x128xf32, #tpu.memory_space<vmem>>, vector<1x16xf32>,
        %swap3A_454 = vector.shape_cast %swap3A_453 : vector<1x16xf32> to vector<16xf32>
        %swap3A_455 = vector.shape_cast %mul3A_450 : vector<16xf32> to vector<1x16xf32>
        tpu.vector_store %arg18[%swap3A_451, %swap3A_452], %swap3A_455 {strides = array<i32>} : memref<128x128xf32, #tpu.memory_space<vmem>>, vector<1x16xf32>,
        %get3A_456 = arith.index_cast %add3A_395 : i32 to index
        %get3A_457 = arith.constant 96 : index
        %get3A_458 = tpu.vector_load %arg18[%get3A_456, %get3A_457] {strides = array<i32>} : memref<128x128xf32, #tpu.memory_space<vmem>>, vector<1x16xf32>,
        %get3A_459 = vector.shape_cast %get3A_458 : vector<1x16xf32> to vector<16xf32>
        %mul3A_460 = arith.mulf %get3A_459, %broadcast_in_dim3A_391 : vector<16xf32>
        %swap3A_461 = arith.index_cast %add3A_395 : i32 to index
        %swap3A_462 = arith.constant 96 : index
        %swap3A_463 = tpu.vector_load %arg18[%swap3A_461, %swap3A_462] {strides = array<i32>} : memref<128x128xf32, #tpu.memory_space<vmem>>, vector<1x16xf32>,
        %swap3A_464 = vector.shape_cast %swap3A_463 : vector<1x16xf32> to vector<16xf32>
        %swap3A_465 = vector.shape_cast %mul3A_460 : vector<16xf32> to vector<1x16xf32>
        tpu.vector_store %arg18[%swap3A_461, %swap3A_462], %swap3A_465 {strides = array<i32>} : memref<128x128xf32, #tpu.memory_space<vmem>>, vector<1x16xf32>,
        %get3A_466 = arith.index_cast %add3A_395 : i32 to index
        %get3A_467 = arith.constant 112 : index
        %get3A_468 = tpu.vector_load %arg18[%get3A_466, %get3A_467] {strides = array<i32>} : memref<128x128xf32, #tpu.memory_space<vmem>>, vector<1x16xf32>,
        %get3A_469 = vector.shape_cast %get3A_468 : vector<1x16xf32> to vector<16xf32>
        %mul3A_470 = arith.mulf %get3A_469, %broadcast_in_dim3A_391 : vector<16xf32>
        %swap3A_471 = arith.index_cast %add3A_395 : i32 to index
        %swap3A_472 = arith.constant 112 : index
        %swap3A_473 = tpu.vector_load %arg18[%swap3A_471, %swap3A_472] {strides = array<i32>} : memref<128x128xf32, #tpu.memory_space<vmem>>, vector<1x16xf32>,
        %swap3A_474 = vector.shape_cast %swap3A_473 : vector<1x16xf32> to vector<16xf32>
        %swap3A_475 = vector.shape_cast %mul3A_470 : vector<16xf32> to vector<1x16xf32>
        tpu.vector_store %arg18[%swap3A_471, %swap3A_472], %swap3A_475 {strides = array<i32>} : memref<128x128xf32, #tpu.memory_space<vmem>>, vector<1x16xf32>,
        %slice3A_476 = vector.extract_strided_slice %get3A_390 {offsets = [1], sizes = [1], strides = [1]} : vector<16xf32> to vector<1xf32>
        %squeeze3A_477 = vector.extract %slice3A_476[0] : f32 from vector<1xf32>
        %broadcast_in_dim3A_478 = vector.broadcast %squeeze3A_477 : f32 to vector<16xf32>
        %mul3A_479 = arith.constant 16 : i32
        %mul3A_480 = arith.muli %scan3A_385, %mul3A_479 : i32
        %add3A_481 = arith.constant 1 : i32
        %add3A_482 = arith.addi %mul3A_480, %add3A_481 : i32
        %get3A_483 = arith.index_cast %add3A_482 : i32 to index
        %get3A_484 = arith.constant 0 : index
        %get3A_485 = tpu.vector_load %arg18[%get3A_483, %get3A_484] {strides = array<i32>} : memref<128x128xf32, #tpu.memory_space<vmem>>, vector<1x16xf32>,
        %get3A_486 = vector.shape_cast %get3A_485 : vector<1x16xf32> to vector<16xf32>
        %mul3A_487 = arith.mulf %get3A_486, %broadcast_in_dim3A_478 : vector<16xf32>
        %swap3A_488 = arith.index_cast %add3A_482 : i32 to index
        %swap3A_489 = arith.constant 0 : index
        %swap3A_490 = tpu.vector_load %arg18[%swap3A_488, %swap3A_489] {strides = array<i32>} : memref<128x128xf32, #tpu.memory_space<vmem>>, vector<1x16xf32>,
        %swap3A_491 = vector.shape_cast %swap3A_490 : vector<1x16xf32> to vector<16xf32>
        %swap3A_492 = vector.shape_cast %mul3A_487 : vector<16xf32> to vector<1x16xf32>
        tpu.vector_store %arg18[%swap3A_488, %swap3A_489], %swap3A_492 {strides = array<i32>} : memref<128x128xf32, #tpu.memory_space<vmem>>, vector<1x16xf32>,
        %get3A_493 = arith.index_cast %add3A_482 : i32 to index
        %get3A_494 = arith.constant 16 : index
        %get3A_495 = tpu.vector_load %arg18[%get3A_493, %get3A_494] {strides = array<i32>} : memref<128x128xf32, #tpu.memory_space<vmem>>, vector<1x16xf32>,
        %get3A_496 = vector.shape_cast %get3A_495 : vector<1x16xf32> to vector<16xf32>
        %mul3A_497 = arith.mulf %get3A_496, %broadcast_in_dim3A_478 : vector<16xf32>
        %swap3A_498 = arith.index_cast %add3A_482 : i32 to index
        %swap3A_499 = arith.constant 16 : index
        %swap3A_500 = tpu.vector_load %arg18[%swap3A_498, %swap3A_499] {strides = array<i32>} : memref<128x128xf32, #tpu.memory_space<vmem>>, vector<1x16xf32>,
        %swap3A_501 = vector.shape_cast %swap3A_500 : vector<1x16xf32> to vector<16xf32>
        %swap3A_502 = vector.shape_cast %mul3A_497 : vector<16xf32> to vector<1x16xf32>
        tpu.vector_store %arg18[%swap3A_498, %swap3A_499], %swap3A_502 {strides = array<i32>} : memref<128x128xf32, #tpu.memory_space<vmem>>, vector<1x16xf32>,
        %get3A_503 = arith.index_cast %add3A_482 : i32 to index
        %get3A_504 = arith.constant 32 : index
        %get3A_505 = tpu.vector_load %arg18[%get3A_503, %get3A_504] {strides = array<i32>} : memref<128x128xf32, #tpu.memory_space<vmem>>, vector<1x16xf32>,
        %get3A_506 = vector.shape_cast %get3A_505 : vector<1x16xf32> to vector<16xf32>
        %mul3A_507 = arith.mulf %get3A_506, %broadcast_in_dim3A_478 : vector<16xf32>
        %swap3A_508 = arith.index_cast %add3A_482 : i32 to index
        %swap3A_509 = arith.constant 32 : index
        %swap3A_510 = tpu.vector_load %arg18[%swap3A_508, %swap3A_509] {strides = array<i32>} : memref<128x128xf32, #tpu.memory_space<vmem>>, vector<1x16xf32>,
        %swap3A_511 = vector.shape_cast %swap3A_510 : vector<1x16xf32> to vector<16xf32>
        %swap3A_512 = vector.shape_cast %mul3A_507 : vector<16xf32> to vector<1x16xf32>
        tpu.vector_store %arg18[%swap3A_508, %swap3A_509], %swap3A_512 {strides = array<i32>} : memref<128x128xf32, #tpu.memory_space<vmem>>, vector<1x16xf32>,
        %get3A_513 = arith.index_cast %add3A_482 : i32 to index
        %get3A_514 = arith.constant 48 : index
        %get3A_515 = tpu.vector_load %arg18[%get3A_513, %get3A_514] {strides = array<i32>} : memref<128x128xf32, #tpu.memory_space<vmem>>, vector<1x16xf32>,
        %get3A_516 = vector.shape_cast %get3A_515 : vector<1x16xf32> to vector<16xf32>
        %mul3A_517 = arith.mulf %get3A_516, %broadcast_in_dim3A_478 : vector<16xf32>
        %swap3A_518 = arith.index_cast %add3A_482 : i32 to index
        %swap3A_519 = arith.constant 48 : index
        %swap3A_520 = tpu.vector_load %arg18[%swap3A_518, %swap3A_519] {strides = array<i32>} : memref<128x128xf32, #tpu.memory_space<vmem>>, vector<1x16xf32>,
        %swap3A_521 = vector.shape_cast %swap3A_520 : vector<1x16xf32> to vector<16xf32>
        %swap3A_522 = vector.shape_cast %mul3A_517 : vector<16xf32> to vector<1x16xf32>
        tpu.vector_store %arg18[%swap3A_518, %swap3A_519], %swap3A_522 {strides = array<i32>} : memref<128x128xf32, #tpu.memory_space<vmem>>, vector<1x16xf32>,
        %get3A_523 = arith.index_cast %add3A_482 : i32 to index
        %get3A_524 = arith.constant 64 : index
        %get3A_525 = tpu.vector_load %arg18[%get3A_523, %get3A_524] {strides = array<i32>} : memref<128x128xf32, #tpu.memory_space<vmem>>, vector<1x16xf32>,
        %get3A_526 = vector.shape_cast %get3A_525 : vector<1x16xf32> to vector<16xf32>
        %mul3A_527 = arith.mulf %get3A_526, %broadcast_in_dim3A_478 : vector<16xf32>
        %swap3A_528 = arith.index_cast %add3A_482 : i32 to index
        %swap3A_529 = arith.constant 64 : index
        %swap3A_530 = tpu.vector_load %arg18[%swap3A_528, %swap3A_529] {strides = array<i32>} : memref<128x128xf32, #tpu.memory_space<vmem>>, vector<1x16xf32>,
        %swap3A_531 = vector.shape_cast %swap3A_530 : vector<1x16xf32> to vector<16xf32>
        %swap3A_532 = vector.shape_cast %mul3A_527 : vector<16xf32> to vector<1x16xf32>
        tpu.vector_store %arg18[%swap3A_528, %swap3A_529], %swap3A_532 {strides = array<i32>} : memref<128x128xf32, #tpu.memory_space<vmem>>, vector<1x16xf32>,
        %get3A_533 = arith.index_cast %add3A_482 : i32 to index
        %get3A_534 = arith.constant 80 : index
        %get3A_535 = tpu.vector_load %arg18[%get3A_533, %get3A_534] {strides = array<i32>} : memref<128x128xf32, #tpu.memory_space<vmem>>, vector<1x16xf32>,
        %get3A_536 = vector.shape_cast %get3A_535 : vector<1x16xf32> to vector<16xf32>
        %mul3A_537 = arith.mulf %get3A_536, %broadcast_in_dim3A_478 : vector<16xf32>
        %swap3A_538 = arith.index_cast %add3A_482 : i32 to index
        %swap3A_539 = arith.constant 80 : index
        %swap3A_540 = tpu.vector_load %arg18[%swap3A_538, %swap3A_539] {strides = array<i32>} : memref<128x128xf32, #tpu.memory_space<vmem>>, vector<1x16xf32>,
        %swap3A_541 = vector.shape_cast %swap3A_540 : vector<1x16xf32> to vector<16xf32>
        %swap3A_542 = vector.shape_cast %mul3A_537 : vector<16xf32> to vector<1x16xf32>
        tpu.vector_store %arg18[%swap3A_538, %swap3A_539], %swap3A_542 {strides = array<i32>} : memref<128x128xf32, #tpu.memory_space<vmem>>, vector<1x16xf32>,
        %get3A_543 = arith.index_cast %add3A_482 : i32 to index
        %get3A_544 = arith.constant 96 : index
        %get3A_545 = tpu.vector_load %arg18[%get3A_543, %get3A_544] {strides = array<i32>} : memref<128x128xf32, #tpu.memory_space<vmem>>, vector<1x16xf32>,
        %get3A_546 = vector.shape_cast %get3A_545 : vector<1x16xf32> to vector<16xf32>
        %mul3A_547 = arith.mulf %get3A_546, %broadcast_in_dim3A_478 : vector<16xf32>
        %swap3A_548 = arith.index_cast %add3A_482 : i32 to index
        %swap3A_549 = arith.constant 96 : index
        %swap3A_550 = tpu.vector_load %arg18[%swap3A_548, %swap3A_549] {strides = array<i32>} : memref<128x128xf32, #tpu.memory_space<vmem>>, vector<1x16xf32>,
        %swap3A_551 = vector.shape_cast %swap3A_550 : vector<1x16xf32> to vector<16xf32>
        %swap3A_552 = vector.shape_cast %mul3A_547 : vector<16xf32> to vector<1x16xf32>
        tpu.vector_store %arg18[%swap3A_548, %swap3A_549], %swap3A_552 {strides = array<i32>} : memref<128x128xf32, #tpu.memory_space<vmem>>, vector<1x16xf32>,
        %get3A_553 = arith.index_cast %add3A_482 : i32 to index
        %get3A_554 = arith.constant 112 : index
        %get3A_555 = tpu.vector_load %arg18[%get3A_553, %get3A_554] {strides = array<i32>} : memref<128x128xf32, #tpu.memory_space<vmem>>, vector<1x16xf32>,
        %get3A_556 = vector.shape_cast %get3A_555 : vector<1x16xf32> to vector<16xf32>
        %mul3A_557 = arith.mulf %get3A_556, %broadcast_in_dim3A_478 : vector<16xf32>
        %swap3A_558 = arith.index_cast %add3A_482 : i32 to index
        %swap3A_559 = arith.constant 112 : index
        %swap3A_560 = tpu.vector_load %arg18[%swap3A_558, %swap3A_559] {strides = array<i32>} : memref<128x128xf32, #tpu.memory_space<vmem>>, vector<1x16xf32>,
        %swap3A_561 = vector.shape_cast %swap3A_560 : vector<1x16xf32> to vector<16xf32>
        %swap3A_562 = vector.shape_cast %mul3A_557 : vector<16xf32> to vector<1x16xf32>
        tpu.vector_store %arg18[%swap3A_558, %swap3A_559], %swap3A_562 {strides = array<i32>} : memref<128x128xf32, #tpu.memory_space<vmem>>, vector<1x16xf32>,
        %slice3A_563 = vector.extract_strided_slice %get3A_390 {offsets = [2], sizes = [1], strides = [1]} : vector<16xf32> to vector<1xf32>
        %squeeze3A_564 = vector.extract %slice3A_563[0] : f32 from vector<1xf32>
        %broadcast_in_dim3A_565 = vector.broadcast %squeeze3A_564 : f32 to vector<16xf32>
        %mul3A_566 = arith.constant 16 : i32
        %mul3A_567 = arith.muli %scan3A_385, %mul3A_566 : i32
        %add3A_568 = arith.constant 2 : i32
        %add3A_569 = arith.addi %mul3A_567, %add3A_568 : i32
        %get3A_570 = arith.index_cast %add3A_569 : i32 to index
        %get3A_571 = arith.constant 0 : index
        %get3A_572 = tpu.vector_load %arg18[%get3A_570, %get3A_571] {strides = array<i32>} : memref<128x128xf32, #tpu.memory_space<vmem>>, vector<1x16xf32>,
        %get3A_573 = vector.shape_cast %get3A_572 : vector<1x16xf32> to vector<16xf32>
        %mul3A_574 = arith.mulf %get3A_573, %broadcast_in_dim3A_565 : vector<16xf32>
        %swap3A_575 = arith.index_cast %add3A_569 : i32 to index
        %swap3A_576 = arith.constant 0 : index
        %swap3A_577 = tpu.vector_load %arg18[%swap3A_575, %swap3A_576] {strides = array<i32>} : memref<128x128xf32, #tpu.memory_space<vmem>>, vector<1x16xf32>,
        %swap3A_578 = vector.shape_cast %swap3A_577 : vector<1x16xf32> to vector<16xf32>
        %swap3A_579 = vector.shape_cast %mul3A_574 : vector<16xf32> to vector<1x16xf32>
        tpu.vector_store %arg18[%swap3A_575, %swap3A_576], %swap3A_579 {strides = array<i32>} : memref<128x128xf32, #tpu.memory_space<vmem>>, vector<1x16xf32>,
        %get3A_580 = arith.index_cast %add3A_569 : i32 to index
        %get3A_581 = arith.constant 16 : index
        %get3A_582 = tpu.vector_load %arg18[%get3A_580, %get3A_581] {strides = array<i32>} : memref<128x128xf32, #tpu.memory_space<vmem>>, vector<1x16xf32>,
        %get3A_583 = vector.shape_cast %get3A_582 : vector<1x16xf32> to vector<16xf32>
        %mul3A_584 = arith.mulf %get3A_583, %broadcast_in_dim3A_565 : vector<16xf32>
        %swap3A_585 = arith.index_cast %add3A_569 : i32 to index
        %swap3A_586 = arith.constant 16 : index
        %swap3A_587 = tpu.vector_load %arg18[%swap3A_585, %swap3A_586] {strides = array<i32>} : memref<128x128xf32, #tpu.memory_space<vmem>>, vector<1x16xf32>,
        %swap3A_588 = vector.shape_cast %swap3A_587 : vector<1x16xf32> to vector<16xf32>
        %swap3A_589 = vector.shape_cast %mul3A_584 : vector<16xf32> to vector<1x16xf32>
        tpu.vector_store %arg18[%swap3A_585, %swap3A_586], %swap3A_589 {strides = array<i32>} : memref<128x128xf32, #tpu.memory_space<vmem>>, vector<1x16xf32>,
        %get3A_590 = arith.index_cast %add3A_569 : i32 to index
        %get3A_591 = arith.constant 32 : index
        %get3A_592 = tpu.vector_load %arg18[%get3A_590, %get3A_591] {strides = array<i32>} : memref<128x128xf32, #tpu.memory_space<vmem>>, vector<1x16xf32>,
        %get3A_593 = vector.shape_cast %get3A_592 : vector<1x16xf32> to vector<16xf32>
        %mul3A_594 = arith.mulf %get3A_593, %broadcast_in_dim3A_565 : vector<16xf32>
        %swap3A_595 = arith.index_cast %add3A_569 : i32 to index
        %swap3A_596 = arith.constant 32 : index
        %swap3A_597 = tpu.vector_load %arg18[%swap3A_595, %swap3A_596] {strides = array<i32>} : memref<128x128xf32, #tpu.memory_space<vmem>>, vector<1x16xf32>,
        %swap3A_598 = vector.shape_cast %swap3A_597 : vector<1x16xf32> to vector<16xf32>
        %swap3A_599 = vector.shape_cast %mul3A_594 : vector<16xf32> to vector<1x16xf32>
        tpu.vector_store %arg18[%swap3A_595, %swap3A_596], %swap3A_599 {strides = array<i32>} : memref<128x128xf32, #tpu.memory_space<vmem>>, vector<1x16xf32>,
        %get3A_600 = arith.index_cast %add3A_569 : i32 to index
        %get3A_601 = arith.constant 48 : index
        %get3A_602 = tpu.vector_load %arg18[%get3A_600, %get3A_601] {strides = array<i32>} : memref<128x128xf32, #tpu.memory_space<vmem>>, vector<1x16xf32>,
        %get3A_603 = vector.shape_cast %get3A_602 : vector<1x16xf32> to vector<16xf32>
        %mul3A_604 = arith.mulf %get3A_603, %broadcast_in_dim3A_565 : vector<16xf32>
        %swap3A_605 = arith.index_cast %add3A_569 : i32 to index
        %swap3A_606 = arith.constant 48 : index
        %swap3A_607 = tpu.vector_load %arg18[%swap3A_605, %swap3A_606] {strides = array<i32>} : memref<128x128xf32, #tpu.memory_space<vmem>>, vector<1x16xf32>,
        %swap3A_608 = vector.shape_cast %swap3A_607 : vector<1x16xf32> to vector<16xf32>
        %swap3A_609 = vector.shape_cast %mul3A_604 : vector<16xf32> to vector<1x16xf32>
        tpu.vector_store %arg18[%swap3A_605, %swap3A_606], %swap3A_609 {strides = array<i32>} : memref<128x128xf32, #tpu.memory_space<vmem>>, vector<1x16xf32>,
        %get3A_610 = arith.index_cast %add3A_569 : i32 to index
        %get3A_611 = arith.constant 64 : index
        %get3A_612 = tpu.vector_load %arg18[%get3A_610, %get3A_611] {strides = array<i32>} : memref<128x128xf32, #tpu.memory_space<vmem>>, vector<1x16xf32>,
        %get3A_613 = vector.shape_cast %get3A_612 : vector<1x16xf32> to vector<16xf32>
        %mul3A_614 = arith.mulf %get3A_613, %broadcast_in_dim3A_565 : vector<16xf32>
        %swap3A_615 = arith.index_cast %add3A_569 : i32 to index
        %swap3A_616 = arith.constant 64 : index
        %swap3A_617 = tpu.vector_load %arg18[%swap3A_615, %swap3A_616] {strides = array<i32>} : memref<128x128xf32, #tpu.memory_space<vmem>>, vector<1x16xf32>,
        %swap3A_618 = vector.shape_cast %swap3A_617 : vector<1x16xf32> to vector<16xf32>
        %swap3A_619 = vector.shape_cast %mul3A_614 : vector<16xf32> to vector<1x16xf32>
        tpu.vector_store %arg18[%swap3A_615, %swap3A_616], %swap3A_619 {strides = array<i32>} : memref<128x128xf32, #tpu.memory_space<vmem>>, vector<1x16xf32>,
        %get3A_620 = arith.index_cast %add3A_569 : i32 to index
        %get3A_621 = arith.constant 80 : index
        %get3A_622 = tpu.vector_load %arg18[%get3A_620, %get3A_621] {strides = array<i32>} : memref<128x128xf32, #tpu.memory_space<vmem>>, vector<1x16xf32>,
        %get3A_623 = vector.shape_cast %get3A_622 : vector<1x16xf32> to vector<16xf32>
        %mul3A_624 = arith.mulf %get3A_623, %broadcast_in_dim3A_565 : vector<16xf32>
        %swap3A_625 = arith.index_cast %add3A_569 : i32 to index
        %swap3A_626 = arith.constant 80 : index
        %swap3A_627 = tpu.vector_load %arg18[%swap3A_625, %swap3A_626] {strides = array<i32>} : memref<128x128xf32, #tpu.memory_space<vmem>>, vector<1x16xf32>,
        %swap3A_628 = vector.shape_cast %swap3A_627 : vector<1x16xf32> to vector<16xf32>
        %swap3A_629 = vector.shape_cast %mul3A_624 : vector<16xf32> to vector<1x16xf32>
        tpu.vector_store %arg18[%swap3A_625, %swap3A_626], %swap3A_629 {strides = array<i32>} : memref<128x128xf32, #tpu.memory_space<vmem>>, vector<1x16xf32>,
        %get3A_630 = arith.index_cast %add3A_569 : i32 to index
        %get3A_631 = arith.constant 96 : index
        %get3A_632 = tpu.vector_load %arg18[%get3A_630, %get3A_631] {strides = array<i32>} : memref<128x128xf32, #tpu.memory_space<vmem>>, vector<1x16xf32>,
        %get3A_633 = vector.shape_cast %get3A_632 : vector<1x16xf32> to vector<16xf32>
        %mul3A_634 = arith.mulf %get3A_633, %broadcast_in_dim3A_565 : vector<16xf32>
        %swap3A_635 = arith.index_cast %add3A_569 : i32 to index
        %swap3A_636 = arith.constant 96 : index
        %swap3A_637 = tpu.vector_load %arg18[%swap3A_635, %swap3A_636] {strides = array<i32>} : memref<128x128xf32, #tpu.memory_space<vmem>>, vector<1x16xf32>,
        %swap3A_638 = vector.shape_cast %swap3A_637 : vector<1x16xf32> to vector<16xf32>
        %swap3A_639 = vector.shape_cast %mul3A_634 : vector<16xf32> to vector<1x16xf32>
        tpu.vector_store %arg18[%swap3A_635, %swap3A_636], %swap3A_639 {strides = array<i32>} : memref<128x128xf32, #tpu.memory_space<vmem>>, vector<1x16xf32>,
        %get3A_640 = arith.index_cast %add3A_569 : i32 to index
        %get3A_641 = arith.constant 112 : index
        %get3A_642 = tpu.vector_load %arg18[%get3A_640, %get3A_641] {strides = array<i32>} : memref<128x128xf32, #tpu.memory_space<vmem>>, vector<1x16xf32>,
        %get3A_643 = vector.shape_cast %get3A_642 : vector<1x16xf32> to vector<16xf32>
        %mul3A_644 = arith.mulf %get3A_643, %broadcast_in_dim3A_565 : vector<16xf32>
        %swap3A_645 = arith.index_cast %add3A_569 : i32 to index
        %swap3A_646 = arith.constant 112 : index
        %swap3A_647 = tpu.vector_load %arg18[%swap3A_645, %swap3A_646] {strides = array<i32>} : memref<128x128xf32, #tpu.memory_space<vmem>>, vector<1x16xf32>,
        %swap3A_648 = vector.shape_cast %swap3A_647 : vector<1x16xf32> to vector<16xf32>
        %swap3A_649 = vector.shape_cast %mul3A_644 : vector<16xf32> to vector<1x16xf32>
        tpu.vector_store %arg18[%swap3A_645, %swap3A_646], %swap3A_649 {strides = array<i32>} : memref<128x128xf32, #tpu.memory_space<vmem>>, vector<1x16xf32>,
        %slice3A_650 = vector.extract_strided_slice %get3A_390 {offsets = [3], sizes = [1], strides = [1]} : vector<16xf32> to vector<1xf32>
        %squeeze3A_651 = vector.extract %slice3A_650[0] : f32 from vector<1xf32>
        %broadcast_in_dim3A_652 = vector.broadcast %squeeze3A_651 : f32 to vector<16xf32>
        %mul3A_653 = arith.constant 16 : i32
        %mul3A_654 = arith.muli %scan3A_385, %mul3A_653 : i32
        %add3A_655 = arith.constant 3 : i32
        %add3A_656 = arith.addi %mul3A_654, %add3A_655 : i32
        %get3A_657 = arith.index_cast %add3A_656 : i32 to index
        %get3A_658 = arith.constant 0 : index
        %get3A_659 = tpu.vector_load %arg18[%get3A_657, %get3A_658] {strides = array<i32>} : memref<128x128xf32, #tpu.memory_space<vmem>>, vector<1x16xf32>,
        %get3A_660 = vector.shape_cast %get3A_659 : vector<1x16xf32> to vector<16xf32>
        %mul3A_661 = arith.mulf %get3A_660, %broadcast_in_dim3A_652 : vector<16xf32>
        %swap3A_662 = arith.index_cast %add3A_656 : i32 to index
        %swap3A_663 = arith.constant 0 : index
        %swap3A_664 = tpu.vector_load %arg18[%swap3A_662, %swap3A_663] {strides = array<i32>} : memref<128x128xf32, #tpu.memory_space<vmem>>, vector<1x16xf32>,
        %swap3A_665 = vector.shape_cast %swap3A_664 : vector<1x16xf32> to vector<16xf32>
        %swap3A_666 = vector.shape_cast %mul3A_661 : vector<16xf32> to vector<1x16xf32>
        tpu.vector_store %arg18[%swap3A_662, %swap3A_663], %swap3A_666 {strides = array<i32>} : memref<128x128xf32, #tpu.memory_space<vmem>>, vector<1x16xf32>,
        %get3A_667 = arith.index_cast %add3A_656 : i32 to index
        %get3A_668 = arith.constant 16 : index
        %get3A_669 = tpu.vector_load %arg18[%get3A_667, %get3A_668] {strides = array<i32>} : memref<128x128xf32, #tpu.memory_space<vmem>>, vector<1x16xf32>,
        %get3A_670 = vector.shape_cast %get3A_669 : vector<1x16xf32> to vector<16xf32>
        %mul3A_671 = arith.mulf %get3A_670, %broadcast_in_dim3A_652 : vector<16xf32>
        %swap3A_672 = arith.index_cast %add3A_656 : i32 to index
        %swap3A_673 = arith.constant 16 : index
        %swap3A_674 = tpu.vector_load %arg18[%swap3A_672, %swap3A_673] {strides = array<i32>} : memref<128x128xf32, #tpu.memory_space<vmem>>, vector<1x16xf32>,
        %swap3A_675 = vector.shape_cast %swap3A_674 : vector<1x16xf32> to vector<16xf32>
        %swap3A_676 = vector.shape_cast %mul3A_671 : vector<16xf32> to vector<1x16xf32>
        tpu.vector_store %arg18[%swap3A_672, %swap3A_673], %swap3A_676 {strides = array<i32>} : memref<128x128xf32, #tpu.memory_space<vmem>>, vector<1x16xf32>,
        %get3A_677 = arith.index_cast %add3A_656 : i32 to index
        %get3A_678 = arith.constant 32 : index
        %get3A_679 = tpu.vector_load %arg18[%get3A_677, %get3A_678] {strides = array<i32>} : memref<128x128xf32, #tpu.memory_space<vmem>>, vector<1x16xf32>,
        %get3A_680 = vector.shape_cast %get3A_679 : vector<1x16xf32> to vector<16xf32>
        %mul3A_681 = arith.mulf %get3A_680, %broadcast_in_dim3A_652 : vector<16xf32>
        %swap3A_682 = arith.index_cast %add3A_656 : i32 to index
        %swap3A_683 = arith.constant 32 : index
        %swap3A_684 = tpu.vector_load %arg18[%swap3A_682, %swap3A_683] {strides = array<i32>} : memref<128x128xf32, #tpu.memory_space<vmem>>, vector<1x16xf32>,
        %swap3A_685 = vector.shape_cast %swap3A_684 : vector<1x16xf32> to vector<16xf32>
        %swap3A_686 = vector.shape_cast %mul3A_681 : vector<16xf32> to vector<1x16xf32>
        tpu.vector_store %arg18[%swap3A_682, %swap3A_683], %swap3A_686 {strides = array<i32>} : memref<128x128xf32, #tpu.memory_space<vmem>>, vector<1x16xf32>,
        %get3A_687 = arith.index_cast %add3A_656 : i32 to index
        %get3A_688 = arith.constant 48 : index
        %get3A_689 = tpu.vector_load %arg18[%get3A_687, %get3A_688] {strides = array<i32>} : memref<128x128xf32, #tpu.memory_space<vmem>>, vector<1x16xf32>,
        %get3A_690 = vector.shape_cast %get3A_689 : vector<1x16xf32> to vector<16xf32>
        %mul3A_691 = arith.mulf %get3A_690, %broadcast_in_dim3A_652 : vector<16xf32>
        %swap3A_692 = arith.index_cast %add3A_656 : i32 to index
        %swap3A_693 = arith.constant 48 : index
        %swap3A_694 = tpu.vector_load %arg18[%swap3A_692, %swap3A_693] {strides = array<i32>} : memref<128x128xf32, #tpu.memory_space<vmem>>, vector<1x16xf32>,
        %swap3A_695 = vector.shape_cast %swap3A_694 : vector<1x16xf32> to vector<16xf32>
        %swap3A_696 = vector.shape_cast %mul3A_691 : vector<16xf32> to vector<1x16xf32>
        tpu.vector_store %arg18[%swap3A_692, %swap3A_693], %swap3A_696 {strides = array<i32>} : memref<128x128xf32, #tpu.memory_space<vmem>>, vector<1x16xf32>,
        %get3A_697 = arith.index_cast %add3A_656 : i32 to index
        %get3A_698 = arith.constant 64 : index
        %get3A_699 = tpu.vector_load %arg18[%get3A_697, %get3A_698] {strides = array<i32>} : memref<128x128xf32, #tpu.memory_space<vmem>>, vector<1x16xf32>,
        %get3A_700 = vector.shape_cast %get3A_699 : vector<1x16xf32> to vector<16xf32>
        %mul3A_701 = arith.mulf %get3A_700, %broadcast_in_dim3A_652 : vector<16xf32>
        %swap3A_702 = arith.index_cast %add3A_656 : i32 to index
        %swap3A_703 = arith.constant 64 : index
        %swap3A_704 = tpu.vector_load %arg18[%swap3A_702, %swap3A_703] {strides = array<i32>} : memref<128x128xf32, #tpu.memory_space<vmem>>, vector<1x16xf32>,
        %swap3A_705 = vector.shape_cast %swap3A_704 : vector<1x16xf32> to vector<16xf32>
        %swap3A_706 = vector.shape_cast %mul3A_701 : vector<16xf32> to vector<1x16xf32>
        tpu.vector_store %arg18[%swap3A_702, %swap3A_703], %swap3A_706 {strides = array<i32>} : memref<128x128xf32, #tpu.memory_space<vmem>>, vector<1x16xf32>,
        %get3A_707 = arith.index_cast %add3A_656 : i32 to index
        %get3A_708 = arith.constant 80 : index
        %get3A_709 = tpu.vector_load %arg18[%get3A_707, %get3A_708] {strides = array<i32>} : memref<128x128xf32, #tpu.memory_space<vmem>>, vector<1x16xf32>,
        %get3A_710 = vector.shape_cast %get3A_709 : vector<1x16xf32> to vector<16xf32>
        %mul3A_711 = arith.mulf %get3A_710, %broadcast_in_dim3A_652 : vector<16xf32>
        %swap3A_712 = arith.index_cast %add3A_656 : i32 to index
        %swap3A_713 = arith.constant 80 : index
        %swap3A_714 = tpu.vector_load %arg18[%swap3A_712, %swap3A_713] {strides = array<i32>} : memref<128x128xf32, #tpu.memory_space<vmem>>, vector<1x16xf32>,
        %swap3A_715 = vector.shape_cast %swap3A_714 : vector<1x16xf32> to vector<16xf32>
        %swap3A_716 = vector.shape_cast %mul3A_711 : vector<16xf32> to vector<1x16xf32>
        tpu.vector_store %arg18[%swap3A_712, %swap3A_713], %swap3A_716 {strides = array<i32>} : memref<128x128xf32, #tpu.memory_space<vmem>>, vector<1x16xf32>,
        %get3A_717 = arith.index_cast %add3A_656 : i32 to index
        %get3A_718 = arith.constant 96 : index
        %get3A_719 = tpu.vector_load %arg18[%get3A_717, %get3A_718] {strides = array<i32>} : memref<128x128xf32, #tpu.memory_space<vmem>>, vector<1x16xf32>,
        %get3A_720 = vector.shape_cast %get3A_719 : vector<1x16xf32> to vector<16xf32>
        %mul3A_721 = arith.mulf %get3A_720, %broadcast_in_dim3A_652 : vector<16xf32>
        %swap3A_722 = arith.index_cast %add3A_656 : i32 to index
        %swap3A_723 = arith.constant 96 : index
        %swap3A_724 = tpu.vector_load %arg18[%swap3A_722, %swap3A_723] {strides = array<i32>} : memref<128x128xf32, #tpu.memory_space<vmem>>, vector<1x16xf32>,
        %swap3A_725 = vector.shape_cast %swap3A_724 : vector<1x16xf32> to vector<16xf32>
        %swap3A_726 = vector.shape_cast %mul3A_721 : vector<16xf32> to vector<1x16xf32>
        tpu.vector_store %arg18[%swap3A_722, %swap3A_723], %swap3A_726 {strides = array<i32>} : memref<128x128xf32, #tpu.memory_space<vmem>>, vector<1x16xf32>,
        %get3A_727 = arith.index_cast %add3A_656 : i32 to index
        %get3A_728 = arith.constant 112 : index
        %get3A_729 = tpu.vector_load %arg18[%get3A_727, %get3A_728] {strides = array<i32>} : memref<128x128xf32, #tpu.memory_space<vmem>>, vector<1x16xf32>,
        %get3A_730 = vector.shape_cast %get3A_729 : vector<1x16xf32> to vector<16xf32>
        %mul3A_731 = arith.mulf %get3A_730, %broadcast_in_dim3A_652 : vector<16xf32>
        %swap3A_732 = arith.index_cast %add3A_656 : i32 to index
        %swap3A_733 = arith.constant 112 : index
        %swap3A_734 = tpu.vector_load %arg18[%swap3A_732, %swap3A_733] {strides = array<i32>} : memref<128x128xf32, #tpu.memory_space<vmem>>, vector<1x16xf32>,
        %swap3A_735 = vector.shape_cast %swap3A_734 : vector<1x16xf32> to vector<16xf32>
        %swap3A_736 = vector.shape_cast %mul3A_731 : vector<16xf32> to vector<1x16xf32>
        tpu.vector_store %arg18[%swap3A_732, %swap3A_733], %swap3A_736 {strides = array<i32>} : memref<128x128xf32, #tpu.memory_space<vmem>>, vector<1x16xf32>,
        %slice3A_737 = vector.extract_strided_slice %get3A_390 {offsets = [4], sizes = [1], strides = [1]} : vector<16xf32> to vector<1xf32>
        %squeeze3A_738 = vector.extract %slice3A_737[0] : f32 from vector<1xf32>
        %broadcast_in_dim3A_739 = vector.broadcast %squeeze3A_738 : f32 to vector<16xf32>
        %mul3A_740 = arith.constant 16 : i32
        %mul3A_741 = arith.muli %scan3A_385, %mul3A_740 : i32
        %add3A_742 = arith.constant 4 : i32
        %add3A_743 = arith.addi %mul3A_741, %add3A_742 : i32
        %get3A_744 = arith.index_cast %add3A_743 : i32 to index
        %get3A_745 = arith.constant 0 : index
        %get3A_746 = tpu.vector_load %arg18[%get3A_744, %get3A_745] {strides = array<i32>} : memref<128x128xf32, #tpu.memory_space<vmem>>, vector<1x16xf32>,
        %get3A_747 = vector.shape_cast %get3A_746 : vector<1x16xf32> to vector<16xf32>
        %mul3A_748 = arith.mulf %get3A_747, %broadcast_in_dim3A_739 : vector<16xf32>
        %swap3A_749 = arith.index_cast %add3A_743 : i32 to index
        %swap3A_750 = arith.constant 0 : index
        %swap3A_751 = tpu.vector_load %arg18[%swap3A_749, %swap3A_750] {strides = array<i32>} : memref<128x128xf32, #tpu.memory_space<vmem>>, vector<1x16xf32>,
        %swap3A_752 = vector.shape_cast %swap3A_751 : vector<1x16xf32> to vector<16xf32>
        %swap3A_753 = vector.shape_cast %mul3A_748 : vector<16xf32> to vector<1x16xf32>
        tpu.vector_store %arg18[%swap3A_749, %swap3A_750], %swap3A_753 {strides = array<i32>} : memref<128x128xf32, #tpu.memory_space<vmem>>, vector<1x16xf32>,
        %get3A_754 = arith.index_cast %add3A_743 : i32 to index
        %get3A_755 = arith.constant 16 : index
        %get3A_756 = tpu.vector_load %arg18[%get3A_754, %get3A_755] {strides = array<i32>} : memref<128x128xf32, #tpu.memory_space<vmem>>, vector<1x16xf32>,
        %get3A_757 = vector.shape_cast %get3A_756 : vector<1x16xf32> to vector<16xf32>
        %mul3A_758 = arith.mulf %get3A_757, %broadcast_in_dim3A_739 : vector<16xf32>
        %swap3A_759 = arith.index_cast %add3A_743 : i32 to index
        %swap3A_760 = arith.constant 16 : index
        %swap3A_761 = tpu.vector_load %arg18[%swap3A_759, %swap3A_760] {strides = array<i32>} : memref<128x128xf32, #tpu.memory_space<vmem>>, vector<1x16xf32>,
        %swap3A_762 = vector.shape_cast %swap3A_761 : vector<1x16xf32> to vector<16xf32>
        %swap3A_763 = vector.shape_cast %mul3A_758 : vector<16xf32> to vector<1x16xf32>
        tpu.vector_store %arg18[%swap3A_759, %swap3A_760], %swap3A_763 {strides = array<i32>} : memref<128x128xf32, #tpu.memory_space<vmem>>, vector<1x16xf32>,
        %get3A_764 = arith.index_cast %add3A_743 : i32 to index
        %get3A_765 = arith.constant 32 : index
        %get3A_766 = tpu.vector_load %arg18[%get3A_764, %get3A_765] {strides = array<i32>} : memref<128x128xf32, #tpu.memory_space<vmem>>, vector<1x16xf32>,
        %get3A_767 = vector.shape_cast %get3A_766 : vector<1x16xf32> to vector<16xf32>
        %mul3A_768 = arith.mulf %get3A_767, %broadcast_in_dim3A_739 : vector<16xf32>
        %swap3A_769 = arith.index_cast %add3A_743 : i32 to index
        %swap3A_770 = arith.constant 32 : index
        %swap3A_771 = tpu.vector_load %arg18[%swap3A_769, %swap3A_770] {strides = array<i32>} : memref<128x128xf32, #tpu.memory_space<vmem>>, vector<1x16xf32>,
        %swap3A_772 = vector.shape_cast %swap3A_771 : vector<1x16xf32> to vector<16xf32>
        %swap3A_773 = vector.shape_cast %mul3A_768 : vector<16xf32> to vector<1x16xf32>
        tpu.vector_store %arg18[%swap3A_769, %swap3A_770], %swap3A_773 {strides = array<i32>} : memref<128x128xf32, #tpu.memory_space<vmem>>, vector<1x16xf32>,
        %get3A_774 = arith.index_cast %add3A_743 : i32 to index
        %get3A_775 = arith.constant 48 : index
        %get3A_776 = tpu.vector_load %arg18[%get3A_774, %get3A_775] {strides = array<i32>} : memref<128x128xf32, #tpu.memory_space<vmem>>, vector<1x16xf32>,
        %get3A_777 = vector.shape_cast %get3A_776 : vector<1x16xf32> to vector<16xf32>
        %mul3A_778 = arith.mulf %get3A_777, %broadcast_in_dim3A_739 : vector<16xf32>
        %swap3A_779 = arith.index_cast %add3A_743 : i32 to index
        %swap3A_780 = arith.constant 48 : index
        %swap3A_781 = tpu.vector_load %arg18[%swap3A_779, %swap3A_780] {strides = array<i32>} : memref<128x128xf32, #tpu.memory_space<vmem>>, vector<1x16xf32>,
        %swap3A_782 = vector.shape_cast %swap3A_781 : vector<1x16xf32> to vector<16xf32>
        %swap3A_783 = vector.shape_cast %mul3A_778 : vector<16xf32> to vector<1x16xf32>
        tpu.vector_store %arg18[%swap3A_779, %swap3A_780], %swap3A_783 {strides = array<i32>} : memref<128x128xf32, #tpu.memory_space<vmem>>, vector<1x16xf32>,
        %get3A_784 = arith.index_cast %add3A_743 : i32 to index
        %get3A_785 = arith.constant 64 : index
        %get3A_786 = tpu.vector_load %arg18[%get3A_784, %get3A_785] {strides = array<i32>} : memref<128x128xf32, #tpu.memory_space<vmem>>, vector<1x16xf32>,
        %get3A_787 = vector.shape_cast %get3A_786 : vector<1x16xf32> to vector<16xf32>
        %mul3A_788 = arith.mulf %get3A_787, %broadcast_in_dim3A_739 : vector<16xf32>
        %swap3A_789 = arith.index_cast %add3A_743 : i32 to index
        %swap3A_790 = arith.constant 64 : index
        %swap3A_791 = tpu.vector_load %arg18[%swap3A_789, %swap3A_790] {strides = array<i32>} : memref<128x128xf32, #tpu.memory_space<vmem>>, vector<1x16xf32>,
        %swap3A_792 = vector.shape_cast %swap3A_791 : vector<1x16xf32> to vector<16xf32>
        %swap3A_793 = vector.shape_cast %mul3A_788 : vector<16xf32> to vector<1x16xf32>
        tpu.vector_store %arg18[%swap3A_789, %swap3A_790], %swap3A_793 {strides = array<i32>} : memref<128x128xf32, #tpu.memory_space<vmem>>, vector<1x16xf32>,
        %get3A_794 = arith.index_cast %add3A_743 : i32 to index
        %get3A_795 = arith.constant 80 : index
        %get3A_796 = tpu.vector_load %arg18[%get3A_794, %get3A_795] {strides = array<i32>} : memref<128x128xf32, #tpu.memory_space<vmem>>, vector<1x16xf32>,
        %get3A_797 = vector.shape_cast %get3A_796 : vector<1x16xf32> to vector<16xf32>
        %mul3A_798 = arith.mulf %get3A_797, %broadcast_in_dim3A_739 : vector<16xf32>
        %swap3A_799 = arith.index_cast %add3A_743 : i32 to index
        %swap3A_800 = arith.constant 80 : index
        %swap3A_801 = tpu.vector_load %arg18[%swap3A_799, %swap3A_800] {strides = array<i32>} : memref<128x128xf32, #tpu.memory_space<vmem>>, vector<1x16xf32>,
        %swap3A_802 = vector.shape_cast %swap3A_801 : vector<1x16xf32> to vector<16xf32>
        %swap3A_803 = vector.shape_cast %mul3A_798 : vector<16xf32> to vector<1x16xf32>
        tpu.vector_store %arg18[%swap3A_799, %swap3A_800], %swap3A_803 {strides = array<i32>} : memref<128x128xf32, #tpu.memory_space<vmem>>, vector<1x16xf32>,
        %get3A_804 = arith.index_cast %add3A_743 : i32 to index
        %get3A_805 = arith.constant 96 : index
        %get3A_806 = tpu.vector_load %arg18[%get3A_804, %get3A_805] {strides = array<i32>} : memref<128x128xf32, #tpu.memory_space<vmem>>, vector<1x16xf32>,
        %get3A_807 = vector.shape_cast %get3A_806 : vector<1x16xf32> to vector<16xf32>
        %mul3A_808 = arith.mulf %get3A_807, %broadcast_in_dim3A_739 : vector<16xf32>
        %swap3A_809 = arith.index_cast %add3A_743 : i32 to index
        %swap3A_810 = arith.constant 96 : index
        %swap3A_811 = tpu.vector_load %arg18[%swap3A_809, %swap3A_810] {strides = array<i32>} : memref<128x128xf32, #tpu.memory_space<vmem>>, vector<1x16xf32>,
        %swap3A_812 = vector.shape_cast %swap3A_811 : vector<1x16xf32> to vector<16xf32>
        %swap3A_813 = vector.shape_cast %mul3A_808 : vector<16xf32> to vector<1x16xf32>
        tpu.vector_store %arg18[%swap3A_809, %swap3A_810], %swap3A_813 {strides = array<i32>} : memref<128x128xf32, #tpu.memory_space<vmem>>, vector<1x16xf32>,
        %get3A_814 = arith.index_cast %add3A_743 : i32 to index
        %get3A_815 = arith.constant 112 : index
        %get3A_816 = tpu.vector_load %arg18[%get3A_814, %get3A_815] {strides = array<i32>} : memref<128x128xf32, #tpu.memory_space<vmem>>, vector<1x16xf32>,
        %get3A_817 = vector.shape_cast %get3A_816 : vector<1x16xf32> to vector<16xf32>
        %mul3A_818 = arith.mulf %get3A_817, %broadcast_in_dim3A_739 : vector<16xf32>
        %swap3A_819 = arith.index_cast %add3A_743 : i32 to index
        %swap3A_820 = arith.constant 112 : index
        %swap3A_821 = tpu.vector_load %arg18[%swap3A_819, %swap3A_820] {strides = array<i32>} : memref<128x128xf32, #tpu.memory_space<vmem>>, vector<1x16xf32>,
        %swap3A_822 = vector.shape_cast %swap3A_821 : vector<1x16xf32> to vector<16xf32>
        %swap3A_823 = vector.shape_cast %mul3A_818 : vector<16xf32> to vector<1x16xf32>
        tpu.vector_store %arg18[%swap3A_819, %swap3A_820], %swap3A_823 {strides = array<i32>} : memref<128x128xf32, #tpu.memory_space<vmem>>, vector<1x16xf32>,
        %slice3A_824 = vector.extract_strided_slice %get3A_390 {offsets = [5], sizes = [1], strides = [1]} : vector<16xf32> to vector<1xf32>
        %squeeze3A_825 = vector.extract %slice3A_824[0] : f32 from vector<1xf32>
        %broadcast_in_dim3A_826 = vector.broadcast %squeeze3A_825 : f32 to vector<16xf32>
        %mul3A_827 = arith.constant 16 : i32
        %mul3A_828 = arith.muli %scan3A_385, %mul3A_827 : i32
        %add3A_829 = arith.constant 5 : i32
        %add3A_830 = arith.addi %mul3A_828, %add3A_829 : i32
        %get3A_831 = arith.index_cast %add3A_830 : i32 to index
        %get3A_832 = arith.constant 0 : index
        %get3A_833 = tpu.vector_load %arg18[%get3A_831, %get3A_832] {strides = array<i32>} : memref<128x128xf32, #tpu.memory_space<vmem>>, vector<1x16xf32>,
        %get3A_834 = vector.shape_cast %get3A_833 : vector<1x16xf32> to vector<16xf32>
        %mul3A_835 = arith.mulf %get3A_834, %broadcast_in_dim3A_826 : vector<16xf32>
        %swap3A_836 = arith.index_cast %add3A_830 : i32 to index
        %swap3A_837 = arith.constant 0 : index
        %swap3A_838 = tpu.vector_load %arg18[%swap3A_836, %swap3A_837] {strides = array<i32>} : memref<128x128xf32, #tpu.memory_space<vmem>>, vector<1x16xf32>,
        %swap3A_839 = vector.shape_cast %swap3A_838 : vector<1x16xf32> to vector<16xf32>
        %swap3A_840 = vector.shape_cast %mul3A_835 : vector<16xf32> to vector<1x16xf32>
        tpu.vector_store %arg18[%swap3A_836, %swap3A_837], %swap3A_840 {strides = array<i32>} : memref<128x128xf32, #tpu.memory_space<vmem>>, vector<1x16xf32>,
        %get3A_841 = arith.index_cast %add3A_830 : i32 to index
        %get3A_842 = arith.constant 16 : index
        %get3A_843 = tpu.vector_load %arg18[%get3A_841, %get3A_842] {strides = array<i32>} : memref<128x128xf32, #tpu.memory_space<vmem>>, vector<1x16xf32>,
        %get3A_844 = vector.shape_cast %get3A_843 : vector<1x16xf32> to vector<16xf32>
        %mul3A_845 = arith.mulf %get3A_844, %broadcast_in_dim3A_826 : vector<16xf32>
        %swap3A_846 = arith.index_cast %add3A_830 : i32 to index
        %swap3A_847 = arith.constant 16 : index
        %swap3A_848 = tpu.vector_load %arg18[%swap3A_846, %swap3A_847] {strides = array<i32>} : memref<128x128xf32, #tpu.memory_space<vmem>>, vector<1x16xf32>,
        %swap3A_849 = vector.shape_cast %swap3A_848 : vector<1x16xf32> to vector<16xf32>
        %swap3A_850 = vector.shape_cast %mul3A_845 : vector<16xf32> to vector<1x16xf32>
        tpu.vector_store %arg18[%swap3A_846, %swap3A_847], %swap3A_850 {strides = array<i32>} : memref<128x128xf32, #tpu.memory_space<vmem>>, vector<1x16xf32>,
        %get3A_851 = arith.index_cast %add3A_830 : i32 to index
        %get3A_852 = arith.constant 32 : index
        %get3A_853 = tpu.vector_load %arg18[%get3A_851, %get3A_852] {strides = array<i32>} : memref<128x128xf32, #tpu.memory_space<vmem>>, vector<1x16xf32>,
        %get3A_854 = vector.shape_cast %get3A_853 : vector<1x16xf32> to vector<16xf32>
        %mul3A_855 = arith.mulf %get3A_854, %broadcast_in_dim3A_826 : vector<16xf32>
        %swap3A_856 = arith.index_cast %add3A_830 : i32 to index
        %swap3A_857 = arith.constant 32 : index
        %swap3A_858 = tpu.vector_load %arg18[%swap3A_856, %swap3A_857] {strides = array<i32>} : memref<128x128xf32, #tpu.memory_space<vmem>>, vector<1x16xf32>,
        %swap3A_859 = vector.shape_cast %swap3A_858 : vector<1x16xf32> to vector<16xf32>
        %swap3A_860 = vector.shape_cast %mul3A_855 : vector<16xf32> to vector<1x16xf32>
        tpu.vector_store %arg18[%swap3A_856, %swap3A_857], %swap3A_860 {strides = array<i32>} : memref<128x128xf32, #tpu.memory_space<vmem>>, vector<1x16xf32>,
        %get3A_861 = arith.index_cast %add3A_830 : i32 to index
        %get3A_862 = arith.constant 48 : index
        %get3A_863 = tpu.vector_load %arg18[%get3A_861, %get3A_862] {strides = array<i32>} : memref<128x128xf32, #tpu.memory_space<vmem>>, vector<1x16xf32>,
        %get3A_864 = vector.shape_cast %get3A_863 : vector<1x16xf32> to vector<16xf32>
        %mul3A_865 = arith.mulf %get3A_864, %broadcast_in_dim3A_826 : vector<16xf32>
        %swap3A_866 = arith.index_cast %add3A_830 : i32 to index
        %swap3A_867 = arith.constant 48 : index
        %swap3A_868 = tpu.vector_load %arg18[%swap3A_866, %swap3A_867] {strides = array<i32>} : memref<128x128xf32, #tpu.memory_space<vmem>>, vector<1x16xf32>,
        %swap3A_869 = vector.shape_cast %swap3A_868 : vector<1x16xf32> to vector<16xf32>
        %swap3A_870 = vector.shape_cast %mul3A_865 : vector<16xf32> to vector<1x16xf32>
        tpu.vector_store %arg18[%swap3A_866, %swap3A_867], %swap3A_870 {strides = array<i32>} : memref<128x128xf32, #tpu.memory_space<vmem>>, vector<1x16xf32>,
        %get3A_871 = arith.index_cast %add3A_830 : i32 to index
        %get3A_872 = arith.constant 64 : index
        %get3A_873 = tpu.vector_load %arg18[%get3A_871, %get3A_872] {strides = array<i32>} : memref<128x128xf32, #tpu.memory_space<vmem>>, vector<1x16xf32>,
        %get3A_874 = vector.shape_cast %get3A_873 : vector<1x16xf32> to vector<16xf32>
        %mul3A_875 = arith.mulf %get3A_874, %broadcast_in_dim3A_826 : vector<16xf32>
        %swap3A_876 = arith.index_cast %add3A_830 : i32 to index
        %swap3A_877 = arith.constant 64 : index
        %swap3A_878 = tpu.vector_load %arg18[%swap3A_876, %swap3A_877] {strides = array<i32>} : memref<128x128xf32, #tpu.memory_space<vmem>>, vector<1x16xf32>,
        %swap3A_879 = vector.shape_cast %swap3A_878 : vector<1x16xf32> to vector<16xf32>
        %swap3A_880 = vector.shape_cast %mul3A_875 : vector<16xf32> to vector<1x16xf32>
        tpu.vector_store %arg18[%swap3A_876, %swap3A_877], %swap3A_880 {strides = array<i32>} : memref<128x128xf32, #tpu.memory_space<vmem>>, vector<1x16xf32>,
        %get3A_881 = arith.index_cast %add3A_830 : i32 to index
        %get3A_882 = arith.constant 80 : index
        %get3A_883 = tpu.vector_load %arg18[%get3A_881, %get3A_882] {strides = array<i32>} : memref<128x128xf32, #tpu.memory_space<vmem>>, vector<1x16xf32>,
        %get3A_884 = vector.shape_cast %get3A_883 : vector<1x16xf32> to vector<16xf32>
        %mul3A_885 = arith.mulf %get3A_884, %broadcast_in_dim3A_826 : vector<16xf32>
        %swap3A_886 = arith.index_cast %add3A_830 : i32 to index
        %swap3A_887 = arith.constant 80 : index
        %swap3A_888 = tpu.vector_load %arg18[%swap3A_886, %swap3A_887] {strides = array<i32>} : memref<128x128xf32, #tpu.memory_space<vmem>>, vector<1x16xf32>,
        %swap3A_889 = vector.shape_cast %swap3A_888 : vector<1x16xf32> to vector<16xf32>
        %swap3A_890 = vector.shape_cast %mul3A_885 : vector<16xf32> to vector<1x16xf32>
        tpu.vector_store %arg18[%swap3A_886, %swap3A_887], %swap3A_890 {strides = array<i32>} : memref<128x128xf32, #tpu.memory_space<vmem>>, vector<1x16xf32>,
        %get3A_891 = arith.index_cast %add3A_830 : i32 to index
        %get3A_892 = arith.constant 96 : index
        %get3A_893 = tpu.vector_load %arg18[%get3A_891, %get3A_892] {strides = array<i32>} : memref<128x128xf32, #tpu.memory_space<vmem>>, vector<1x16xf32>,
        %get3A_894 = vector.shape_cast %get3A_893 : vector<1x16xf32> to vector<16xf32>
        %mul3A_895 = arith.mulf %get3A_894, %broadcast_in_dim3A_826 : vector<16xf32>
        %swap3A_896 = arith.index_cast %add3A_830 : i32 to index
        %swap3A_897 = arith.constant 96 : index
        %swap3A_898 = tpu.vector_load %arg18[%swap3A_896, %swap3A_897] {strides = array<i32>} : memref<128x128xf32, #tpu.memory_space<vmem>>, vector<1x16xf32>,
        %swap3A_899 = vector.shape_cast %swap3A_898 : vector<1x16xf32> to vector<16xf32>
        %swap3A_900 = vector.shape_cast %mul3A_895 : vector<16xf32> to vector<1x16xf32>
        tpu.vector_store %arg18[%swap3A_896, %swap3A_897], %swap3A_900 {strides = array<i32>} : memref<128x128xf32, #tpu.memory_space<vmem>>, vector<1x16xf32>,
        %get3A_901 = arith.index_cast %add3A_830 : i32 to index
        %get3A_902 = arith.constant 112 : index
        %get3A_903 = tpu.vector_load %arg18[%get3A_901, %get3A_902] {strides = array<i32>} : memref<128x128xf32, #tpu.memory_space<vmem>>, vector<1x16xf32>,
        %get3A_904 = vector.shape_cast %get3A_903 : vector<1x16xf32> to vector<16xf32>
        %mul3A_905 = arith.mulf %get3A_904, %broadcast_in_dim3A_826 : vector<16xf32>
        %swap3A_906 = arith.index_cast %add3A_830 : i32 to index
        %swap3A_907 = arith.constant 112 : index
        %swap3A_908 = tpu.vector_load %arg18[%swap3A_906, %swap3A_907] {strides = array<i32>} : memref<128x128xf32, #tpu.memory_space<vmem>>, vector<1x16xf32>,
        %swap3A_909 = vector.shape_cast %swap3A_908 : vector<1x16xf32> to vector<16xf32>
        %swap3A_910 = vector.shape_cast %mul3A_905 : vector<16xf32> to vector<1x16xf32>
        tpu.vector_store %arg18[%swap3A_906, %swap3A_907], %swap3A_910 {strides = array<i32>} : memref<128x128xf32, #tpu.memory_space<vmem>>, vector<1x16xf32>,
        %slice3A_911 = vector.extract_strided_slice %get3A_390 {offsets = [6], sizes = [1], strides = [1]} : vector<16xf32> to vector<1xf32>
        %squeeze3A_912 = vector.extract %slice3A_911[0] : f32 from vector<1xf32>
        %broadcast_in_dim3A_913 = vector.broadcast %squeeze3A_912 : f32 to vector<16xf32>
        %mul3A_914 = arith.constant 16 : i32
        %mul3A_915 = arith.muli %scan3A_385, %mul3A_914 : i32
        %add3A_916 = arith.constant 6 : i32
        %add3A_917 = arith.addi %mul3A_915, %add3A_916 : i32
        %get3A_918 = arith.index_cast %add3A_917 : i32 to index
        %get3A_919 = arith.constant 0 : index
        %get3A_920 = tpu.vector_load %arg18[%get3A_918, %get3A_919] {strides = array<i32>} : memref<128x128xf32, #tpu.memory_space<vmem>>, vector<1x16xf32>,
        %get3A_921 = vector.shape_cast %get3A_920 : vector<1x16xf32> to vector<16xf32>
        %mul3A_922 = arith.mulf %get3A_921, %broadcast_in_dim3A_913 : vector<16xf32>
        %swap3A_923 = arith.index_cast %add3A_917 : i32 to index
        %swap3A_924 = arith.constant 0 : index
        %swap3A_925 = tpu.vector_load %arg18[%swap3A_923, %swap3A_924] {strides = array<i32>} : memref<128x128xf32, #tpu.memory_space<vmem>>, vector<1x16xf32>,
        %swap3A_926 = vector.shape_cast %swap3A_925 : vector<1x16xf32> to vector<16xf32>
        %swap3A_927 = vector.shape_cast %mul3A_922 : vector<16xf32> to vector<1x16xf32>
        tpu.vector_store %arg18[%swap3A_923, %swap3A_924], %swap3A_927 {strides = array<i32>} : memref<128x128xf32, #tpu.memory_space<vmem>>, vector<1x16xf32>,
        %get3A_928 = arith.index_cast %add3A_917 : i32 to index
        %get3A_929 = arith.constant 16 : index
        %get3A_930 = tpu.vector_load %arg18[%get3A_928, %get3A_929] {strides = array<i32>} : memref<128x128xf32, #tpu.memory_space<vmem>>, vector<1x16xf32>,
        %get3A_931 = vector.shape_cast %get3A_930 : vector<1x16xf32> to vector<16xf32>
        %mul3A_932 = arith.mulf %get3A_931, %broadcast_in_dim3A_913 : vector<16xf32>
        %swap3A_933 = arith.index_cast %add3A_917 : i32 to index
        %swap3A_934 = arith.constant 16 : index
        %swap3A_935 = tpu.vector_load %arg18[%swap3A_933, %swap3A_934] {strides = array<i32>} : memref<128x128xf32, #tpu.memory_space<vmem>>, vector<1x16xf32>,
        %swap3A_936 = vector.shape_cast %swap3A_935 : vector<1x16xf32> to vector<16xf32>
        %swap3A_937 = vector.shape_cast %mul3A_932 : vector<16xf32> to vector<1x16xf32>
        tpu.vector_store %arg18[%swap3A_933, %swap3A_934], %swap3A_937 {strides = array<i32>} : memref<128x128xf32, #tpu.memory_space<vmem>>, vector<1x16xf32>,
        %get3A_938 = arith.index_cast %add3A_917 : i32 to index
        %get3A_939 = arith.constant 32 : index
        %get3A_940 = tpu.vector_load %arg18[%get3A_938, %get3A_939] {strides = array<i32>} : memref<128x128xf32, #tpu.memory_space<vmem>>, vector<1x16xf32>,
        %get3A_941 = vector.shape_cast %get3A_940 : vector<1x16xf32> to vector<16xf32>
        %mul3A_942 = arith.mulf %get3A_941, %broadcast_in_dim3A_913 : vector<16xf32>
        %swap3A_943 = arith.index_cast %add3A_917 : i32 to index
        %swap3A_944 = arith.constant 32 : index
        %swap3A_945 = tpu.vector_load %arg18[%swap3A_943, %swap3A_944] {strides = array<i32>} : memref<128x128xf32, #tpu.memory_space<vmem>>, vector<1x16xf32>,
        %swap3A_946 = vector.shape_cast %swap3A_945 : vector<1x16xf32> to vector<16xf32>
        %swap3A_947 = vector.shape_cast %mul3A_942 : vector<16xf32> to vector<1x16xf32>
        tpu.vector_store %arg18[%swap3A_943, %swap3A_944], %swap3A_947 {strides = array<i32>} : memref<128x128xf32, #tpu.memory_space<vmem>>, vector<1x16xf32>,
        %get3A_948 = arith.index_cast %add3A_917 : i32 to index
        %get3A_949 = arith.constant 48 : index
        %get3A_950 = tpu.vector_load %arg18[%get3A_948, %get3A_949] {strides = array<i32>} : memref<128x128xf32, #tpu.memory_space<vmem>>, vector<1x16xf32>,
        %get3A_951 = vector.shape_cast %get3A_950 : vector<1x16xf32> to vector<16xf32>
        %mul3A_952 = arith.mulf %get3A_951, %broadcast_in_dim3A_913 : vector<16xf32>
        %swap3A_953 = arith.index_cast %add3A_917 : i32 to index
        %swap3A_954 = arith.constant 48 : index
        %swap3A_955 = tpu.vector_load %arg18[%swap3A_953, %swap3A_954] {strides = array<i32>} : memref<128x128xf32, #tpu.memory_space<vmem>>, vector<1x16xf32>,
        %swap3A_956 = vector.shape_cast %swap3A_955 : vector<1x16xf32> to vector<16xf32>
        %swap3A_957 = vector.shape_cast %mul3A_952 : vector<16xf32> to vector<1x16xf32>
        tpu.vector_store %arg18[%swap3A_953, %swap3A_954], %swap3A_957 {strides = array<i32>} : memref<128x128xf32, #tpu.memory_space<vmem>>, vector<1x16xf32>,
        %get3A_958 = arith.index_cast %add3A_917 : i32 to index
        %get3A_959 = arith.constant 64 : index
        %get3A_960 = tpu.vector_load %arg18[%get3A_958, %get3A_959] {strides = array<i32>} : memref<128x128xf32, #tpu.memory_space<vmem>>, vector<1x16xf32>,
        %get3A_961 = vector.shape_cast %get3A_960 : vector<1x16xf32> to vector<16xf32>
        %mul3A_962 = arith.mulf %get3A_961, %broadcast_in_dim3A_913 : vector<16xf32>
        %swap3A_963 = arith.index_cast %add3A_917 : i32 to index
        %swap3A_964 = arith.constant 64 : index
        %swap3A_965 = tpu.vector_load %arg18[%swap3A_963, %swap3A_964] {strides = array<i32>} : memref<128x128xf32, #tpu.memory_space<vmem>>, vector<1x16xf32>,
        %swap3A_966 = vector.shape_cast %swap3A_965 : vector<1x16xf32> to vector<16xf32>
        %swap3A_967 = vector.shape_cast %mul3A_962 : vector<16xf32> to vector<1x16xf32>
        tpu.vector_store %arg18[%swap3A_963, %swap3A_964], %swap3A_967 {strides = array<i32>} : memref<128x128xf32, #tpu.memory_space<vmem>>, vector<1x16xf32>,
        %get3A_968 = arith.index_cast %add3A_917 : i32 to index
        %get3A_969 = arith.constant 80 : index
        %get3A_970 = tpu.vector_load %arg18[%get3A_968, %get3A_969] {strides = array<i32>} : memref<128x128xf32, #tpu.memory_space<vmem>>, vector<1x16xf32>,
        %get3A_971 = vector.shape_cast %get3A_970 : vector<1x16xf32> to vector<16xf32>
        %mul3A_972 = arith.mulf %get3A_971, %broadcast_in_dim3A_913 : vector<16xf32>
        %swap3A_973 = arith.index_cast %add3A_917 : i32 to index
        %swap3A_974 = arith.constant 80 : index
        %swap3A_975 = tpu.vector_load %arg18[%swap3A_973, %swap3A_974] {strides = array<i32>} : memref<128x128xf32, #tpu.memory_space<vmem>>, vector<1x16xf32>,
        %swap3A_976 = vector.shape_cast %swap3A_975 : vector<1x16xf32> to vector<16xf32>
        %swap3A_977 = vector.shape_cast %mul3A_972 : vector<16xf32> to vector<1x16xf32>
        tpu.vector_store %arg18[%swap3A_973, %swap3A_974], %swap3A_977 {strides = array<i32>} : memref<128x128xf32, #tpu.memory_space<vmem>>, vector<1x16xf32>,
        %get3A_978 = arith.index_cast %add3A_917 : i32 to index
        %get3A_979 = arith.constant 96 : index
        %get3A_980 = tpu.vector_load %arg18[%get3A_978, %get3A_979] {strides = array<i32>} : memref<128x128xf32, #tpu.memory_space<vmem>>, vector<1x16xf32>,
        %get3A_981 = vector.shape_cast %get3A_980 : vector<1x16xf32> to vector<16xf32>
        %mul3A_982 = arith.mulf %get3A_981, %broadcast_in_dim3A_913 : vector<16xf32>
        %swap3A_983 = arith.index_cast %add3A_917 : i32 to index
        %swap3A_984 = arith.constant 96 : index
        %swap3A_985 = tpu.vector_load %arg18[%swap3A_983, %swap3A_984] {strides = array<i32>} : memref<128x128xf32, #tpu.memory_space<vmem>>, vector<1x16xf32>,
        %swap3A_986 = vector.shape_cast %swap3A_985 : vector<1x16xf32> to vector<16xf32>
        %swap3A_987 = vector.shape_cast %mul3A_982 : vector<16xf32> to vector<1x16xf32>
        tpu.vector_store %arg18[%swap3A_983, %swap3A_984], %swap3A_987 {strides = array<i32>} : memref<128x128xf32, #tpu.memory_space<vmem>>, vector<1x16xf32>,
        %get3A_988 = arith.index_cast %add3A_917 : i32 to index
        %get3A_989 = arith.constant 112 : index
        %get3A_990 = tpu.vector_load %arg18[%get3A_988, %get3A_989] {strides = array<i32>} : memref<128x128xf32, #tpu.memory_space<vmem>>, vector<1x16xf32>,
        %get3A_991 = vector.shape_cast %get3A_990 : vector<1x16xf32> to vector<16xf32>
        %mul3A_992 = arith.mulf %get3A_991, %broadcast_in_dim3A_913 : vector<16xf32>
        %swap3A_993 = arith.index_cast %add3A_917 : i32 to index
        %swap3A_994 = arith.constant 112 : index
        %swap3A_995 = tpu.vector_load %arg18[%swap3A_993, %swap3A_994] {strides = array<i32>} : memref<128x128xf32, #tpu.memory_space<vmem>>, vector<1x16xf32>,
        %swap3A_996 = vector.shape_cast %swap3A_995 : vector<1x16xf32> to vector<16xf32>
        %swap3A_997 = vector.shape_cast %mul3A_992 : vector<16xf32> to vector<1x16xf32>
        tpu.vector_store %arg18[%swap3A_993, %swap3A_994], %swap3A_997 {strides = array<i32>} : memref<128x128xf32, #tpu.memory_space<vmem>>, vector<1x16xf32>,
        %slice3A_998 = vector.extract_strided_slice %get3A_390 {offsets = [7], sizes = [1], strides = [1]} : vector<16xf32> to vector<1xf32>
        %squeeze3A_999 = vector.extract %slice3A_998[0] : f32 from vector<1xf32>
        %broadcast_in_dim3A_1000 = vector.broadcast %squeeze3A_999 : f32 to vector<16xf32>
        %mul3A_1001 = arith.constant 16 : i32
        %mul3A_1002 = arith.muli %scan3A_385, %mul3A_1001 : i32
        %add3A_1003 = arith.constant 7 : i32
        %add3A_1004 = arith.addi %mul3A_1002, %add3A_1003 : i32
        %get3A_1005 = arith.index_cast %add3A_1004 : i32 to index
        %get3A_1006 = arith.constant 0 : index
        %get3A_1007 = tpu.vector_load %arg18[%get3A_1005, %get3A_1006] {strides = array<i32>} : memref<128x128xf32, #tpu.memory_space<vmem>>, vector<1x16xf32>,
        %get3A_1008 = vector.shape_cast %get3A_1007 : vector<1x16xf32> to vector<16xf32>
        %mul3A_1009 = arith.mulf %get3A_1008, %broadcast_in_dim3A_1000 : vector<16xf32>
        %swap3A_1010 = arith.index_cast %add3A_1004 : i32 to index
        %swap3A_1011 = arith.constant 0 : index
        %swap3A_1012 = tpu.vector_load %arg18[%swap3A_1010, %swap3A_1011] {strides = array<i32>} : memref<128x128xf32, #tpu.memory_space<vmem>>, vector<1x16xf32>,
        %swap3A_1013 = vector.shape_cast %swap3A_1012 : vector<1x16xf32> to vector<16xf32>
        %swap3A_1014 = vector.shape_cast %mul3A_1009 : vector<16xf32> to vector<1x16xf32>
        tpu.vector_store %arg18[%swap3A_1010, %swap3A_1011], %swap3A_1014 {strides = array<i32>} : memref<128x128xf32, #tpu.memory_space<vmem>>, vector<1x16xf32>,
        %get3A_1015 = arith.index_cast %add3A_1004 : i32 to index
        %get3A_1016 = arith.constant 16 : index
        %get3A_1017 = tpu.vector_load %arg18[%get3A_1015, %get3A_1016] {strides = array<i32>} : memref<128x128xf32, #tpu.memory_space<vmem>>, vector<1x16xf32>,
        %get3A_1018 = vector.shape_cast %get3A_1017 : vector<1x16xf32> to vector<16xf32>
        %mul3A_1019 = arith.mulf %get3A_1018, %broadcast_in_dim3A_1000 : vector<16xf32>
        %swap3A_1020 = arith.index_cast %add3A_1004 : i32 to index
        %swap3A_1021 = arith.constant 16 : index
        %swap3A_1022 = tpu.vector_load %arg18[%swap3A_1020, %swap3A_1021] {strides = array<i32>} : memref<128x128xf32, #tpu.memory_space<vmem>>, vector<1x16xf32>,
        %swap3A_1023 = vector.shape_cast %swap3A_1022 : vector<1x16xf32> to vector<16xf32>
        %swap3A_1024 = vector.shape_cast %mul3A_1019 : vector<16xf32> to vector<1x16xf32>
        tpu.vector_store %arg18[%swap3A_1020, %swap3A_1021], %swap3A_1024 {strides = array<i32>} : memref<128x128xf32, #tpu.memory_space<vmem>>, vector<1x16xf32>,
        %get3A_1025 = arith.index_cast %add3A_1004 : i32 to index
        %get3A_1026 = arith.constant 32 : index
        %get3A_1027 = tpu.vector_load %arg18[%get3A_1025, %get3A_1026] {strides = array<i32>} : memref<128x128xf32, #tpu.memory_space<vmem>>, vector<1x16xf32>,
        %get3A_1028 = vector.shape_cast %get3A_1027 : vector<1x16xf32> to vector<16xf32>
        %mul3A_1029 = arith.mulf %get3A_1028, %broadcast_in_dim3A_1000 : vector<16xf32>
        %swap3A_1030 = arith.index_cast %add3A_1004 : i32 to index
        %swap3A_1031 = arith.constant 32 : index
        %swap3A_1032 = tpu.vector_load %arg18[%swap3A_1030, %swap3A_1031] {strides = array<i32>} : memref<128x128xf32, #tpu.memory_space<vmem>>, vector<1x16xf32>,
        %swap3A_1033 = vector.shape_cast %swap3A_1032 : vector<1x16xf32> to vector<16xf32>
        %swap3A_1034 = vector.shape_cast %mul3A_1029 : vector<16xf32> to vector<1x16xf32>
        tpu.vector_store %arg18[%swap3A_1030, %swap3A_1031], %swap3A_1034 {strides = array<i32>} : memref<128x128xf32, #tpu.memory_space<vmem>>, vector<1x16xf32>,
        %get3A_1035 = arith.index_cast %add3A_1004 : i32 to index
        %get3A_1036 = arith.constant 48 : index
        %get3A_1037 = tpu.vector_load %arg18[%get3A_1035, %get3A_1036] {strides = array<i32>} : memref<128x128xf32, #tpu.memory_space<vmem>>, vector<1x16xf32>,
        %get3A_1038 = vector.shape_cast %get3A_1037 : vector<1x16xf32> to vector<16xf32>
        %mul3A_1039 = arith.mulf %get3A_1038, %broadcast_in_dim3A_1000 : vector<16xf32>
        %swap3A_1040 = arith.index_cast %add3A_1004 : i32 to index
        %swap3A_1041 = arith.constant 48 : index
        %swap3A_1042 = tpu.vector_load %arg18[%swap3A_1040, %swap3A_1041] {strides = array<i32>} : memref<128x128xf32, #tpu.memory_space<vmem>>, vector<1x16xf32>,
        %swap3A_1043 = vector.shape_cast %swap3A_1042 : vector<1x16xf32> to vector<16xf32>
        %swap3A_1044 = vector.shape_cast %mul3A_1039 : vector<16xf32> to vector<1x16xf32>
        tpu.vector_store %arg18[%swap3A_1040, %swap3A_1041], %swap3A_1044 {strides = array<i32>} : memref<128x128xf32, #tpu.memory_space<vmem>>, vector<1x16xf32>,
        %get3A_1045 = arith.index_cast %add3A_1004 : i32 to index
        %get3A_1046 = arith.constant 64 : index
        %get3A_1047 = tpu.vector_load %arg18[%get3A_1045, %get3A_1046] {strides = array<i32>} : memref<128x128xf32, #tpu.memory_space<vmem>>, vector<1x16xf32>,
        %get3A_1048 = vector.shape_cast %get3A_1047 : vector<1x16xf32> to vector<16xf32>
        %mul3A_1049 = arith.mulf %get3A_1048, %broadcast_in_dim3A_1000 : vector<16xf32>
        %swap3A_1050 = arith.index_cast %add3A_1004 : i32 to index
        %swap3A_1051 = arith.constant 64 : index
        %swap3A_1052 = tpu.vector_load %arg18[%swap3A_1050, %swap3A_1051] {strides = array<i32>} : memref<128x128xf32, #tpu.memory_space<vmem>>, vector<1x16xf32>,
        %swap3A_1053 = vector.shape_cast %swap3A_1052 : vector<1x16xf32> to vector<16xf32>
        %swap3A_1054 = vector.shape_cast %mul3A_1049 : vector<16xf32> to vector<1x16xf32>
        tpu.vector_store %arg18[%swap3A_1050, %swap3A_1051], %swap3A_1054 {strides = array<i32>} : memref<128x128xf32, #tpu.memory_space<vmem>>, vector<1x16xf32>,
        %get3A_1055 = arith.index_cast %add3A_1004 : i32 to index
        %get3A_1056 = arith.constant 80 : index
        %get3A_1057 = tpu.vector_load %arg18[%get3A_1055, %get3A_1056] {strides = array<i32>} : memref<128x128xf32, #tpu.memory_space<vmem>>, vector<1x16xf32>,
        %get3A_1058 = vector.shape_cast %get3A_1057 : vector<1x16xf32> to vector<16xf32>
        %mul3A_1059 = arith.mulf %get3A_1058, %broadcast_in_dim3A_1000 : vector<16xf32>
        %swap3A_1060 = arith.index_cast %add3A_1004 : i32 to index
        %swap3A_1061 = arith.constant 80 : index
        %swap3A_1062 = tpu.vector_load %arg18[%swap3A_1060, %swap3A_1061] {strides = array<i32>} : memref<128x128xf32, #tpu.memory_space<vmem>>, vector<1x16xf32>,
        %swap3A_1063 = vector.shape_cast %swap3A_1062 : vector<1x16xf32> to vector<16xf32>
        %swap3A_1064 = vector.shape_cast %mul3A_1059 : vector<16xf32> to vector<1x16xf32>
        tpu.vector_store %arg18[%swap3A_1060, %swap3A_1061], %swap3A_1064 {strides = array<i32>} : memref<128x128xf32, #tpu.memory_space<vmem>>, vector<1x16xf32>,
        %get3A_1065 = arith.index_cast %add3A_1004 : i32 to index
        %get3A_1066 = arith.constant 96 : index
        %get3A_1067 = tpu.vector_load %arg18[%get3A_1065, %get3A_1066] {strides = array<i32>} : memref<128x128xf32, #tpu.memory_space<vmem>>, vector<1x16xf32>,
        %get3A_1068 = vector.shape_cast %get3A_1067 : vector<1x16xf32> to vector<16xf32>
        %mul3A_1069 = arith.mulf %get3A_1068, %broadcast_in_dim3A_1000 : vector<16xf32>
        %swap3A_1070 = arith.index_cast %add3A_1004 : i32 to index
        %swap3A_1071 = arith.constant 96 : index
        %swap3A_1072 = tpu.vector_load %arg18[%swap3A_1070, %swap3A_1071] {strides = array<i32>} : memref<128x128xf32, #tpu.memory_space<vmem>>, vector<1x16xf32>,
        %swap3A_1073 = vector.shape_cast %swap3A_1072 : vector<1x16xf32> to vector<16xf32>
        %swap3A_1074 = vector.shape_cast %mul3A_1069 : vector<16xf32> to vector<1x16xf32>
        tpu.vector_store %arg18[%swap3A_1070, %swap3A_1071], %swap3A_1074 {strides = array<i32>} : memref<128x128xf32, #tpu.memory_space<vmem>>, vector<1x16xf32>,
        %get3A_1075 = arith.index_cast %add3A_1004 : i32 to index
        %get3A_1076 = arith.constant 112 : index
        %get3A_1077 = tpu.vector_load %arg18[%get3A_1075, %get3A_1076] {strides = array<i32>} : memref<128x128xf32, #tpu.memory_space<vmem>>, vector<1x16xf32>,
        %get3A_1078 = vector.shape_cast %get3A_1077 : vector<1x16xf32> to vector<16xf32>
        %mul3A_1079 = arith.mulf %get3A_1078, %broadcast_in_dim3A_1000 : vector<16xf32>
        %swap3A_1080 = arith.index_cast %add3A_1004 : i32 to index
        %swap3A_1081 = arith.constant 112 : index
        %swap3A_1082 = tpu.vector_load %arg18[%swap3A_1080, %swap3A_1081] {strides = array<i32>} : memref<128x128xf32, #tpu.memory_space<vmem>>, vector<1x16xf32>,
        %swap3A_1083 = vector.shape_cast %swap3A_1082 : vector<1x16xf32> to vector<16xf32>
        %swap3A_1084 = vector.shape_cast %mul3A_1079 : vector<16xf32> to vector<1x16xf32>
        tpu.vector_store %arg18[%swap3A_1080, %swap3A_1081], %swap3A_1084 {strides = array<i32>} : memref<128x128xf32, #tpu.memory_space<vmem>>, vector<1x16xf32>,
        %slice3A_1085 = vector.extract_strided_slice %get3A_390 {offsets = [8], sizes = [1], strides = [1]} : vector<16xf32> to vector<1xf32>
        %squeeze3A_1086 = vector.extract %slice3A_1085[0] : f32 from vector<1xf32>
        %broadcast_in_dim3A_1087 = vector.broadcast %squeeze3A_1086 : f32 to vector<16xf32>
        %mul3A_1088 = arith.constant 16 : i32
        %mul3A_1089 = arith.muli %scan3A_385, %mul3A_1088 : i32
        %add3A_1090 = arith.constant 8 : i32
        %add3A_1091 = arith.addi %mul3A_1089, %add3A_1090 : i32
        %get3A_1092 = arith.index_cast %add3A_1091 : i32 to index
        %get3A_1093 = arith.constant 0 : index
        %get3A_1094 = tpu.vector_load %arg18[%get3A_1092, %get3A_1093] {strides = array<i32>} : memref<128x128xf32, #tpu.memory_space<vmem>>, vector<1x16xf32>,
        %get3A_1095 = vector.shape_cast %get3A_1094 : vector<1x16xf32> to vector<16xf32>
        %mul3A_1096 = arith.mulf %get3A_1095, %broadcast_in_dim3A_1087 : vector<16xf32>
        %swap3A_1097 = arith.index_cast %add3A_1091 : i32 to index
        %swap3A_1098 = arith.constant 0 : index
        %swap3A_1099 = tpu.vector_load %arg18[%swap3A_1097, %swap3A_1098] {strides = array<i32>} : memref<128x128xf32, #tpu.memory_space<vmem>>, vector<1x16xf32>,
        %swap3A_1100 = vector.shape_cast %swap3A_1099 : vector<1x16xf32> to vector<16xf32>
        %swap3A_1101 = vector.shape_cast %mul3A_1096 : vector<16xf32> to vector<1x16xf32>
        tpu.vector_store %arg18[%swap3A_1097, %swap3A_1098], %swap3A_1101 {strides = array<i32>} : memref<128x128xf32, #tpu.memory_space<vmem>>, vector<1x16xf32>,
        %get3A_1102 = arith.index_cast %add3A_1091 : i32 to index
        %get3A_1103 = arith.constant 16 : index
        %get3A_1104 = tpu.vector_load %arg18[%get3A_1102, %get3A_1103] {strides = array<i32>} : memref<128x128xf32, #tpu.memory_space<vmem>>, vector<1x16xf32>,
        %get3A_1105 = vector.shape_cast %get3A_1104 : vector<1x16xf32> to vector<16xf32>
        %mul3A_1106 = arith.mulf %get3A_1105, %broadcast_in_dim3A_1087 : vector<16xf32>
        %swap3A_1107 = arith.index_cast %add3A_1091 : i32 to index
        %swap3A_1108 = arith.constant 16 : index
        %swap3A_1109 = tpu.vector_load %arg18[%swap3A_1107, %swap3A_1108] {strides = array<i32>} : memref<128x128xf32, #tpu.memory_space<vmem>>, vector<1x16xf32>,
        %swap3A_1110 = vector.shape_cast %swap3A_1109 : vector<1x16xf32> to vector<16xf32>
        %swap3A_1111 = vector.shape_cast %mul3A_1106 : vector<16xf32> to vector<1x16xf32>
        tpu.vector_store %arg18[%swap3A_1107, %swap3A_1108], %swap3A_1111 {strides = array<i32>} : memref<128x128xf32, #tpu.memory_space<vmem>>, vector<1x16xf32>,
        %get3A_1112 = arith.index_cast %add3A_1091 : i32 to index
        %get3A_1113 = arith.constant 32 : index
        %get3A_1114 = tpu.vector_load %arg18[%get3A_1112, %get3A_1113] {strides = array<i32>} : memref<128x128xf32, #tpu.memory_space<vmem>>, vector<1x16xf32>,
        %get3A_1115 = vector.shape_cast %get3A_1114 : vector<1x16xf32> to vector<16xf32>
        %mul3A_1116 = arith.mulf %get3A_1115, %broadcast_in_dim3A_1087 : vector<16xf32>
        %swap3A_1117 = arith.index_cast %add3A_1091 : i32 to index
        %swap3A_1118 = arith.constant 32 : index
        %swap3A_1119 = tpu.vector_load %arg18[%swap3A_1117, %swap3A_1118] {strides = array<i32>} : memref<128x128xf32, #tpu.memory_space<vmem>>, vector<1x16xf32>,
        %swap3A_1120 = vector.shape_cast %swap3A_1119 : vector<1x16xf32> to vector<16xf32>
        %swap3A_1121 = vector.shape_cast %mul3A_1116 : vector<16xf32> to vector<1x16xf32>
        tpu.vector_store %arg18[%swap3A_1117, %swap3A_1118], %swap3A_1121 {strides = array<i32>} : memref<128x128xf32, #tpu.memory_space<vmem>>, vector<1x16xf32>,
        %get3A_1122 = arith.index_cast %add3A_1091 : i32 to index
        %get3A_1123 = arith.constant 48 : index
        %get3A_1124 = tpu.vector_load %arg18[%get3A_1122, %get3A_1123] {strides = array<i32>} : memref<128x128xf32, #tpu.memory_space<vmem>>, vector<1x16xf32>,
        %get3A_1125 = vector.shape_cast %get3A_1124 : vector<1x16xf32> to vector<16xf32>
        %mul3A_1126 = arith.mulf %get3A_1125, %broadcast_in_dim3A_1087 : vector<16xf32>
        %swap3A_1127 = arith.index_cast %add3A_1091 : i32 to index
        %swap3A_1128 = arith.constant 48 : index
        %swap3A_1129 = tpu.vector_load %arg18[%swap3A_1127, %swap3A_1128] {strides = array<i32>} : memref<128x128xf32, #tpu.memory_space<vmem>>, vector<1x16xf32>,
        %swap3A_1130 = vector.shape_cast %swap3A_1129 : vector<1x16xf32> to vector<16xf32>
        %swap3A_1131 = vector.shape_cast %mul3A_1126 : vector<16xf32> to vector<1x16xf32>
        tpu.vector_store %arg18[%swap3A_1127, %swap3A_1128], %swap3A_1131 {strides = array<i32>} : memref<128x128xf32, #tpu.memory_space<vmem>>, vector<1x16xf32>,
        %get3A_1132 = arith.index_cast %add3A_1091 : i32 to index
        %get3A_1133 = arith.constant 64 : index
        %get3A_1134 = tpu.vector_load %arg18[%get3A_1132, %get3A_1133] {strides = array<i32>} : memref<128x128xf32, #tpu.memory_space<vmem>>, vector<1x16xf32>,
        %get3A_1135 = vector.shape_cast %get3A_1134 : vector<1x16xf32> to vector<16xf32>
        %mul3A_1136 = arith.mulf %get3A_1135, %broadcast_in_dim3A_1087 : vector<16xf32>
        %swap3A_1137 = arith.index_cast %add3A_1091 : i32 to index
        %swap3A_1138 = arith.constant 64 : index
        %swap3A_1139 = tpu.vector_load %arg18[%swap3A_1137, %swap3A_1138] {strides = array<i32>} : memref<128x128xf32, #tpu.memory_space<vmem>>, vector<1x16xf32>,
        %swap3A_1140 = vector.shape_cast %swap3A_1139 : vector<1x16xf32> to vector<16xf32>
        %swap3A_1141 = vector.shape_cast %mul3A_1136 : vector<16xf32> to vector<1x16xf32>
        tpu.vector_store %arg18[%swap3A_1137, %swap3A_1138], %swap3A_1141 {strides = array<i32>} : memref<128x128xf32, #tpu.memory_space<vmem>>, vector<1x16xf32>,
        %get3A_1142 = arith.index_cast %add3A_1091 : i32 to index
        %get3A_1143 = arith.constant 80 : index
        %get3A_1144 = tpu.vector_load %arg18[%get3A_1142, %get3A_1143] {strides = array<i32>} : memref<128x128xf32, #tpu.memory_space<vmem>>, vector<1x16xf32>,
        %get3A_1145 = vector.shape_cast %get3A_1144 : vector<1x16xf32> to vector<16xf32>
        %mul3A_1146 = arith.mulf %get3A_1145, %broadcast_in_dim3A_1087 : vector<16xf32>
        %swap3A_1147 = arith.index_cast %add3A_1091 : i32 to index
        %swap3A_1148 = arith.constant 80 : index
        %swap3A_1149 = tpu.vector_load %arg18[%swap3A_1147, %swap3A_1148] {strides = array<i32>} : memref<128x128xf32, #tpu.memory_space<vmem>>, vector<1x16xf32>,
        %swap3A_1150 = vector.shape_cast %swap3A_1149 : vector<1x16xf32> to vector<16xf32>
        %swap3A_1151 = vector.shape_cast %mul3A_1146 : vector<16xf32> to vector<1x16xf32>
        tpu.vector_store %arg18[%swap3A_1147, %swap3A_1148], %swap3A_1151 {strides = array<i32>} : memref<128x128xf32, #tpu.memory_space<vmem>>, vector<1x16xf32>,
        %get3A_1152 = arith.index_cast %add3A_1091 : i32 to index
        %get3A_1153 = arith.constant 96 : index
        %get3A_1154 = tpu.vector_load %arg18[%get3A_1152, %get3A_1153] {strides = array<i32>} : memref<128x128xf32, #tpu.memory_space<vmem>>, vector<1x16xf32>,
        %get3A_1155 = vector.shape_cast %get3A_1154 : vector<1x16xf32> to vector<16xf32>
        %mul3A_1156 = arith.mulf %get3A_1155, %broadcast_in_dim3A_1087 : vector<16xf32>
        %swap3A_1157 = arith.index_cast %add3A_1091 : i32 to index
        %swap3A_1158 = arith.constant 96 : index
        %swap3A_1159 = tpu.vector_load %arg18[%swap3A_1157, %swap3A_1158] {strides = array<i32>} : memref<128x128xf32, #tpu.memory_space<vmem>>, vector<1x16xf32>,
        %swap3A_1160 = vector.shape_cast %swap3A_1159 : vector<1x16xf32> to vector<16xf32>
        %swap3A_1161 = vector.shape_cast %mul3A_1156 : vector<16xf32> to vector<1x16xf32>
        tpu.vector_store %arg18[%swap3A_1157, %swap3A_1158], %swap3A_1161 {strides = array<i32>} : memref<128x128xf32, #tpu.memory_space<vmem>>, vector<1x16xf32>,
        %get3A_1162 = arith.index_cast %add3A_1091 : i32 to index
        %get3A_1163 = arith.constant 112 : index
        %get3A_1164 = tpu.vector_load %arg18[%get3A_1162, %get3A_1163] {strides = array<i32>} : memref<128x128xf32, #tpu.memory_space<vmem>>, vector<1x16xf32>,
        %get3A_1165 = vector.shape_cast %get3A_1164 : vector<1x16xf32> to vector<16xf32>
        %mul3A_1166 = arith.mulf %get3A_1165, %broadcast_in_dim3A_1087 : vector<16xf32>
        %swap3A_1167 = arith.index_cast %add3A_1091 : i32 to index
        %swap3A_1168 = arith.constant 112 : index
        %swap3A_1169 = tpu.vector_load %arg18[%swap3A_1167, %swap3A_1168] {strides = array<i32>} : memref<128x128xf32, #tpu.memory_space<vmem>>, vector<1x16xf32>,
        %swap3A_1170 = vector.shape_cast %swap3A_1169 : vector<1x16xf32> to vector<16xf32>
        %swap3A_1171 = vector.shape_cast %mul3A_1166 : vector<16xf32> to vector<1x16xf32>
        tpu.vector_store %arg18[%swap3A_1167, %swap3A_1168], %swap3A_1171 {strides = array<i32>} : memref<128x128xf32, #tpu.memory_space<vmem>>, vector<1x16xf32>,
        %slice3A_1172 = vector.extract_strided_slice %get3A_390 {offsets = [9], sizes = [1], strides = [1]} : vector<16xf32> to vector<1xf32>
        %squeeze3A_1173 = vector.extract %slice3A_1172[0] : f32 from vector<1xf32>
        %broadcast_in_dim3A_1174 = vector.broadcast %squeeze3A_1173 : f32 to vector<16xf32>
        %mul3A_1175 = arith.constant 16 : i32
        %mul3A_1176 = arith.muli %scan3A_385, %mul3A_1175 : i32
        %add3A_1177 = arith.constant 9 : i32
        %add3A_1178 = arith.addi %mul3A_1176, %add3A_1177 : i32
        %get3A_1179 = arith.index_cast %add3A_1178 : i32 to index
        %get3A_1180 = arith.constant 0 : index
        %get3A_1181 = tpu.vector_load %arg18[%get3A_1179, %get3A_1180] {strides = array<i32>} : memref<128x128xf32, #tpu.memory_space<vmem>>, vector<1x16xf32>,
        %get3A_1182 = vector.shape_cast %get3A_1181 : vector<1x16xf32> to vector<16xf32>
        %mul3A_1183 = arith.mulf %get3A_1182, %broadcast_in_dim3A_1174 : vector<16xf32>
        %swap3A_1184 = arith.index_cast %add3A_1178 : i32 to index
        %swap3A_1185 = arith.constant 0 : index
        %swap3A_1186 = tpu.vector_load %arg18[%swap3A_1184, %swap3A_1185] {strides = array<i32>} : memref<128x128xf32, #tpu.memory_space<vmem>>, vector<1x16xf32>,
        %swap3A_1187 = vector.shape_cast %swap3A_1186 : vector<1x16xf32> to vector<16xf32>
        %swap3A_1188 = vector.shape_cast %mul3A_1183 : vector<16xf32> to vector<1x16xf32>
        tpu.vector_store %arg18[%swap3A_1184, %swap3A_1185], %swap3A_1188 {strides = array<i32>} : memref<128x128xf32, #tpu.memory_space<vmem>>, vector<1x16xf32>,
        %get3A_1189 = arith.index_cast %add3A_1178 : i32 to index
        %get3A_1190 = arith.constant 16 : index
        %get3A_1191 = tpu.vector_load %arg18[%get3A_1189, %get3A_1190] {strides = array<i32>} : memref<128x128xf32, #tpu.memory_space<vmem>>, vector<1x16xf32>,
        %get3A_1192 = vector.shape_cast %get3A_1191 : vector<1x16xf32> to vector<16xf32>
        %mul3A_1193 = arith.mulf %get3A_1192, %broadcast_in_dim3A_1174 : vector<16xf32>
        %swap3A_1194 = arith.index_cast %add3A_1178 : i32 to index
        %swap3A_1195 = arith.constant 16 : index
        %swap3A_1196 = tpu.vector_load %arg18[%swap3A_1194, %swap3A_1195] {strides = array<i32>} : memref<128x128xf32, #tpu.memory_space<vmem>>, vector<1x16xf32>,
        %swap3A_1197 = vector.shape_cast %swap3A_1196 : vector<1x16xf32> to vector<16xf32>
        %swap3A_1198 = vector.shape_cast %mul3A_1193 : vector<16xf32> to vector<1x16xf32>
        tpu.vector_store %arg18[%swap3A_1194, %swap3A_1195], %swap3A_1198 {strides = array<i32>} : memref<128x128xf32, #tpu.memory_space<vmem>>, vector<1x16xf32>,
        %get3A_1199 = arith.index_cast %add3A_1178 : i32 to index
        %get3A_1200 = arith.constant 32 : index
        %get3A_1201 = tpu.vector_load %arg18[%get3A_1199, %get3A_1200] {strides = array<i32>} : memref<128x128xf32, #tpu.memory_space<vmem>>, vector<1x16xf32>,
        %get3A_1202 = vector.shape_cast %get3A_1201 : vector<1x16xf32> to vector<16xf32>
        %mul3A_1203 = arith.mulf %get3A_1202, %broadcast_in_dim3A_1174 : vector<16xf32>
        %swap3A_1204 = arith.index_cast %add3A_1178 : i32 to index
        %swap3A_1205 = arith.constant 32 : index
        %swap3A_1206 = tpu.vector_load %arg18[%swap3A_1204, %swap3A_1205] {strides = array<i32>} : memref<128x128xf32, #tpu.memory_space<vmem>>, vector<1x16xf32>,
        %swap3A_1207 = vector.shape_cast %swap3A_1206 : vector<1x16xf32> to vector<16xf32>
        %swap3A_1208 = vector.shape_cast %mul3A_1203 : vector<16xf32> to vector<1x16xf32>
        tpu.vector_store %arg18[%swap3A_1204, %swap3A_1205], %swap3A_1208 {strides = array<i32>} : memref<128x128xf32, #tpu.memory_space<vmem>>, vector<1x16xf32>,
        %get3A_1209 = arith.index_cast %add3A_1178 : i32 to index
        %get3A_1210 = arith.constant 48 : index
        %get3A_1211 = tpu.vector_load %arg18[%get3A_1209, %get3A_1210] {strides = array<i32>} : memref<128x128xf32, #tpu.memory_space<vmem>>, vector<1x16xf32>,
        %get3A_1212 = vector.shape_cast %get3A_1211 : vector<1x16xf32> to vector<16xf32>
        %mul3A_1213 = arith.mulf %get3A_1212, %broadcast_in_dim3A_1174 : vector<16xf32>
        %swap3A_1214 = arith.index_cast %add3A_1178 : i32 to index
        %swap3A_1215 = arith.constant 48 : index
        %swap3A_1216 = tpu.vector_load %arg18[%swap3A_1214, %swap3A_1215] {strides = array<i32>} : memref<128x128xf32, #tpu.memory_space<vmem>>, vector<1x16xf32>,
        %swap3A_1217 = vector.shape_cast %swap3A_1216 : vector<1x16xf32> to vector<16xf32>
        %swap3A_1218 = vector.shape_cast %mul3A_1213 : vector<16xf32> to vector<1x16xf32>
        tpu.vector_store %arg18[%swap3A_1214, %swap3A_1215], %swap3A_1218 {strides = array<i32>} : memref<128x128xf32, #tpu.memory_space<vmem>>, vector<1x16xf32>,
        %get3A_1219 = arith.index_cast %add3A_1178 : i32 to index
        %get3A_1220 = arith.constant 64 : index
        %get3A_1221 = tpu.vector_load %arg18[%get3A_1219, %get3A_1220] {strides = array<i32>} : memref<128x128xf32, #tpu.memory_space<vmem>>, vector<1x16xf32>,
        %get3A_1222 = vector.shape_cast %get3A_1221 : vector<1x16xf32> to vector<16xf32>
        %mul3A_1223 = arith.mulf %get3A_1222, %broadcast_in_dim3A_1174 : vector<16xf32>
        %swap3A_1224 = arith.index_cast %add3A_1178 : i32 to index
        %swap3A_1225 = arith.constant 64 : index
        %swap3A_1226 = tpu.vector_load %arg18[%swap3A_1224, %swap3A_1225] {strides = array<i32>} : memref<128x128xf32, #tpu.memory_space<vmem>>, vector<1x16xf32>,
        %swap3A_1227 = vector.shape_cast %swap3A_1226 : vector<1x16xf32> to vector<16xf32>
        %swap3A_1228 = vector.shape_cast %mul3A_1223 : vector<16xf32> to vector<1x16xf32>
        tpu.vector_store %arg18[%swap3A_1224, %swap3A_1225], %swap3A_1228 {strides = array<i32>} : memref<128x128xf32, #tpu.memory_space<vmem>>, vector<1x16xf32>,
        %get3A_1229 = arith.index_cast %add3A_1178 : i32 to index
        %get3A_1230 = arith.constant 80 : index
        %get3A_1231 = tpu.vector_load %arg18[%get3A_1229, %get3A_1230] {strides = array<i32>} : memref<128x128xf32, #tpu.memory_space<vmem>>, vector<1x16xf32>,
        %get3A_1232 = vector.shape_cast %get3A_1231 : vector<1x16xf32> to vector<16xf32>
        %mul3A_1233 = arith.mulf %get3A_1232, %broadcast_in_dim3A_1174 : vector<16xf32>
        %swap3A_1234 = arith.index_cast %add3A_1178 : i32 to index
        %swap3A_1235 = arith.constant 80 : index
        %swap3A_1236 = tpu.vector_load %arg18[%swap3A_1234, %swap3A_1235] {strides = array<i32>} : memref<128x128xf32, #tpu.memory_space<vmem>>, vector<1x16xf32>,
        %swap3A_1237 = vector.shape_cast %swap3A_1236 : vector<1x16xf32> to vector<16xf32>
        %swap3A_1238 = vector.shape_cast %mul3A_1233 : vector<16xf32> to vector<1x16xf32>
        tpu.vector_store %arg18[%swap3A_1234, %swap3A_1235], %swap3A_1238 {strides = array<i32>} : memref<128x128xf32, #tpu.memory_space<vmem>>, vector<1x16xf32>,
        %get3A_1239 = arith.index_cast %add3A_1178 : i32 to index
        %get3A_1240 = arith.constant 96 : index
        %get3A_1241 = tpu.vector_load %arg18[%get3A_1239, %get3A_1240] {strides = array<i32>} : memref<128x128xf32, #tpu.memory_space<vmem>>, vector<1x16xf32>,
        %get3A_1242 = vector.shape_cast %get3A_1241 : vector<1x16xf32> to vector<16xf32>
        %mul3A_1243 = arith.mulf %get3A_1242, %broadcast_in_dim3A_1174 : vector<16xf32>
        %swap3A_1244 = arith.index_cast %add3A_1178 : i32 to index
        %swap3A_1245 = arith.constant 96 : index
        %swap3A_1246 = tpu.vector_load %arg18[%swap3A_1244, %swap3A_1245] {strides = array<i32>} : memref<128x128xf32, #tpu.memory_space<vmem>>, vector<1x16xf32>,
        %swap3A_1247 = vector.shape_cast %swap3A_1246 : vector<1x16xf32> to vector<16xf32>
        %swap3A_1248 = vector.shape_cast %mul3A_1243 : vector<16xf32> to vector<1x16xf32>
        tpu.vector_store %arg18[%swap3A_1244, %swap3A_1245], %swap3A_1248 {strides = array<i32>} : memref<128x128xf32, #tpu.memory_space<vmem>>, vector<1x16xf32>,
        %get3A_1249 = arith.index_cast %add3A_1178 : i32 to index
        %get3A_1250 = arith.constant 112 : index
        %get3A_1251 = tpu.vector_load %arg18[%get3A_1249, %get3A_1250] {strides = array<i32>} : memref<128x128xf32, #tpu.memory_space<vmem>>, vector<1x16xf32>,
        %get3A_1252 = vector.shape_cast %get3A_1251 : vector<1x16xf32> to vector<16xf32>
        %mul3A_1253 = arith.mulf %get3A_1252, %broadcast_in_dim3A_1174 : vector<16xf32>
        %swap3A_1254 = arith.index_cast %add3A_1178 : i32 to index
        %swap3A_1255 = arith.constant 112 : index
        %swap3A_1256 = tpu.vector_load %arg18[%swap3A_1254, %swap3A_1255] {strides = array<i32>} : memref<128x128xf32, #tpu.memory_space<vmem>>, vector<1x16xf32>,
        %swap3A_1257 = vector.shape_cast %swap3A_1256 : vector<1x16xf32> to vector<16xf32>
        %swap3A_1258 = vector.shape_cast %mul3A_1253 : vector<16xf32> to vector<1x16xf32>
        tpu.vector_store %arg18[%swap3A_1254, %swap3A_1255], %swap3A_1258 {strides = array<i32>} : memref<128x128xf32, #tpu.memory_space<vmem>>, vector<1x16xf32>,
        %slice3A_1259 = vector.extract_strided_slice %get3A_390 {offsets = [10], sizes = [1], strides = [1]} : vector<16xf32> to vector<1xf32>
        %squeeze3A_1260 = vector.extract %slice3A_1259[0] : f32 from vector<1xf32>
        %broadcast_in_dim3A_1261 = vector.broadcast %squeeze3A_1260 : f32 to vector<16xf32>
        %mul3A_1262 = arith.constant 16 : i32
        %mul3A_1263 = arith.muli %scan3A_385, %mul3A_1262 : i32
        %add3A_1264 = arith.constant 10 : i32
        %add3A_1265 = arith.addi %mul3A_1263, %add3A_1264 : i32
        %get3A_1266 = arith.index_cast %add3A_1265 : i32 to index
        %get3A_1267 = arith.constant 0 : index
        %get3A_1268 = tpu.vector_load %arg18[%get3A_1266, %get3A_1267] {strides = array<i32>} : memref<128x128xf32, #tpu.memory_space<vmem>>, vector<1x16xf32>,
        %get3A_1269 = vector.shape_cast %get3A_1268 : vector<1x16xf32> to vector<16xf32>
        %mul3A_1270 = arith.mulf %get3A_1269, %broadcast_in_dim3A_1261 : vector<16xf32>
        %swap3A_1271 = arith.index_cast %add3A_1265 : i32 to index
        %swap3A_1272 = arith.constant 0 : index
        %swap3A_1273 = tpu.vector_load %arg18[%swap3A_1271, %swap3A_1272] {strides = array<i32>} : memref<128x128xf32, #tpu.memory_space<vmem>>, vector<1x16xf32>,
        %swap3A_1274 = vector.shape_cast %swap3A_1273 : vector<1x16xf32> to vector<16xf32>
        %swap3A_1275 = vector.shape_cast %mul3A_1270 : vector<16xf32> to vector<1x16xf32>
        tpu.vector_store %arg18[%swap3A_1271, %swap3A_1272], %swap3A_1275 {strides = array<i32>} : memref<128x128xf32, #tpu.memory_space<vmem>>, vector<1x16xf32>,
        %get3A_1276 = arith.index_cast %add3A_1265 : i32 to index
        %get3A_1277 = arith.constant 16 : index
        %get3A_1278 = tpu.vector_load %arg18[%get3A_1276, %get3A_1277] {strides = array<i32>} : memref<128x128xf32, #tpu.memory_space<vmem>>, vector<1x16xf32>,
        %get3A_1279 = vector.shape_cast %get3A_1278 : vector<1x16xf32> to vector<16xf32>
        %mul3A_1280 = arith.mulf %get3A_1279, %broadcast_in_dim3A_1261 : vector<16xf32>
        %swap3A_1281 = arith.index_cast %add3A_1265 : i32 to index
        %swap3A_1282 = arith.constant 16 : index
        %swap3A_1283 = tpu.vector_load %arg18[%swap3A_1281, %swap3A_1282] {strides = array<i32>} : memref<128x128xf32, #tpu.memory_space<vmem>>, vector<1x16xf32>,
        %swap3A_1284 = vector.shape_cast %swap3A_1283 : vector<1x16xf32> to vector<16xf32>
        %swap3A_1285 = vector.shape_cast %mul3A_1280 : vector<16xf32> to vector<1x16xf32>
        tpu.vector_store %arg18[%swap3A_1281, %swap3A_1282], %swap3A_1285 {strides = array<i32>} : memref<128x128xf32, #tpu.memory_space<vmem>>, vector<1x16xf32>,
        %get3A_1286 = arith.index_cast %add3A_1265 : i32 to index
        %get3A_1287 = arith.constant 32 : index
        %get3A_1288 = tpu.vector_load %arg18[%get3A_1286, %get3A_1287] {strides = array<i32>} : memref<128x128xf32, #tpu.memory_space<vmem>>, vector<1x16xf32>,
        %get3A_1289 = vector.shape_cast %get3A_1288 : vector<1x16xf32> to vector<16xf32>
        %mul3A_1290 = arith.mulf %get3A_1289, %broadcast_in_dim3A_1261 : vector<16xf32>
        %swap3A_1291 = arith.index_cast %add3A_1265 : i32 to index
        %swap3A_1292 = arith.constant 32 : index
        %swap3A_1293 = tpu.vector_load %arg18[%swap3A_1291, %swap3A_1292] {strides = array<i32>} : memref<128x128xf32, #tpu.memory_space<vmem>>, vector<1x16xf32>,
        %swap3A_1294 = vector.shape_cast %swap3A_1293 : vector<1x16xf32> to vector<16xf32>
        %swap3A_1295 = vector.shape_cast %mul3A_1290 : vector<16xf32> to vector<1x16xf32>
        tpu.vector_store %arg18[%swap3A_1291, %swap3A_1292], %swap3A_1295 {strides = array<i32>} : memref<128x128xf32, #tpu.memory_space<vmem>>, vector<1x16xf32>,
        %get3A_1296 = arith.index_cast %add3A_1265 : i32 to index
        %get3A_1297 = arith.constant 48 : index
        %get3A_1298 = tpu.vector_load %arg18[%get3A_1296, %get3A_1297] {strides = array<i32>} : memref<128x128xf32, #tpu.memory_space<vmem>>, vector<1x16xf32>,
        %get3A_1299 = vector.shape_cast %get3A_1298 : vector<1x16xf32> to vector<16xf32>
        %mul3A_1300 = arith.mulf %get3A_1299, %broadcast_in_dim3A_1261 : vector<16xf32>
        %swap3A_1301 = arith.index_cast %add3A_1265 : i32 to index
        %swap3A_1302 = arith.constant 48 : index
        %swap3A_1303 = tpu.vector_load %arg18[%swap3A_1301, %swap3A_1302] {strides = array<i32>} : memref<128x128xf32, #tpu.memory_space<vmem>>, vector<1x16xf32>,
        %swap3A_1304 = vector.shape_cast %swap3A_1303 : vector<1x16xf32> to vector<16xf32>
        %swap3A_1305 = vector.shape_cast %mul3A_1300 : vector<16xf32> to vector<1x16xf32>
        tpu.vector_store %arg18[%swap3A_1301, %swap3A_1302], %swap3A_1305 {strides = array<i32>} : memref<128x128xf32, #tpu.memory_space<vmem>>, vector<1x16xf32>,
        %get3A_1306 = arith.index_cast %add3A_1265 : i32 to index
        %get3A_1307 = arith.constant 64 : index
        %get3A_1308 = tpu.vector_load %arg18[%get3A_1306, %get3A_1307] {strides = array<i32>} : memref<128x128xf32, #tpu.memory_space<vmem>>, vector<1x16xf32>,
        %get3A_1309 = vector.shape_cast %get3A_1308 : vector<1x16xf32> to vector<16xf32>
        %mul3A_1310 = arith.mulf %get3A_1309, %broadcast_in_dim3A_1261 : vector<16xf32>
        %swap3A_1311 = arith.index_cast %add3A_1265 : i32 to index
        %swap3A_1312 = arith.constant 64 : index
        %swap3A_1313 = tpu.vector_load %arg18[%swap3A_1311, %swap3A_1312] {strides = array<i32>} : memref<128x128xf32, #tpu.memory_space<vmem>>, vector<1x16xf32>,
        %swap3A_1314 = vector.shape_cast %swap3A_1313 : vector<1x16xf32> to vector<16xf32>
        %swap3A_1315 = vector.shape_cast %mul3A_1310 : vector<16xf32> to vector<1x16xf32>
        tpu.vector_store %arg18[%swap3A_1311, %swap3A_1312], %swap3A_1315 {strides = array<i32>} : memref<128x128xf32, #tpu.memory_space<vmem>>, vector<1x16xf32>,
        %get3A_1316 = arith.index_cast %add3A_1265 : i32 to index
        %get3A_1317 = arith.constant 80 : index
        %get3A_1318 = tpu.vector_load %arg18[%get3A_1316, %get3A_1317] {strides = array<i32>} : memref<128x128xf32, #tpu.memory_space<vmem>>, vector<1x16xf32>,
        %get3A_1319 = vector.shape_cast %get3A_1318 : vector<1x16xf32> to vector<16xf32>
        %mul3A_1320 = arith.mulf %get3A_1319, %broadcast_in_dim3A_1261 : vector<16xf32>
        %swap3A_1321 = arith.index_cast %add3A_1265 : i32 to index
        %swap3A_1322 = arith.constant 80 : index
        %swap3A_1323 = tpu.vector_load %arg18[%swap3A_1321, %swap3A_1322] {strides = array<i32>} : memref<128x128xf32, #tpu.memory_space<vmem>>, vector<1x16xf32>,
        %swap3A_1324 = vector.shape_cast %swap3A_1323 : vector<1x16xf32> to vector<16xf32>
        %swap3A_1325 = vector.shape_cast %mul3A_1320 : vector<16xf32> to vector<1x16xf32>
        tpu.vector_store %arg18[%swap3A_1321, %swap3A_1322], %swap3A_1325 {strides = array<i32>} : memref<128x128xf32, #tpu.memory_space<vmem>>, vector<1x16xf32>,
        %get3A_1326 = arith.index_cast %add3A_1265 : i32 to index
        %get3A_1327 = arith.constant 96 : index
        %get3A_1328 = tpu.vector_load %arg18[%get3A_1326, %get3A_1327] {strides = array<i32>} : memref<128x128xf32, #tpu.memory_space<vmem>>, vector<1x16xf32>,
        %get3A_1329 = vector.shape_cast %get3A_1328 : vector<1x16xf32> to vector<16xf32>
        %mul3A_1330 = arith.mulf %get3A_1329, %broadcast_in_dim3A_1261 : vector<16xf32>
        %swap3A_1331 = arith.index_cast %add3A_1265 : i32 to index
        %swap3A_1332 = arith.constant 96 : index
        %swap3A_1333 = tpu.vector_load %arg18[%swap3A_1331, %swap3A_1332] {strides = array<i32>} : memref<128x128xf32, #tpu.memory_space<vmem>>, vector<1x16xf32>,
        %swap3A_1334 = vector.shape_cast %swap3A_1333 : vector<1x16xf32> to vector<16xf32>
        %swap3A_1335 = vector.shape_cast %mul3A_1330 : vector<16xf32> to vector<1x16xf32>
        tpu.vector_store %arg18[%swap3A_1331, %swap3A_1332], %swap3A_1335 {strides = array<i32>} : memref<128x128xf32, #tpu.memory_space<vmem>>, vector<1x16xf32>,
        %get3A_1336 = arith.index_cast %add3A_1265 : i32 to index
        %get3A_1337 = arith.constant 112 : index
        %get3A_1338 = tpu.vector_load %arg18[%get3A_1336, %get3A_1337] {strides = array<i32>} : memref<128x128xf32, #tpu.memory_space<vmem>>, vector<1x16xf32>,
        %get3A_1339 = vector.shape_cast %get3A_1338 : vector<1x16xf32> to vector<16xf32>
        %mul3A_1340 = arith.mulf %get3A_1339, %broadcast_in_dim3A_1261 : vector<16xf32>
        %swap3A_1341 = arith.index_cast %add3A_1265 : i32 to index
        %swap3A_1342 = arith.constant 112 : index
        %swap3A_1343 = tpu.vector_load %arg18[%swap3A_1341, %swap3A_1342] {strides = array<i32>} : memref<128x128xf32, #tpu.memory_space<vmem>>, vector<1x16xf32>,
        %swap3A_1344 = vector.shape_cast %swap3A_1343 : vector<1x16xf32> to vector<16xf32>
        %swap3A_1345 = vector.shape_cast %mul3A_1340 : vector<16xf32> to vector<1x16xf32>
        tpu.vector_store %arg18[%swap3A_1341, %swap3A_1342], %swap3A_1345 {strides = array<i32>} : memref<128x128xf32, #tpu.memory_space<vmem>>, vector<1x16xf32>,
        %slice3A_1346 = vector.extract_strided_slice %get3A_390 {offsets = [11], sizes = [1], strides = [1]} : vector<16xf32> to vector<1xf32>
        %squeeze3A_1347 = vector.extract %slice3A_1346[0] : f32 from vector<1xf32>
        %broadcast_in_dim3A_1348 = vector.broadcast %squeeze3A_1347 : f32 to vector<16xf32>
        %mul3A_1349 = arith.constant 16 : i32
        %mul3A_1350 = arith.muli %scan3A_385, %mul3A_1349 : i32
        %add3A_1351 = arith.constant 11 : i32
        %add3A_1352 = arith.addi %mul3A_1350, %add3A_1351 : i32
        %get3A_1353 = arith.index_cast %add3A_1352 : i32 to index
        %get3A_1354 = arith.constant 0 : index
        %get3A_1355 = tpu.vector_load %arg18[%get3A_1353, %get3A_1354] {strides = array<i32>} : memref<128x128xf32, #tpu.memory_space<vmem>>, vector<1x16xf32>,
        %get3A_1356 = vector.shape_cast %get3A_1355 : vector<1x16xf32> to vector<16xf32>
        %mul3A_1357 = arith.mulf %get3A_1356, %broadcast_in_dim3A_1348 : vector<16xf32>
        %swap3A_1358 = arith.index_cast %add3A_1352 : i32 to index
        %swap3A_1359 = arith.constant 0 : index
        %swap3A_1360 = tpu.vector_load %arg18[%swap3A_1358, %swap3A_1359] {strides = array<i32>} : memref<128x128xf32, #tpu.memory_space<vmem>>, vector<1x16xf32>,
        %swap3A_1361 = vector.shape_cast %swap3A_1360 : vector<1x16xf32> to vector<16xf32>
        %swap3A_1362 = vector.shape_cast %mul3A_1357 : vector<16xf32> to vector<1x16xf32>
        tpu.vector_store %arg18[%swap3A_1358, %swap3A_1359], %swap3A_1362 {strides = array<i32>} : memref<128x128xf32, #tpu.memory_space<vmem>>, vector<1x16xf32>,
        %get3A_1363 = arith.index_cast %add3A_1352 : i32 to index
        %get3A_1364 = arith.constant 16 : index
        %get3A_1365 = tpu.vector_load %arg18[%get3A_1363, %get3A_1364] {strides = array<i32>} : memref<128x128xf32, #tpu.memory_space<vmem>>, vector<1x16xf32>,
        %get3A_1366 = vector.shape_cast %get3A_1365 : vector<1x16xf32> to vector<16xf32>
        %mul3A_1367 = arith.mulf %get3A_1366, %broadcast_in_dim3A_1348 : vector<16xf32>
        %swap3A_1368 = arith.index_cast %add3A_1352 : i32 to index
        %swap3A_1369 = arith.constant 16 : index
        %swap3A_1370 = tpu.vector_load %arg18[%swap3A_1368, %swap3A_1369] {strides = array<i32>} : memref<128x128xf32, #tpu.memory_space<vmem>>, vector<1x16xf32>,
        %swap3A_1371 = vector.shape_cast %swap3A_1370 : vector<1x16xf32> to vector<16xf32>
        %swap3A_1372 = vector.shape_cast %mul3A_1367 : vector<16xf32> to vector<1x16xf32>
        tpu.vector_store %arg18[%swap3A_1368, %swap3A_1369], %swap3A_1372 {strides = array<i32>} : memref<128x128xf32, #tpu.memory_space<vmem>>, vector<1x16xf32>,
        %get3A_1373 = arith.index_cast %add3A_1352 : i32 to index
        %get3A_1374 = arith.constant 32 : index
        %get3A_1375 = tpu.vector_load %arg18[%get3A_1373, %get3A_1374] {strides = array<i32>} : memref<128x128xf32, #tpu.memory_space<vmem>>, vector<1x16xf32>,
        %get3A_1376 = vector.shape_cast %get3A_1375 : vector<1x16xf32> to vector<16xf32>
        %mul3A_1377 = arith.mulf %get3A_1376, %broadcast_in_dim3A_1348 : vector<16xf32>
        %swap3A_1378 = arith.index_cast %add3A_1352 : i32 to index
        %swap3A_1379 = arith.constant 32 : index
        %swap3A_1380 = tpu.vector_load %arg18[%swap3A_1378, %swap3A_1379] {strides = array<i32>} : memref<128x128xf32, #tpu.memory_space<vmem>>, vector<1x16xf32>,
        %swap3A_1381 = vector.shape_cast %swap3A_1380 : vector<1x16xf32> to vector<16xf32>
        %swap3A_1382 = vector.shape_cast %mul3A_1377 : vector<16xf32> to vector<1x16xf32>
        tpu.vector_store %arg18[%swap3A_1378, %swap3A_1379], %swap3A_1382 {strides = array<i32>} : memref<128x128xf32, #tpu.memory_space<vmem>>, vector<1x16xf32>,
        %get3A_1383 = arith.index_cast %add3A_1352 : i32 to index
        %get3A_1384 = arith.constant 48 : index
        %get3A_1385 = tpu.vector_load %arg18[%get3A_1383, %get3A_1384] {strides = array<i32>} : memref<128x128xf32, #tpu.memory_space<vmem>>, vector<1x16xf32>,
        %get3A_1386 = vector.shape_cast %get3A_1385 : vector<1x16xf32> to vector<16xf32>
        %mul3A_1387 = arith.mulf %get3A_1386, %broadcast_in_dim3A_1348 : vector<16xf32>
        %swap3A_1388 = arith.index_cast %add3A_1352 : i32 to index
        %swap3A_1389 = arith.constant 48 : index
        %swap3A_1390 = tpu.vector_load %arg18[%swap3A_1388, %swap3A_1389] {strides = array<i32>} : memref<128x128xf32, #tpu.memory_space<vmem>>, vector<1x16xf32>,
        %swap3A_1391 = vector.shape_cast %swap3A_1390 : vector<1x16xf32> to vector<16xf32>
        %swap3A_1392 = vector.shape_cast %mul3A_1387 : vector<16xf32> to vector<1x16xf32>
        tpu.vector_store %arg18[%swap3A_1388, %swap3A_1389], %swap3A_1392 {strides = array<i32>} : memref<128x128xf32, #tpu.memory_space<vmem>>, vector<1x16xf32>,
        %get3A_1393 = arith.index_cast %add3A_1352 : i32 to index
        %get3A_1394 = arith.constant 64 : index
        %get3A_1395 = tpu.vector_load %arg18[%get3A_1393, %get3A_1394] {strides = array<i32>} : memref<128x128xf32, #tpu.memory_space<vmem>>, vector<1x16xf32>,
        %get3A_1396 = vector.shape_cast %get3A_1395 : vector<1x16xf32> to vector<16xf32>
        %mul3A_1397 = arith.mulf %get3A_1396, %broadcast_in_dim3A_1348 : vector<16xf32>
        %swap3A_1398 = arith.index_cast %add3A_1352 : i32 to index
        %swap3A_1399 = arith.constant 64 : index
        %swap3A_1400 = tpu.vector_load %arg18[%swap3A_1398, %swap3A_1399] {strides = array<i32>} : memref<128x128xf32, #tpu.memory_space<vmem>>, vector<1x16xf32>,
        %swap3A_1401 = vector.shape_cast %swap3A_1400 : vector<1x16xf32> to vector<16xf32>
        %swap3A_1402 = vector.shape_cast %mul3A_1397 : vector<16xf32> to vector<1x16xf32>
        tpu.vector_store %arg18[%swap3A_1398, %swap3A_1399], %swap3A_1402 {strides = array<i32>} : memref<128x128xf32, #tpu.memory_space<vmem>>, vector<1x16xf32>,
        %get3A_1403 = arith.index_cast %add3A_1352 : i32 to index
        %get3A_1404 = arith.constant 80 : index
        %get3A_1405 = tpu.vector_load %arg18[%get3A_1403, %get3A_1404] {strides = array<i32>} : memref<128x128xf32, #tpu.memory_space<vmem>>, vector<1x16xf32>,
        %get3A_1406 = vector.shape_cast %get3A_1405 : vector<1x16xf32> to vector<16xf32>
        %mul3A_1407 = arith.mulf %get3A_1406, %broadcast_in_dim3A_1348 : vector<16xf32>
        %swap3A_1408 = arith.index_cast %add3A_1352 : i32 to index
        %swap3A_1409 = arith.constant 80 : index
        %swap3A_1410 = tpu.vector_load %arg18[%swap3A_1408, %swap3A_1409] {strides = array<i32>} : memref<128x128xf32, #tpu.memory_space<vmem>>, vector<1x16xf32>,
        %swap3A_1411 = vector.shape_cast %swap3A_1410 : vector<1x16xf32> to vector<16xf32>
        %swap3A_1412 = vector.shape_cast %mul3A_1407 : vector<16xf32> to vector<1x16xf32>
        tpu.vector_store %arg18[%swap3A_1408, %swap3A_1409], %swap3A_1412 {strides = array<i32>} : memref<128x128xf32, #tpu.memory_space<vmem>>, vector<1x16xf32>,
        %get3A_1413 = arith.index_cast %add3A_1352 : i32 to index
        %get3A_1414 = arith.constant 96 : index
        %get3A_1415 = tpu.vector_load %arg18[%get3A_1413, %get3A_1414] {strides = array<i32>} : memref<128x128xf32, #tpu.memory_space<vmem>>, vector<1x16xf32>,
        %get3A_1416 = vector.shape_cast %get3A_1415 : vector<1x16xf32> to vector<16xf32>
        %mul3A_1417 = arith.mulf %get3A_1416, %broadcast_in_dim3A_1348 : vector<16xf32>
        %swap3A_1418 = arith.index_cast %add3A_1352 : i32 to index
        %swap3A_1419 = arith.constant 96 : index
        %swap3A_1420 = tpu.vector_load %arg18[%swap3A_1418, %swap3A_1419] {strides = array<i32>} : memref<128x128xf32, #tpu.memory_space<vmem>>, vector<1x16xf32>,
        %swap3A_1421 = vector.shape_cast %swap3A_1420 : vector<1x16xf32> to vector<16xf32>
        %swap3A_1422 = vector.shape_cast %mul3A_1417 : vector<16xf32> to vector<1x16xf32>
        tpu.vector_store %arg18[%swap3A_1418, %swap3A_1419], %swap3A_1422 {strides = array<i32>} : memref<128x128xf32, #tpu.memory_space<vmem>>, vector<1x16xf32>,
        %get3A_1423 = arith.index_cast %add3A_1352 : i32 to index
        %get3A_1424 = arith.constant 112 : index
        %get3A_1425 = tpu.vector_load %arg18[%get3A_1423, %get3A_1424] {strides = array<i32>} : memref<128x128xf32, #tpu.memory_space<vmem>>, vector<1x16xf32>,
        %get3A_1426 = vector.shape_cast %get3A_1425 : vector<1x16xf32> to vector<16xf32>
        %mul3A_1427 = arith.mulf %get3A_1426, %broadcast_in_dim3A_1348 : vector<16xf32>
        %swap3A_1428 = arith.index_cast %add3A_1352 : i32 to index
        %swap3A_1429 = arith.constant 112 : index
        %swap3A_1430 = tpu.vector_load %arg18[%swap3A_1428, %swap3A_1429] {strides = array<i32>} : memref<128x128xf32, #tpu.memory_space<vmem>>, vector<1x16xf32>,
        %swap3A_1431 = vector.shape_cast %swap3A_1430 : vector<1x16xf32> to vector<16xf32>
        %swap3A_1432 = vector.shape_cast %mul3A_1427 : vector<16xf32> to vector<1x16xf32>
        tpu.vector_store %arg18[%swap3A_1428, %swap3A_1429], %swap3A_1432 {strides = array<i32>} : memref<128x128xf32, #tpu.memory_space<vmem>>, vector<1x16xf32>,
        %slice3A_1433 = vector.extract_strided_slice %get3A_390 {offsets = [12], sizes = [1], strides = [1]} : vector<16xf32> to vector<1xf32>
        %squeeze3A_1434 = vector.extract %slice3A_1433[0] : f32 from vector<1xf32>
        %broadcast_in_dim3A_1435 = vector.broadcast %squeeze3A_1434 : f32 to vector<16xf32>
        %mul3A_1436 = arith.constant 16 : i32
        %mul3A_1437 = arith.muli %scan3A_385, %mul3A_1436 : i32
        %add3A_1438 = arith.constant 12 : i32
        %add3A_1439 = arith.addi %mul3A_1437, %add3A_1438 : i32
        %get3A_1440 = arith.index_cast %add3A_1439 : i32 to index
        %get3A_1441 = arith.constant 0 : index
        %get3A_1442 = tpu.vector_load %arg18[%get3A_1440, %get3A_1441] {strides = array<i32>} : memref<128x128xf32, #tpu.memory_space<vmem>>, vector<1x16xf32>,
        %get3A_1443 = vector.shape_cast %get3A_1442 : vector<1x16xf32> to vector<16xf32>
        %mul3A_1444 = arith.mulf %get3A_1443, %broadcast_in_dim3A_1435 : vector<16xf32>
        %swap3A_1445 = arith.index_cast %add3A_1439 : i32 to index
        %swap3A_1446 = arith.constant 0 : index
        %swap3A_1447 = tpu.vector_load %arg18[%swap3A_1445, %swap3A_1446] {strides = array<i32>} : memref<128x128xf32, #tpu.memory_space<vmem>>, vector<1x16xf32>,
        %swap3A_1448 = vector.shape_cast %swap3A_1447 : vector<1x16xf32> to vector<16xf32>
        %swap3A_1449 = vector.shape_cast %mul3A_1444 : vector<16xf32> to vector<1x16xf32>
        tpu.vector_store %arg18[%swap3A_1445, %swap3A_1446], %swap3A_1449 {strides = array<i32>} : memref<128x128xf32, #tpu.memory_space<vmem>>, vector<1x16xf32>,
        %get3A_1450 = arith.index_cast %add3A_1439 : i32 to index
        %get3A_1451 = arith.constant 16 : index
        %get3A_1452 = tpu.vector_load %arg18[%get3A_1450, %get3A_1451] {strides = array<i32>} : memref<128x128xf32, #tpu.memory_space<vmem>>, vector<1x16xf32>,
        %get3A_1453 = vector.shape_cast %get3A_1452 : vector<1x16xf32> to vector<16xf32>
        %mul3A_1454 = arith.mulf %get3A_1453, %broadcast_in_dim3A_1435 : vector<16xf32>
        %swap3A_1455 = arith.index_cast %add3A_1439 : i32 to index
        %swap3A_1456 = arith.constant 16 : index
        %swap3A_1457 = tpu.vector_load %arg18[%swap3A_1455, %swap3A_1456] {strides = array<i32>} : memref<128x128xf32, #tpu.memory_space<vmem>>, vector<1x16xf32>,
        %swap3A_1458 = vector.shape_cast %swap3A_1457 : vector<1x16xf32> to vector<16xf32>
        %swap3A_1459 = vector.shape_cast %mul3A_1454 : vector<16xf32> to vector<1x16xf32>
        tpu.vector_store %arg18[%swap3A_1455, %swap3A_1456], %swap3A_1459 {strides = array<i32>} : memref<128x128xf32, #tpu.memory_space<vmem>>, vector<1x16xf32>,
        %get3A_1460 = arith.index_cast %add3A_1439 : i32 to index
        %get3A_1461 = arith.constant 32 : index
        %get3A_1462 = tpu.vector_load %arg18[%get3A_1460, %get3A_1461] {strides = array<i32>} : memref<128x128xf32, #tpu.memory_space<vmem>>, vector<1x16xf32>,
        %get3A_1463 = vector.shape_cast %get3A_1462 : vector<1x16xf32> to vector<16xf32>
        %mul3A_1464 = arith.mulf %get3A_1463, %broadcast_in_dim3A_1435 : vector<16xf32>
        %swap3A_1465 = arith.index_cast %add3A_1439 : i32 to index
        %swap3A_1466 = arith.constant 32 : index
        %swap3A_1467 = tpu.vector_load %arg18[%swap3A_1465, %swap3A_1466] {strides = array<i32>} : memref<128x128xf32, #tpu.memory_space<vmem>>, vector<1x16xf32>,
        %swap3A_1468 = vector.shape_cast %swap3A_1467 : vector<1x16xf32> to vector<16xf32>
        %swap3A_1469 = vector.shape_cast %mul3A_1464 : vector<16xf32> to vector<1x16xf32>
        tpu.vector_store %arg18[%swap3A_1465, %swap3A_1466], %swap3A_1469 {strides = array<i32>} : memref<128x128xf32, #tpu.memory_space<vmem>>, vector<1x16xf32>,
        %get3A_1470 = arith.index_cast %add3A_1439 : i32 to index
        %get3A_1471 = arith.constant 48 : index
        %get3A_1472 = tpu.vector_load %arg18[%get3A_1470, %get3A_1471] {strides = array<i32>} : memref<128x128xf32, #tpu.memory_space<vmem>>, vector<1x16xf32>,
        %get3A_1473 = vector.shape_cast %get3A_1472 : vector<1x16xf32> to vector<16xf32>
        %mul3A_1474 = arith.mulf %get3A_1473, %broadcast_in_dim3A_1435 : vector<16xf32>
        %swap3A_1475 = arith.index_cast %add3A_1439 : i32 to index
        %swap3A_1476 = arith.constant 48 : index
        %swap3A_1477 = tpu.vector_load %arg18[%swap3A_1475, %swap3A_1476] {strides = array<i32>} : memref<128x128xf32, #tpu.memory_space<vmem>>, vector<1x16xf32>,
        %swap3A_1478 = vector.shape_cast %swap3A_1477 : vector<1x16xf32> to vector<16xf32>
        %swap3A_1479 = vector.shape_cast %mul3A_1474 : vector<16xf32> to vector<1x16xf32>
        tpu.vector_store %arg18[%swap3A_1475, %swap3A_1476], %swap3A_1479 {strides = array<i32>} : memref<128x128xf32, #tpu.memory_space<vmem>>, vector<1x16xf32>,
        %get3A_1480 = arith.index_cast %add3A_1439 : i32 to index
        %get3A_1481 = arith.constant 64 : index
        %get3A_1482 = tpu.vector_load %arg18[%get3A_1480, %get3A_1481] {strides = array<i32>} : memref<128x128xf32, #tpu.memory_space<vmem>>, vector<1x16xf32>,
        %get3A_1483 = vector.shape_cast %get3A_1482 : vector<1x16xf32> to vector<16xf32>
        %mul3A_1484 = arith.mulf %get3A_1483, %broadcast_in_dim3A_1435 : vector<16xf32>
        %swap3A_1485 = arith.index_cast %add3A_1439 : i32 to index
        %swap3A_1486 = arith.constant 64 : index
        %swap3A_1487 = tpu.vector_load %arg18[%swap3A_1485, %swap3A_1486] {strides = array<i32>} : memref<128x128xf32, #tpu.memory_space<vmem>>, vector<1x16xf32>,
        %swap3A_1488 = vector.shape_cast %swap3A_1487 : vector<1x16xf32> to vector<16xf32>
        %swap3A_1489 = vector.shape_cast %mul3A_1484 : vector<16xf32> to vector<1x16xf32>
        tpu.vector_store %arg18[%swap3A_1485, %swap3A_1486], %swap3A_1489 {strides = array<i32>} : memref<128x128xf32, #tpu.memory_space<vmem>>, vector<1x16xf32>,
        %get3A_1490 = arith.index_cast %add3A_1439 : i32 to index
        %get3A_1491 = arith.constant 80 : index
        %get3A_1492 = tpu.vector_load %arg18[%get3A_1490, %get3A_1491] {strides = array<i32>} : memref<128x128xf32, #tpu.memory_space<vmem>>, vector<1x16xf32>,
        %get3A_1493 = vector.shape_cast %get3A_1492 : vector<1x16xf32> to vector<16xf32>
        %mul3A_1494 = arith.mulf %get3A_1493, %broadcast_in_dim3A_1435 : vector<16xf32>
        %swap3A_1495 = arith.index_cast %add3A_1439 : i32 to index
        %swap3A_1496 = arith.constant 80 : index
        %swap3A_1497 = tpu.vector_load %arg18[%swap3A_1495, %swap3A_1496] {strides = array<i32>} : memref<128x128xf32, #tpu.memory_space<vmem>>, vector<1x16xf32>,
        %swap3A_1498 = vector.shape_cast %swap3A_1497 : vector<1x16xf32> to vector<16xf32>
        %swap3A_1499 = vector.shape_cast %mul3A_1494 : vector<16xf32> to vector<1x16xf32>
        tpu.vector_store %arg18[%swap3A_1495, %swap3A_1496], %swap3A_1499 {strides = array<i32>} : memref<128x128xf32, #tpu.memory_space<vmem>>, vector<1x16xf32>,
        %get3A_1500 = arith.index_cast %add3A_1439 : i32 to index
        %get3A_1501 = arith.constant 96 : index
        %get3A_1502 = tpu.vector_load %arg18[%get3A_1500, %get3A_1501] {strides = array<i32>} : memref<128x128xf32, #tpu.memory_space<vmem>>, vector<1x16xf32>,
        %get3A_1503 = vector.shape_cast %get3A_1502 : vector<1x16xf32> to vector<16xf32>
        %mul3A_1504 = arith.mulf %get3A_1503, %broadcast_in_dim3A_1435 : vector<16xf32>
        %swap3A_1505 = arith.index_cast %add3A_1439 : i32 to index
        %swap3A_1506 = arith.constant 96 : index
        %swap3A_1507 = tpu.vector_load %arg18[%swap3A_1505, %swap3A_1506] {strides = array<i32>} : memref<128x128xf32, #tpu.memory_space<vmem>>, vector<1x16xf32>,
        %swap3A_1508 = vector.shape_cast %swap3A_1507 : vector<1x16xf32> to vector<16xf32>
        %swap3A_1509 = vector.shape_cast %mul3A_1504 : vector<16xf32> to vector<1x16xf32>
        tpu.vector_store %arg18[%swap3A_1505, %swap3A_1506], %swap3A_1509 {strides = array<i32>} : memref<128x128xf32, #tpu.memory_space<vmem>>, vector<1x16xf32>,
        %get3A_1510 = arith.index_cast %add3A_1439 : i32 to index
        %get3A_1511 = arith.constant 112 : index
        %get3A_1512 = tpu.vector_load %arg18[%get3A_1510, %get3A_1511] {strides = array<i32>} : memref<128x128xf32, #tpu.memory_space<vmem>>, vector<1x16xf32>,
        %get3A_1513 = vector.shape_cast %get3A_1512 : vector<1x16xf32> to vector<16xf32>
        %mul3A_1514 = arith.mulf %get3A_1513, %broadcast_in_dim3A_1435 : vector<16xf32>
        %swap3A_1515 = arith.index_cast %add3A_1439 : i32 to index
        %swap3A_1516 = arith.constant 112 : index
        %swap3A_1517 = tpu.vector_load %arg18[%swap3A_1515, %swap3A_1516] {strides = array<i32>} : memref<128x128xf32, #tpu.memory_space<vmem>>, vector<1x16xf32>,
        %swap3A_1518 = vector.shape_cast %swap3A_1517 : vector<1x16xf32> to vector<16xf32>
        %swap3A_1519 = vector.shape_cast %mul3A_1514 : vector<16xf32> to vector<1x16xf32>
        tpu.vector_store %arg18[%swap3A_1515, %swap3A_1516], %swap3A_1519 {strides = array<i32>} : memref<128x128xf32, #tpu.memory_space<vmem>>, vector<1x16xf32>,
        %slice3A_1520 = vector.extract_strided_slice %get3A_390 {offsets = [13], sizes = [1], strides = [1]} : vector<16xf32> to vector<1xf32>
        %squeeze3A_1521 = vector.extract %slice3A_1520[0] : f32 from vector<1xf32>
        %broadcast_in_dim3A_1522 = vector.broadcast %squeeze3A_1521 : f32 to vector<16xf32>
        %mul3A_1523 = arith.constant 16 : i32
        %mul3A_1524 = arith.muli %scan3A_385, %mul3A_1523 : i32
        %add3A_1525 = arith.constant 13 : i32
        %add3A_1526 = arith.addi %mul3A_1524, %add3A_1525 : i32
        %get3A_1527 = arith.index_cast %add3A_1526 : i32 to index
        %get3A_1528 = arith.constant 0 : index
        %get3A_1529 = tpu.vector_load %arg18[%get3A_1527, %get3A_1528] {strides = array<i32>} : memref<128x128xf32, #tpu.memory_space<vmem>>, vector<1x16xf32>,
        %get3A_1530 = vector.shape_cast %get3A_1529 : vector<1x16xf32> to vector<16xf32>
        %mul3A_1531 = arith.mulf %get3A_1530, %broadcast_in_dim3A_1522 : vector<16xf32>
        %swap3A_1532 = arith.index_cast %add3A_1526 : i32 to index
        %swap3A_1533 = arith.constant 0 : index
        %swap3A_1534 = tpu.vector_load %arg18[%swap3A_1532, %swap3A_1533] {strides = array<i32>} : memref<128x128xf32, #tpu.memory_space<vmem>>, vector<1x16xf32>,
        %swap3A_1535 = vector.shape_cast %swap3A_1534 : vector<1x16xf32> to vector<16xf32>
        %swap3A_1536 = vector.shape_cast %mul3A_1531 : vector<16xf32> to vector<1x16xf32>
        tpu.vector_store %arg18[%swap3A_1532, %swap3A_1533], %swap3A_1536 {strides = array<i32>} : memref<128x128xf32, #tpu.memory_space<vmem>>, vector<1x16xf32>,
        %get3A_1537 = arith.index_cast %add3A_1526 : i32 to index
        %get3A_1538 = arith.constant 16 : index
        %get3A_1539 = tpu.vector_load %arg18[%get3A_1537, %get3A_1538] {strides = array<i32>} : memref<128x128xf32, #tpu.memory_space<vmem>>, vector<1x16xf32>,
        %get3A_1540 = vector.shape_cast %get3A_1539 : vector<1x16xf32> to vector<16xf32>
        %mul3A_1541 = arith.mulf %get3A_1540, %broadcast_in_dim3A_1522 : vector<16xf32>
        %swap3A_1542 = arith.index_cast %add3A_1526 : i32 to index
        %swap3A_1543 = arith.constant 16 : index
        %swap3A_1544 = tpu.vector_load %arg18[%swap3A_1542, %swap3A_1543] {strides = array<i32>} : memref<128x128xf32, #tpu.memory_space<vmem>>, vector<1x16xf32>,
        %swap3A_1545 = vector.shape_cast %swap3A_1544 : vector<1x16xf32> to vector<16xf32>
        %swap3A_1546 = vector.shape_cast %mul3A_1541 : vector<16xf32> to vector<1x16xf32>
        tpu.vector_store %arg18[%swap3A_1542, %swap3A_1543], %swap3A_1546 {strides = array<i32>} : memref<128x128xf32, #tpu.memory_space<vmem>>, vector<1x16xf32>,
        %get3A_1547 = arith.index_cast %add3A_1526 : i32 to index
        %get3A_1548 = arith.constant 32 : index
        %get3A_1549 = tpu.vector_load %arg18[%get3A_1547, %get3A_1548] {strides = array<i32>} : memref<128x128xf32, #tpu.memory_space<vmem>>, vector<1x16xf32>,
        %get3A_1550 = vector.shape_cast %get3A_1549 : vector<1x16xf32> to vector<16xf32>
        %mul3A_1551 = arith.mulf %get3A_1550, %broadcast_in_dim3A_1522 : vector<16xf32>
        %swap3A_1552 = arith.index_cast %add3A_1526 : i32 to index
        %swap3A_1553 = arith.constant 32 : index
        %swap3A_1554 = tpu.vector_load %arg18[%swap3A_1552, %swap3A_1553] {strides = array<i32>} : memref<128x128xf32, #tpu.memory_space<vmem>>, vector<1x16xf32>,
        %swap3A_1555 = vector.shape_cast %swap3A_1554 : vector<1x16xf32> to vector<16xf32>
        %swap3A_1556 = vector.shape_cast %mul3A_1551 : vector<16xf32> to vector<1x16xf32>
        tpu.vector_store %arg18[%swap3A_1552, %swap3A_1553], %swap3A_1556 {strides = array<i32>} : memref<128x128xf32, #tpu.memory_space<vmem>>, vector<1x16xf32>,
        %get3A_1557 = arith.index_cast %add3A_1526 : i32 to index
        %get3A_1558 = arith.constant 48 : index
        %get3A_1559 = tpu.vector_load %arg18[%get3A_1557, %get3A_1558] {strides = array<i32>} : memref<128x128xf32, #tpu.memory_space<vmem>>, vector<1x16xf32>,
        %get3A_1560 = vector.shape_cast %get3A_1559 : vector<1x16xf32> to vector<16xf32>
        %mul3A_1561 = arith.mulf %get3A_1560, %broadcast_in_dim3A_1522 : vector<16xf32>
        %swap3A_1562 = arith.index_cast %add3A_1526 : i32 to index
        %swap3A_1563 = arith.constant 48 : index
        %swap3A_1564 = tpu.vector_load %arg18[%swap3A_1562, %swap3A_1563] {strides = array<i32>} : memref<128x128xf32, #tpu.memory_space<vmem>>, vector<1x16xf32>,
        %swap3A_1565 = vector.shape_cast %swap3A_1564 : vector<1x16xf32> to vector<16xf32>
        %swap3A_1566 = vector.shape_cast %mul3A_1561 : vector<16xf32> to vector<1x16xf32>
        tpu.vector_store %arg18[%swap3A_1562, %swap3A_1563], %swap3A_1566 {strides = array<i32>} : memref<128x128xf32, #tpu.memory_space<vmem>>, vector<1x16xf32>,
        %get3A_1567 = arith.index_cast %add3A_1526 : i32 to index
        %get3A_1568 = arith.constant 64 : index
        %get3A_1569 = tpu.vector_load %arg18[%get3A_1567, %get3A_1568] {strides = array<i32>} : memref<128x128xf32, #tpu.memory_space<vmem>>, vector<1x16xf32>,
        %get3A_1570 = vector.shape_cast %get3A_1569 : vector<1x16xf32> to vector<16xf32>
        %mul3A_1571 = arith.mulf %get3A_1570, %broadcast_in_dim3A_1522 : vector<16xf32>
        %swap3A_1572 = arith.index_cast %add3A_1526 : i32 to index
        %swap3A_1573 = arith.constant 64 : index
        %swap3A_1574 = tpu.vector_load %arg18[%swap3A_1572, %swap3A_1573] {strides = array<i32>} : memref<128x128xf32, #tpu.memory_space<vmem>>, vector<1x16xf32>,
        %swap3A_1575 = vector.shape_cast %swap3A_1574 : vector<1x16xf32> to vector<16xf32>
        %swap3A_1576 = vector.shape_cast %mul3A_1571 : vector<16xf32> to vector<1x16xf32>
        tpu.vector_store %arg18[%swap3A_1572, %swap3A_1573], %swap3A_1576 {strides = array<i32>} : memref<128x128xf32, #tpu.memory_space<vmem>>, vector<1x16xf32>,
        %get3A_1577 = arith.index_cast %add3A_1526 : i32 to index
        %get3A_1578 = arith.constant 80 : index
        %get3A_1579 = tpu.vector_load %arg18[%get3A_1577, %get3A_1578] {strides = array<i32>} : memref<128x128xf32, #tpu.memory_space<vmem>>, vector<1x16xf32>,
        %get3A_1580 = vector.shape_cast %get3A_1579 : vector<1x16xf32> to vector<16xf32>
        %mul3A_1581 = arith.mulf %get3A_1580, %broadcast_in_dim3A_1522 : vector<16xf32>
        %swap3A_1582 = arith.index_cast %add3A_1526 : i32 to index
        %swap3A_1583 = arith.constant 80 : index
        %swap3A_1584 = tpu.vector_load %arg18[%swap3A_1582, %swap3A_1583] {strides = array<i32>} : memref<128x128xf32, #tpu.memory_space<vmem>>, vector<1x16xf32>,
        %swap3A_1585 = vector.shape_cast %swap3A_1584 : vector<1x16xf32> to vector<16xf32>
        %swap3A_1586 = vector.shape_cast %mul3A_1581 : vector<16xf32> to vector<1x16xf32>
        tpu.vector_store %arg18[%swap3A_1582, %swap3A_1583], %swap3A_1586 {strides = array<i32>} : memref<128x128xf32, #tpu.memory_space<vmem>>, vector<1x16xf32>,
        %get3A_1587 = arith.index_cast %add3A_1526 : i32 to index
        %get3A_1588 = arith.constant 96 : index
        %get3A_1589 = tpu.vector_load %arg18[%get3A_1587, %get3A_1588] {strides = array<i32>} : memref<128x128xf32, #tpu.memory_space<vmem>>, vector<1x16xf32>,
        %get3A_1590 = vector.shape_cast %get3A_1589 : vector<1x16xf32> to vector<16xf32>
        %mul3A_1591 = arith.mulf %get3A_1590, %broadcast_in_dim3A_1522 : vector<16xf32>
        %swap3A_1592 = arith.index_cast %add3A_1526 : i32 to index
        %swap3A_1593 = arith.constant 96 : index
        %swap3A_1594 = tpu.vector_load %arg18[%swap3A_1592, %swap3A_1593] {strides = array<i32>} : memref<128x128xf32, #tpu.memory_space<vmem>>, vector<1x16xf32>,
        %swap3A_1595 = vector.shape_cast %swap3A_1594 : vector<1x16xf32> to vector<16xf32>
        %swap3A_1596 = vector.shape_cast %mul3A_1591 : vector<16xf32> to vector<1x16xf32>
        tpu.vector_store %arg18[%swap3A_1592, %swap3A_1593], %swap3A_1596 {strides = array<i32>} : memref<128x128xf32, #tpu.memory_space<vmem>>, vector<1x16xf32>,
        %get3A_1597 = arith.index_cast %add3A_1526 : i32 to index
        %get3A_1598 = arith.constant 112 : index
        %get3A_1599 = tpu.vector_load %arg18[%get3A_1597, %get3A_1598] {strides = array<i32>} : memref<128x128xf32, #tpu.memory_space<vmem>>, vector<1x16xf32>,
        %get3A_1600 = vector.shape_cast %get3A_1599 : vector<1x16xf32> to vector<16xf32>
        %mul3A_1601 = arith.mulf %get3A_1600, %broadcast_in_dim3A_1522 : vector<16xf32>
        %swap3A_1602 = arith.index_cast %add3A_1526 : i32 to index
        %swap3A_1603 = arith.constant 112 : index
        %swap3A_1604 = tpu.vector_load %arg18[%swap3A_1602, %swap3A_1603] {strides = array<i32>} : memref<128x128xf32, #tpu.memory_space<vmem>>, vector<1x16xf32>,
        %swap3A_1605 = vector.shape_cast %swap3A_1604 : vector<1x16xf32> to vector<16xf32>
        %swap3A_1606 = vector.shape_cast %mul3A_1601 : vector<16xf32> to vector<1x16xf32>
        tpu.vector_store %arg18[%swap3A_1602, %swap3A_1603], %swap3A_1606 {strides = array<i32>} : memref<128x128xf32, #tpu.memory_space<vmem>>, vector<1x16xf32>,
        %slice3A_1607 = vector.extract_strided_slice %get3A_390 {offsets = [14], sizes = [1], strides = [1]} : vector<16xf32> to vector<1xf32>
        %squeeze3A_1608 = vector.extract %slice3A_1607[0] : f32 from vector<1xf32>
        %broadcast_in_dim3A_1609 = vector.broadcast %squeeze3A_1608 : f32 to vector<16xf32>
        %mul3A_1610 = arith.constant 16 : i32
        %mul3A_1611 = arith.muli %scan3A_385, %mul3A_1610 : i32
        %add3A_1612 = arith.constant 14 : i32
        %add3A_1613 = arith.addi %mul3A_1611, %add3A_1612 : i32
        %get3A_1614 = arith.index_cast %add3A_1613 : i32 to index
        %get3A_1615 = arith.constant 0 : index
        %get3A_1616 = tpu.vector_load %arg18[%get3A_1614, %get3A_1615] {strides = array<i32>} : memref<128x128xf32, #tpu.memory_space<vmem>>, vector<1x16xf32>,
        %get3A_1617 = vector.shape_cast %get3A_1616 : vector<1x16xf32> to vector<16xf32>
        %mul3A_1618 = arith.mulf %get3A_1617, %broadcast_in_dim3A_1609 : vector<16xf32>
        %swap3A_1619 = arith.index_cast %add3A_1613 : i32 to index
        %swap3A_1620 = arith.constant 0 : index
        %swap3A_1621 = tpu.vector_load %arg18[%swap3A_1619, %swap3A_1620] {strides = array<i32>} : memref<128x128xf32, #tpu.memory_space<vmem>>, vector<1x16xf32>,
        %swap3A_1622 = vector.shape_cast %swap3A_1621 : vector<1x16xf32> to vector<16xf32>
        %swap3A_1623 = vector.shape_cast %mul3A_1618 : vector<16xf32> to vector<1x16xf32>
        tpu.vector_store %arg18[%swap3A_1619, %swap3A_1620], %swap3A_1623 {strides = array<i32>} : memref<128x128xf32, #tpu.memory_space<vmem>>, vector<1x16xf32>,
        %get3A_1624 = arith.index_cast %add3A_1613 : i32 to index
        %get3A_1625 = arith.constant 16 : index
        %get3A_1626 = tpu.vector_load %arg18[%get3A_1624, %get3A_1625] {strides = array<i32>} : memref<128x128xf32, #tpu.memory_space<vmem>>, vector<1x16xf32>,
        %get3A_1627 = vector.shape_cast %get3A_1626 : vector<1x16xf32> to vector<16xf32>
        %mul3A_1628 = arith.mulf %get3A_1627, %broadcast_in_dim3A_1609 : vector<16xf32>
        %swap3A_1629 = arith.index_cast %add3A_1613 : i32 to index
        %swap3A_1630 = arith.constant 16 : index
        %swap3A_1631 = tpu.vector_load %arg18[%swap3A_1629, %swap3A_1630] {strides = array<i32>} : memref<128x128xf32, #tpu.memory_space<vmem>>, vector<1x16xf32>,
        %swap3A_1632 = vector.shape_cast %swap3A_1631 : vector<1x16xf32> to vector<16xf32>
        %swap3A_1633 = vector.shape_cast %mul3A_1628 : vector<16xf32> to vector<1x16xf32>
        tpu.vector_store %arg18[%swap3A_1629, %swap3A_1630], %swap3A_1633 {strides = array<i32>} : memref<128x128xf32, #tpu.memory_space<vmem>>, vector<1x16xf32>,
        %get3A_1634 = arith.index_cast %add3A_1613 : i32 to index
        %get3A_1635 = arith.constant 32 : index
        %get3A_1636 = tpu.vector_load %arg18[%get3A_1634, %get3A_1635] {strides = array<i32>} : memref<128x128xf32, #tpu.memory_space<vmem>>, vector<1x16xf32>,
        %get3A_1637 = vector.shape_cast %get3A_1636 : vector<1x16xf32> to vector<16xf32>
        %mul3A_1638 = arith.mulf %get3A_1637, %broadcast_in_dim3A_1609 : vector<16xf32>
        %swap3A_1639 = arith.index_cast %add3A_1613 : i32 to index
        %swap3A_1640 = arith.constant 32 : index
        %swap3A_1641 = tpu.vector_load %arg18[%swap3A_1639, %swap3A_1640] {strides = array<i32>} : memref<128x128xf32, #tpu.memory_space<vmem>>, vector<1x16xf32>,
        %swap3A_1642 = vector.shape_cast %swap3A_1641 : vector<1x16xf32> to vector<16xf32>
        %swap3A_1643 = vector.shape_cast %mul3A_1638 : vector<16xf32> to vector<1x16xf32>
        tpu.vector_store %arg18[%swap3A_1639, %swap3A_1640], %swap3A_1643 {strides = array<i32>} : memref<128x128xf32, #tpu.memory_space<vmem>>, vector<1x16xf32>,
        %get3A_1644 = arith.index_cast %add3A_1613 : i32 to index
        %get3A_1645 = arith.constant 48 : index
        %get3A_1646 = tpu.vector_load %arg18[%get3A_1644, %get3A_1645] {strides = array<i32>} : memref<128x128xf32, #tpu.memory_space<vmem>>, vector<1x16xf32>,
        %get3A_1647 = vector.shape_cast %get3A_1646 : vector<1x16xf32> to vector<16xf32>
        %mul3A_1648 = arith.mulf %get3A_1647, %broadcast_in_dim3A_1609 : vector<16xf32>
        %swap3A_1649 = arith.index_cast %add3A_1613 : i32 to index
        %swap3A_1650 = arith.constant 48 : index
        %swap3A_1651 = tpu.vector_load %arg18[%swap3A_1649, %swap3A_1650] {strides = array<i32>} : memref<128x128xf32, #tpu.memory_space<vmem>>, vector<1x16xf32>,
        %swap3A_1652 = vector.shape_cast %swap3A_1651 : vector<1x16xf32> to vector<16xf32>
        %swap3A_1653 = vector.shape_cast %mul3A_1648 : vector<16xf32> to vector<1x16xf32>
        tpu.vector_store %arg18[%swap3A_1649, %swap3A_1650], %swap3A_1653 {strides = array<i32>} : memref<128x128xf32, #tpu.memory_space<vmem>>, vector<1x16xf32>,
        %get3A_1654 = arith.index_cast %add3A_1613 : i32 to index
        %get3A_1655 = arith.constant 64 : index
        %get3A_1656 = tpu.vector_load %arg18[%get3A_1654, %get3A_1655] {strides = array<i32>} : memref<128x128xf32, #tpu.memory_space<vmem>>, vector<1x16xf32>,
        %get3A_1657 = vector.shape_cast %get3A_1656 : vector<1x16xf32> to vector<16xf32>
        %mul3A_1658 = arith.mulf %get3A_1657, %broadcast_in_dim3A_1609 : vector<16xf32>
        %swap3A_1659 = arith.index_cast %add3A_1613 : i32 to index
        %swap3A_1660 = arith.constant 64 : index
        %swap3A_1661 = tpu.vector_load %arg18[%swap3A_1659, %swap3A_1660] {strides = array<i32>} : memref<128x128xf32, #tpu.memory_space<vmem>>, vector<1x16xf32>,
        %swap3A_1662 = vector.shape_cast %swap3A_1661 : vector<1x16xf32> to vector<16xf32>
        %swap3A_1663 = vector.shape_cast %mul3A_1658 : vector<16xf32> to vector<1x16xf32>
        tpu.vector_store %arg18[%swap3A_1659, %swap3A_1660], %swap3A_1663 {strides = array<i32>} : memref<128x128xf32, #tpu.memory_space<vmem>>, vector<1x16xf32>,
        %get3A_1664 = arith.index_cast %add3A_1613 : i32 to index
        %get3A_1665 = arith.constant 80 : index
        %get3A_1666 = tpu.vector_load %arg18[%get3A_1664, %get3A_1665] {strides = array<i32>} : memref<128x128xf32, #tpu.memory_space<vmem>>, vector<1x16xf32>,
        %get3A_1667 = vector.shape_cast %get3A_1666 : vector<1x16xf32> to vector<16xf32>
        %mul3A_1668 = arith.mulf %get3A_1667, %broadcast_in_dim3A_1609 : vector<16xf32>
        %swap3A_1669 = arith.index_cast %add3A_1613 : i32 to index
        %swap3A_1670 = arith.constant 80 : index
        %swap3A_1671 = tpu.vector_load %arg18[%swap3A_1669, %swap3A_1670] {strides = array<i32>} : memref<128x128xf32, #tpu.memory_space<vmem>>, vector<1x16xf32>,
        %swap3A_1672 = vector.shape_cast %swap3A_1671 : vector<1x16xf32> to vector<16xf32>
        %swap3A_1673 = vector.shape_cast %mul3A_1668 : vector<16xf32> to vector<1x16xf32>
        tpu.vector_store %arg18[%swap3A_1669, %swap3A_1670], %swap3A_1673 {strides = array<i32>} : memref<128x128xf32, #tpu.memory_space<vmem>>, vector<1x16xf32>,
        %get3A_1674 = arith.index_cast %add3A_1613 : i32 to index
        %get3A_1675 = arith.constant 96 : index
        %get3A_1676 = tpu.vector_load %arg18[%get3A_1674, %get3A_1675] {strides = array<i32>} : memref<128x128xf32, #tpu.memory_space<vmem>>, vector<1x16xf32>,
        %get3A_1677 = vector.shape_cast %get3A_1676 : vector<1x16xf32> to vector<16xf32>
        %mul3A_1678 = arith.mulf %get3A_1677, %broadcast_in_dim3A_1609 : vector<16xf32>
        %swap3A_1679 = arith.index_cast %add3A_1613 : i32 to index
        %swap3A_1680 = arith.constant 96 : index
        %swap3A_1681 = tpu.vector_load %arg18[%swap3A_1679, %swap3A_1680] {strides = array<i32>} : memref<128x128xf32, #tpu.memory_space<vmem>>, vector<1x16xf32>,
        %swap3A_1682 = vector.shape_cast %swap3A_1681 : vector<1x16xf32> to vector<16xf32>
        %swap3A_1683 = vector.shape_cast %mul3A_1678 : vector<16xf32> to vector<1x16xf32>
        tpu.vector_store %arg18[%swap3A_1679, %swap3A_1680], %swap3A_1683 {strides = array<i32>} : memref<128x128xf32, #tpu.memory_space<vmem>>, vector<1x16xf32>,
        %get3A_1684 = arith.index_cast %add3A_1613 : i32 to index
        %get3A_1685 = arith.constant 112 : index
        %get3A_1686 = tpu.vector_load %arg18[%get3A_1684, %get3A_1685] {strides = array<i32>} : memref<128x128xf32, #tpu.memory_space<vmem>>, vector<1x16xf32>,
        %get3A_1687 = vector.shape_cast %get3A_1686 : vector<1x16xf32> to vector<16xf32>
        %mul3A_1688 = arith.mulf %get3A_1687, %broadcast_in_dim3A_1609 : vector<16xf32>
        %swap3A_1689 = arith.index_cast %add3A_1613 : i32 to index
        %swap3A_1690 = arith.constant 112 : index
        %swap3A_1691 = tpu.vector_load %arg18[%swap3A_1689, %swap3A_1690] {strides = array<i32>} : memref<128x128xf32, #tpu.memory_space<vmem>>, vector<1x16xf32>,
        %swap3A_1692 = vector.shape_cast %swap3A_1691 : vector<1x16xf32> to vector<16xf32>
        %swap3A_1693 = vector.shape_cast %mul3A_1688 : vector<16xf32> to vector<1x16xf32>
        tpu.vector_store %arg18[%swap3A_1689, %swap3A_1690], %swap3A_1693 {strides = array<i32>} : memref<128x128xf32, #tpu.memory_space<vmem>>, vector<1x16xf32>,
        %slice3A_1694 = vector.extract_strided_slice %get3A_390 {offsets = [15], sizes = [1], strides = [1]} : vector<16xf32> to vector<1xf32>
        %squeeze3A_1695 = vector.extract %slice3A_1694[0] : f32 from vector<1xf32>
        %broadcast_in_dim3A_1696 = vector.broadcast %squeeze3A_1695 : f32 to vector<16xf32>
        %mul3A_1697 = arith.constant 16 : i32
        %mul3A_1698 = arith.muli %scan3A_385, %mul3A_1697 : i32
        %add3A_1699 = arith.constant 15 : i32
        %add3A_1700 = arith.addi %mul3A_1698, %add3A_1699 : i32
        %get3A_1701 = arith.index_cast %add3A_1700 : i32 to index
        %get3A_1702 = arith.constant 0 : index
        %get3A_1703 = tpu.vector_load %arg18[%get3A_1701, %get3A_1702] {strides = array<i32>} : memref<128x128xf32, #tpu.memory_space<vmem>>, vector<1x16xf32>,
        %get3A_1704 = vector.shape_cast %get3A_1703 : vector<1x16xf32> to vector<16xf32>
        %mul3A_1705 = arith.mulf %get3A_1704, %broadcast_in_dim3A_1696 : vector<16xf32>
        %swap3A_1706 = arith.index_cast %add3A_1700 : i32 to index
        %swap3A_1707 = arith.constant 0 : index
        %swap3A_1708 = tpu.vector_load %arg18[%swap3A_1706, %swap3A_1707] {strides = array<i32>} : memref<128x128xf32, #tpu.memory_space<vmem>>, vector<1x16xf32>,
        %swap3A_1709 = vector.shape_cast %swap3A_1708 : vector<1x16xf32> to vector<16xf32>
        %swap3A_1710 = vector.shape_cast %mul3A_1705 : vector<16xf32> to vector<1x16xf32>
        tpu.vector_store %arg18[%swap3A_1706, %swap3A_1707], %swap3A_1710 {strides = array<i32>} : memref<128x128xf32, #tpu.memory_space<vmem>>, vector<1x16xf32>,
        %get3A_1711 = arith.index_cast %add3A_1700 : i32 to index
        %get3A_1712 = arith.constant 16 : index
        %get3A_1713 = tpu.vector_load %arg18[%get3A_1711, %get3A_1712] {strides = array<i32>} : memref<128x128xf32, #tpu.memory_space<vmem>>, vector<1x16xf32>,
        %get3A_1714 = vector.shape_cast %get3A_1713 : vector<1x16xf32> to vector<16xf32>
        %mul3A_1715 = arith.mulf %get3A_1714, %broadcast_in_dim3A_1696 : vector<16xf32>
        %swap3A_1716 = arith.index_cast %add3A_1700 : i32 to index
        %swap3A_1717 = arith.constant 16 : index
        %swap3A_1718 = tpu.vector_load %arg18[%swap3A_1716, %swap3A_1717] {strides = array<i32>} : memref<128x128xf32, #tpu.memory_space<vmem>>, vector<1x16xf32>,
        %swap3A_1719 = vector.shape_cast %swap3A_1718 : vector<1x16xf32> to vector<16xf32>
        %swap3A_1720 = vector.shape_cast %mul3A_1715 : vector<16xf32> to vector<1x16xf32>
        tpu.vector_store %arg18[%swap3A_1716, %swap3A_1717], %swap3A_1720 {strides = array<i32>} : memref<128x128xf32, #tpu.memory_space<vmem>>, vector<1x16xf32>,
        %get3A_1721 = arith.index_cast %add3A_1700 : i32 to index
        %get3A_1722 = arith.constant 32 : index
        %get3A_1723 = tpu.vector_load %arg18[%get3A_1721, %get3A_1722] {strides = array<i32>} : memref<128x128xf32, #tpu.memory_space<vmem>>, vector<1x16xf32>,
        %get3A_1724 = vector.shape_cast %get3A_1723 : vector<1x16xf32> to vector<16xf32>
        %mul3A_1725 = arith.mulf %get3A_1724, %broadcast_in_dim3A_1696 : vector<16xf32>
        %swap3A_1726 = arith.index_cast %add3A_1700 : i32 to index
        %swap3A_1727 = arith.constant 32 : index
        %swap3A_1728 = tpu.vector_load %arg18[%swap3A_1726, %swap3A_1727] {strides = array<i32>} : memref<128x128xf32, #tpu.memory_space<vmem>>, vector<1x16xf32>,
        %swap3A_1729 = vector.shape_cast %swap3A_1728 : vector<1x16xf32> to vector<16xf32>
        %swap3A_1730 = vector.shape_cast %mul3A_1725 : vector<16xf32> to vector<1x16xf32>
        tpu.vector_store %arg18[%swap3A_1726, %swap3A_1727], %swap3A_1730 {strides = array<i32>} : memref<128x128xf32, #tpu.memory_space<vmem>>, vector<1x16xf32>,
        %get3A_1731 = arith.index_cast %add3A_1700 : i32 to index
        %get3A_1732 = arith.constant 48 : index
        %get3A_1733 = tpu.vector_load %arg18[%get3A_1731, %get3A_1732] {strides = array<i32>} : memref<128x128xf32, #tpu.memory_space<vmem>>, vector<1x16xf32>,
        %get3A_1734 = vector.shape_cast %get3A_1733 : vector<1x16xf32> to vector<16xf32>
        %mul3A_1735 = arith.mulf %get3A_1734, %broadcast_in_dim3A_1696 : vector<16xf32>
        %swap3A_1736 = arith.index_cast %add3A_1700 : i32 to index
        %swap3A_1737 = arith.constant 48 : index
        %swap3A_1738 = tpu.vector_load %arg18[%swap3A_1736, %swap3A_1737] {strides = array<i32>} : memref<128x128xf32, #tpu.memory_space<vmem>>, vector<1x16xf32>,
        %swap3A_1739 = vector.shape_cast %swap3A_1738 : vector<1x16xf32> to vector<16xf32>
        %swap3A_1740 = vector.shape_cast %mul3A_1735 : vector<16xf32> to vector<1x16xf32>
        tpu.vector_store %arg18[%swap3A_1736, %swap3A_1737], %swap3A_1740 {strides = array<i32>} : memref<128x128xf32, #tpu.memory_space<vmem>>, vector<1x16xf32>,
        %get3A_1741 = arith.index_cast %add3A_1700 : i32 to index
        %get3A_1742 = arith.constant 64 : index
        %get3A_1743 = tpu.vector_load %arg18[%get3A_1741, %get3A_1742] {strides = array<i32>} : memref<128x128xf32, #tpu.memory_space<vmem>>, vector<1x16xf32>,
        %get3A_1744 = vector.shape_cast %get3A_1743 : vector<1x16xf32> to vector<16xf32>
        %mul3A_1745 = arith.mulf %get3A_1744, %broadcast_in_dim3A_1696 : vector<16xf32>
        %swap3A_1746 = arith.index_cast %add3A_1700 : i32 to index
        %swap3A_1747 = arith.constant 64 : index
        %swap3A_1748 = tpu.vector_load %arg18[%swap3A_1746, %swap3A_1747] {strides = array<i32>} : memref<128x128xf32, #tpu.memory_space<vmem>>, vector<1x16xf32>,
        %swap3A_1749 = vector.shape_cast %swap3A_1748 : vector<1x16xf32> to vector<16xf32>
        %swap3A_1750 = vector.shape_cast %mul3A_1745 : vector<16xf32> to vector<1x16xf32>
        tpu.vector_store %arg18[%swap3A_1746, %swap3A_1747], %swap3A_1750 {strides = array<i32>} : memref<128x128xf32, #tpu.memory_space<vmem>>, vector<1x16xf32>,
        %get3A_1751 = arith.index_cast %add3A_1700 : i32 to index
        %get3A_1752 = arith.constant 80 : index
        %get3A_1753 = tpu.vector_load %arg18[%get3A_1751, %get3A_1752] {strides = array<i32>} : memref<128x128xf32, #tpu.memory_space<vmem>>, vector<1x16xf32>,
        %get3A_1754 = vector.shape_cast %get3A_1753 : vector<1x16xf32> to vector<16xf32>
        %mul3A_1755 = arith.mulf %get3A_1754, %broadcast_in_dim3A_1696 : vector<16xf32>
        %swap3A_1756 = arith.index_cast %add3A_1700 : i32 to index
        %swap3A_1757 = arith.constant 80 : index
        %swap3A_1758 = tpu.vector_load %arg18[%swap3A_1756, %swap3A_1757] {strides = array<i32>} : memref<128x128xf32, #tpu.memory_space<vmem>>, vector<1x16xf32>,
        %swap3A_1759 = vector.shape_cast %swap3A_1758 : vector<1x16xf32> to vector<16xf32>
        %swap3A_1760 = vector.shape_cast %mul3A_1755 : vector<16xf32> to vector<1x16xf32>
        tpu.vector_store %arg18[%swap3A_1756, %swap3A_1757], %swap3A_1760 {strides = array<i32>} : memref<128x128xf32, #tpu.memory_space<vmem>>, vector<1x16xf32>,
        %get3A_1761 = arith.index_cast %add3A_1700 : i32 to index
        %get3A_1762 = arith.constant 96 : index
        %get3A_1763 = tpu.vector_load %arg18[%get3A_1761, %get3A_1762] {strides = array<i32>} : memref<128x128xf32, #tpu.memory_space<vmem>>, vector<1x16xf32>,
        %get3A_1764 = vector.shape_cast %get3A_1763 : vector<1x16xf32> to vector<16xf32>
        %mul3A_1765 = arith.mulf %get3A_1764, %broadcast_in_dim3A_1696 : vector<16xf32>
        %swap3A_1766 = arith.index_cast %add3A_1700 : i32 to index
        %swap3A_1767 = arith.constant 96 : index
        %swap3A_1768 = tpu.vector_load %arg18[%swap3A_1766, %swap3A_1767] {strides = array<i32>} : memref<128x128xf32, #tpu.memory_space<vmem>>, vector<1x16xf32>,
        %swap3A_1769 = vector.shape_cast %swap3A_1768 : vector<1x16xf32> to vector<16xf32>
        %swap3A_1770 = vector.shape_cast %mul3A_1765 : vector<16xf32> to vector<1x16xf32>
        tpu.vector_store %arg18[%swap3A_1766, %swap3A_1767], %swap3A_1770 {strides = array<i32>} : memref<128x128xf32, #tpu.memory_space<vmem>>, vector<1x16xf32>,
        %get3A_1771 = arith.index_cast %add3A_1700 : i32 to index
        %get3A_1772 = arith.constant 112 : index
        %get3A_1773 = tpu.vector_load %arg18[%get3A_1771, %get3A_1772] {strides = array<i32>} : memref<128x128xf32, #tpu.memory_space<vmem>>, vector<1x16xf32>,
        %get3A_1774 = vector.shape_cast %get3A_1773 : vector<1x16xf32> to vector<16xf32>
        %mul3A_1775 = arith.mulf %get3A_1774, %broadcast_in_dim3A_1696 : vector<16xf32>
        %swap3A_1776 = arith.index_cast %add3A_1700 : i32 to index
        %swap3A_1777 = arith.constant 112 : index
        %swap3A_1778 = tpu.vector_load %arg18[%swap3A_1776, %swap3A_1777] {strides = array<i32>} : memref<128x128xf32, #tpu.memory_space<vmem>>, vector<1x16xf32>,
        %swap3A_1779 = vector.shape_cast %swap3A_1778 : vector<1x16xf32> to vector<16xf32>
        %swap3A_1780 = vector.shape_cast %mul3A_1775 : vector<16xf32> to vector<1x16xf32>
        tpu.vector_store %arg18[%swap3A_1776, %swap3A_1777], %swap3A_1780 {strides = array<i32>} : memref<128x128xf32, #tpu.memory_space<vmem>>, vector<1x16xf32>,
      }
      %scan3A_384 = arith.constant 8 : i32
      "tpu.region"() ({
        %run_scoped3A = tpu.sem_alloc : memref<!tpu.dma_semaphore, #tpu.memory_space<semaphore_mem>>
        %dma_start3A_385 = arith.constant 0 : i32
        %dma_start3A_386 = arith.constant 0 : i32
        %dma_start3A_387 = tpu.memref_slice %arg8[%dma_start3A_385, %dma_start3A_386] : memref<10240x128xf32, #tpu.memory_space<vmem_shared>> -> memref<10240x128xf32, #tpu.memory_space<vmem_shared>>
        tpu.enqueue_indirect_dma source(%arg18 : memref<128x128xf32, #tpu.memory_space<vmem>>) target(%dma_start3A_387 : memref<10240x128xf32, #tpu.memory_space<vmem_shared>>) offsets(%arg11 : memref<128xi32, #tpu.memory_space<vmem>>) semaphore(%run_scoped3A : memref<!tpu.dma_semaphore, #tpu.memory_space<semaphore_mem>>) {add = true}
        %dma_wait3A_388 = arith.constant 0 : i32
        %dma_wait3A_389 = arith.constant 0 : i32
        %dma_wait3A_390 = tpu.memref_slice %arg8[%dma_wait3A_388, %dma_wait3A_389] : memref<10240x128xf32, #tpu.memory_space<vmem_shared>> -> memref<10240x128xf32, #tpu.memory_space<vmem_shared>>
        tpu.wait_indirect_dma semaphore(%run_scoped3A : memref<!tpu.dma_semaphore, #tpu.memory_space<semaphore_mem>>) src(%arg18 : memref<128x128xf32, #tpu.memory_space<vmem>>) dst(%dma_wait3A_390 : memref<10240x128xf32, #tpu.memory_space<vmem_shared>>)
        tpu.yield
      }) : () -> ()
    }
    %scan3A_72 = arith.constant 80 : i32
    %barrier3A_73 = arith.constant 0 : index
    tpu.barrier barrier_id(%barrier3A_73)
    %mul3A_74 = arith.constant 10240 : i32
    %mul3A_75 = arith.muli %arg0, %mul3A_74 : i32
    %mul3A_76 = arith.constant 640 : i32
    %mul3A_77 = arith.muli %arg1, %mul3A_76 : i32
    %add3A_78 = arith.addi %mul3A_75, %mul3A_77 : i32
    %scan3A_79 = arith.constant 0 : i32
    %scan3A_80 = arith.constant 0 : i32
    %scan3A_81 = arith.constant 10 : i32
    %scan3A_82 = arith.addi %scan3A_80, %scan3A_81 : i32
    %scan3A_83 = arith.constant 1 : i32
    scf.for %scan3A_85 = %scan3A_80 to %scan3A_82 step %scan3A_83  : i32 {
      %mul3A_86 = arith.constant 640 : i32
      %mul3A_87 = arith.muli %arg1, %mul3A_86 : i32
      %mul3A_88 = arith.constant 64 : i32
      %mul3A_89 = arith.muli %scan3A_85, %mul3A_88 : i32
      %add3A_90 = arith.addi %mul3A_87, %mul3A_89 : i32
      "tpu.region"() ({
        %run_scoped3A = tpu.sem_alloc : memref<!tpu.dma_semaphore, #tpu.memory_space<semaphore_mem>>
        %dma_start3A = arith.constant 0 : i32
        %dma_start3A_94 = tpu.memref_slice %arg8[%add3A_90, %dma_start3A] : memref<10240x128xf32, #tpu.memory_space<vmem_shared>> -> memref<64x128xf32, #tpu.memory_space<vmem_shared>>
        %dma_start3A_95 = arith.constant 0 : i32
        %dma_start3A_96 = tpu.memref_slice %arg8[%add3A_90, %dma_start3A_95] : memref<10240x128xf32, #tpu.memory_space<vmem_shared>> -> memref<64x128xf32, #tpu.memory_space<vmem_shared>>
        tpu.enqueue_dma source(%dma_start3A_96 : memref<64x128xf32, #tpu.memory_space<vmem_shared>>) target(%arg10 : memref<64x128xf32, #tpu.memory_space<vmem>>) target_semaphore(%run_scoped3A : memref<!tpu.dma_semaphore, #tpu.memory_space<semaphore_mem>>)
        %dma_wait3A = arith.constant 0 : i32
        %dma_wait3A_97 = tpu.memref_slice %arg8[%add3A_90, %dma_wait3A] : memref<10240x128xf32, #tpu.memory_space<vmem_shared>> -> memref<64x128xf32, #tpu.memory_space<vmem_shared>>
        %dma_wait3A_98 = arith.constant 0 : i32
        %dma_wait3A_99 = tpu.memref_slice %arg8[%add3A_90, %dma_wait3A_98] : memref<10240x128xf32, #tpu.memory_space<vmem_shared>> -> memref<64x128xf32, #tpu.memory_space<vmem_shared>>
        tpu.wait_dma2 semaphore(%run_scoped3A : memref<!tpu.dma_semaphore, #tpu.memory_space<semaphore_mem>>) src(%dma_wait3A_99 : memref<64x128xf32, #tpu.memory_space<vmem_shared>>) dst(%arg10 : memref<64x128xf32, #tpu.memory_space<vmem>>)
        tpu.yield
      }) : () -> ()
      %mul3A_91 = arith.constant 64 : i32
      %mul3A_92 = arith.muli %scan3A_85, %mul3A_91 : i32
      %add3A_93 = arith.addi %add3A_78, %mul3A_92 : i32
      "tpu.region"() ({
        %run_scoped3A = tpu.sem_alloc : memref<!tpu.dma_semaphore, #tpu.memory_space<semaphore_mem>>
        %dma_start3A = arith.constant 0 : i32
        %dma_start3A_94 = tpu.memref_slice %arg6[%add3A_93, %dma_start3A] : memref<20480x128xf32, #tpu.memory_space<hbm>> -> memref<64x128xf32, #tpu.memory_space<hbm>>
        %dma_start3A_95 = arith.constant 0 : i32
        %dma_start3A_96 = tpu.memref_slice %arg6[%add3A_93, %dma_start3A_95] : memref<20480x128xf32, #tpu.memory_space<hbm>> -> memref<64x128xf32, #tpu.memory_space<hbm>>
        tpu.enqueue_dma source(%arg10 : memref<64x128xf32, #tpu.memory_space<vmem>>) target(%dma_start3A_96 : memref<64x128xf32, #tpu.memory_space<hbm>>) target_semaphore(%run_scoped3A : memref<!tpu.dma_semaphore, #tpu.memory_space<semaphore_mem>>)
        %dma_wait3A = arith.constant 0 : i32
        %dma_wait3A_97 = tpu.memref_slice %arg6[%add3A_93, %dma_wait3A] : memref<20480x128xf32, #tpu.memory_space<hbm>> -> memref<64x128xf32, #tpu.memory_space<hbm>>
        %dma_wait3A_98 = arith.constant 0 : i32
        %dma_wait3A_99 = tpu.memref_slice %arg6[%add3A_93, %dma_wait3A_98] : memref<20480x128xf32, #tpu.memory_space<hbm>> -> memref<64x128xf32, #tpu.memory_space<hbm>>
        tpu.wait_dma2 semaphore(%run_scoped3A : memref<!tpu.dma_semaphore, #tpu.memory_space<semaphore_mem>>) src(%arg10 : memref<64x128xf32, #tpu.memory_space<vmem>>) dst(%dma_wait3A_99 : memref<64x128xf32, #tpu.memory_space<hbm>>)
        tpu.yield
      }) : () -> ()
    }
    %scan3A_84 = arith.constant 10 : i32
    return
  }
}

module attributes {stable_mosaic.version = 14 : i64} {
  func.func @_mm_body(%arg0: i32, %arg1: i32, %arg2: memref<1000x128xf32, #tpu.memory_space<vmem>>, %arg3: memref<128x640xf32, #tpu.memory_space<vmem>>, %arg4: memref<1000x640xf32, #tpu.memory_space<vmem>>) attributes {dimension_semantics = [#tpu.dimension_semantics<arbitrary>, #tpu.dimension_semantics<arbitrary>], iteration_bounds = array<i64: 10, 5>, scalar_prefetch = 0 : i64, scratch_operands = 0 : i64, tpu.core_type = #tpu.core_type<tc>, window_params = [{transform_indices = @transform_0, window_bounds = array<i64: 1000, 128>}, {transform_indices = @transform_1, window_bounds = array<i64: 128, 640>}, {transform_indices = @transform_2, window_bounds = array<i64: 1000, 640>}]} {
    %get3A = arith.constant 0 : index
    %get3A_0 = arith.constant 0 : index
    %get3A_1 = vector.load %arg2[%get3A, %get3A_0] : memref<1000x128xf32, #tpu.memory_space<vmem>>, vector<1000x128xf32>
    %get3A_2 = arith.constant 0 : index
    %get3A_3 = arith.constant 0 : index
    %get3A_4 = vector.load %arg3[%get3A_2, %get3A_3] : memref<128x640xf32, #tpu.memory_space<vmem>>, vector<128x640xf32>
    %dot_general3A = arith.constant dense<0.000000e+00> : vector<1000x640xf32>
    %dot_general3A_5 = tpu.matmul %get3A_1, %get3A_4, %dot_general3A {dimension_numbers = #tpu.dot_dimension_numbers<[1], [0], [0], [1], [0, 0, 1, 1], [], []>, transpose_lhs_hint = false} : vector<1000x128xf32>, vector<128x640xf32>, vector<1000x640xf32> -> vector<1000x640xf32>
    %swap3A = arith.constant 0 : index
    %swap3A_6 = arith.constant 0 : index
    %swap3A_7 = vector.load %arg4[%swap3A, %swap3A_6] : memref<1000x640xf32, #tpu.memory_space<vmem>>, vector<1000x640xf32>
    tpu.vector_store %arg4[%swap3A, %swap3A_6], %dot_general3A_5 {strides = array<i32>} : memref<1000x640xf32, #tpu.memory_space<vmem>>, vector<1000x640xf32>,
    return
  }
  func.func @transform_0(%arg0: i32, %arg1: i32) -> (i32, i32) {
    %c0_i32 = arith.constant 0 : i32
    %c0_i32_0 = arith.constant 0 : i32
    return %arg0, %c0_i32 : i32, i32
  }
  func.func @transform_1(%arg0: i32, %arg1: i32) -> (i32, i32) {
    %c0_i32 = arith.constant 0 : i32
    %c0_i32_0 = arith.constant 0 : i32
    return %c0_i32, %arg1 : i32, i32
  }
  func.func @transform_2(%arg0: i32, %arg1: i32) -> (i32, i32) {
    %c0_i32 = arith.constant 0 : i32
    return %arg0, %arg1 : i32, i32
  }
}

module attributes {stable_mosaic.version = 14 : i64} {
  func.func @_comb_body(%arg0: i32, %arg1: memref<2000x128xf32, #tpu.memory_space<vmem>>, %arg2: memref<2000x128xf32, #tpu.memory_space<vmem>>, %arg3: memref<2000x128xf32, #tpu.memory_space<vmem>>, %arg4: memref<1x128xf32, #tpu.memory_space<vmem>>, %arg5: memref<2000x128xf32, #tpu.memory_space<vmem>>) attributes {dimension_semantics = [#tpu.dimension_semantics<arbitrary>], iteration_bounds = array<i64: 5>, scalar_prefetch = 0 : i64, scratch_operands = 0 : i64, tpu.core_type = #tpu.core_type<tc>, window_params = [{transform_indices = @transform_0, window_bounds = array<i64: 2000, 128>}, {transform_indices = @transform_1, window_bounds = array<i64: 2000, 128>}, {transform_indices = @transform_2, window_bounds = array<i64: 2000, 128>}, {pipeline_mode = #tpu.pipeline_mode<synchronous>, transform_indices = @transform_3, window_bounds = array<i64: 1, 128>}, {transform_indices = @transform_4, window_bounds = array<i64: 2000, 128>}]} {
    %get3A = arith.constant 0 : index
    %get3A_0 = arith.constant 0 : index
    %get3A_1 = vector.load %arg1[%get3A, %get3A_0] : memref<2000x128xf32, #tpu.memory_space<vmem>>, vector<2000x128xf32>
    %get3A_2 = arith.constant 0 : index
    %get3A_3 = arith.constant 0 : index
    %get3A_4 = vector.load %arg2[%get3A_2, %get3A_3] : memref<2000x128xf32, #tpu.memory_space<vmem>>, vector<2000x128xf32>
    %add3A = arith.addf %get3A_1, %get3A_4 : vector<2000x128xf32>
    %get3A_5 = arith.constant 0 : index
    %get3A_6 = arith.constant 0 : index
    %get3A_7 = vector.load %arg3[%get3A_5, %get3A_6] : memref<2000x128xf32, #tpu.memory_space<vmem>>, vector<2000x128xf32>
    %add3A_8 = arith.addf %add3A, %get3A_7 : vector<2000x128xf32>
    %get3A_9 = arith.constant 0 : index
    %get3A_10 = arith.constant 0 : index
    %get3A_11 = vector.load %arg4[%get3A_9, %get3A_10] : memref<1x128xf32, #tpu.memory_space<vmem>>, vector<1x128xf32>
    %add3A_12 = vector.broadcast %get3A_11 : vector<1x128xf32> to vector<2000x128xf32>
    %add3A_13 = arith.addf %add3A_8, %add3A_12 : vector<2000x128xf32>
    %swap3A = arith.constant 0 : index
    %swap3A_14 = arith.constant 0 : index
    %swap3A_15 = vector.load %arg5[%swap3A, %swap3A_14] : memref<2000x128xf32, #tpu.memory_space<vmem>>, vector<2000x128xf32>
    tpu.vector_store %arg5[%swap3A, %swap3A_14], %add3A_13 {strides = array<i32>} : memref<2000x128xf32, #tpu.memory_space<vmem>>, vector<2000x128xf32>,
    return
  }
  func.func @transform_0(%arg0: i32) -> (i32, i32) {
    %c0_i32 = arith.constant 0 : i32
    %c0_i32_0 = arith.constant 0 : i32
    return %arg0, %c0_i32 : i32, i32
  }
  func.func @transform_1(%arg0: i32) -> (i32, i32) {
    %c0_i32 = arith.constant 0 : i32
    %c0_i32_0 = arith.constant 0 : i32
    return %arg0, %c0_i32 : i32, i32
  }
  func.func @transform_2(%arg0: i32) -> (i32, i32) {
    %c0_i32 = arith.constant 0 : i32
    %c0_i32_0 = arith.constant 0 : i32
    return %arg0, %c0_i32 : i32, i32
  }
  func.func @transform_3(%arg0: i32) -> (i32, i32) {
    %c0_i32 = arith.constant 0 : i32
    %c0_i32_0 = arith.constant 0 : i32
    %c0_i32_1 = arith.constant 0 : i32
    return %c0_i32, %c0_i32_0 : i32, i32
  }
  func.func @transform_4(%arg0: i32) -> (i32, i32) {
    %c0_i32 = arith.constant 0 : i32
    %c0_i32_0 = arith.constant 0 : i32
    return %arg0, %c0_i32 : i32, i32
  }
}

</mosaic_0001>

<sc_bundles>
// kernel: kernel.5.cloned.1.call-start
scs
__scs_entry_jumppad:
0x0: {  	(pc) =	sbr.rel $0x88, $3  }
0x1: {  	(tag) =	ssettag $0x0;
	lr =	simm.s32 $0x1  }
0x2: {  	[smem:$0x3F9B] =	sst lr;
	_ =	strace $0xD0000000  }
0x3: {  	_ = 	snop  }
0x4: {  	_ = 	snop  }
0x5: {  	_ = 	snop  }
0x6: {  	_ = 	snop  }
0x7: {  	_ = 	snop  }
__scs_overlays_trampoline_lowered:
0x8: {  	[smem:$0x3FAA] =	sst s0  }
0x9: {  	[smem:$0x3FAB] =	sst s1  }
0xa: {  	[smem:$0x3FAC] =	sst s2  }
0xb: {  	[smem:$0x3FAD] =	sst s3  }
0xc: {  	[smem:$0x3FAE] =	sst s4  }
0xd: {  	[smem:$0x3FAF] =	sst s5  }
0xe: {  	[smem:$0x3FB0] =	sst s6  }
0xf: {  	[smem:$0x3FB1] =	sst s7  }
0x10: {  	[smem:$0x3FB2] =	sst s8  }
0x11: {  	[smem:$0x3FB3] =	sst s9;
	s0 =	simm.s32 @!p0 $0x0  }
0x12: {  	s1 =	sld [smem:$0x3F99];
	s0 =	simm.s32 @p0 $0x1  }
0x13: {  	[smem:$0x3FB4] =	sst s0;
	s0 =	simm.s32 @!p1 $0x0  }
0x14: {  	s2 =	sld [smem:$0x3F98];
	s0 =	simm.s32 @p1 $0x1  }
0x15: {  	[smem:$0x3FB5] =	sst s0;
	s0 =	simm.s32 @!p2 $0x0  }
0x16: {  	s3 =	sld [smem:$0x3FDB];
	s0 =	simm.s32 @p2 $0x1  }
0x17: {  	s4 =	simm.s32 $0x1BF5;
	[smem:$0x3FB7] =	sst s0  }
0x18: {  	s0 =	sld [smem:$0x3F9A];
	_ =	swait.ge [sflag:s4], $0x0  }
0x19: {  	s7 =	sld [smem:$0x3F9B]  }
0x1a: {  	s8 =	sadd.s32 $0xFFFFE003, lr  }
0x1b: {  	s9 =	sadd.s32 $0xFFFFFEF7, lr;
	s5 =	simm.s32 $0xFFFFFFFF;
	p2 =	slt.u32 s8, $0xFFFFF086  }
0x1c: {  	p1 =	slt.u32 s9, $0xF7A;
	s5 =	simm.s32 @!p2 $0x0  }
0x1d: {  	s5 =	simm.s32 @p1 $0x1;
	p0 =	seq.s32 s7, s2  }
0x1e: {  	s7 =	smul.u32 @!p0 $0xF7A, s2;
	p2 =	seq.s32 @!p0 s5, $0x0  }
0x1f: {  	s9 =	smul.u32 $0xF7A, s1;
	s8 =	simm.s32 @!p0 $0x1BF5;
	p2 =	por !p2, p0  }
0x20: {  	[sflag:s8] =	ssyncset.s32 @!p0 $0xFFFFF086;
	s6 =	sadd.s32 @!p0 s3, s7;
	s7 =	simm.s32 @!p0 $0x108  }
0x21: {  	s3 =	sadd.s32 s3, s9;
	s6 =	sadd.s32 @!p0 $0x88, s6;
	s7 =	simm.s32 @p2 $0x1082  }
0x22: {  	[simem:s7], [sflag:s8] =	dma.local @!p0 [hbm:s6], $0xF7A  }
0x23: {  	s9 =	sor.u32 $0xD0000000, s2;
	s6 =	simm.s32 $0x108;
	_ =	swait.ge @!p0 [sflag:s8], $0x0  }
0x24: {  	s3 =	sadd.s32 $0x88, s3;
	s6 =	simm.s32 @!p1 $0x1082;
	[sflag:s4] =	ssyncset.s32 $0xFFFFF086  }
0x25: {  	[simem:s6], [sflag:s4] =	dma.local [hbm:s3], $0xF7A  }
0x26: {  	[smem:$0x3F9B] =	sst s1;
	(tag) =	ssettag s2;
	_ =	strace s9  }
0x27: {  	s1 =	sld [smem:$0x3FAB]  }
0x28: {  	s2 =	sld [smem:$0x3FAC]  }
0x29: {  	s4 =	sld [smem:$0x3FAE]  }
0x2a: {  	p0 =	seq.s32 s5, $0x0;
	s5 =	sld [smem:$0x3FAF]  }
0x2b: {  	s6 =	sld [smem:$0x3FB0]  }
0x2c: {  	s7 =	sld [smem:$0x3FB1]  }
0x2d: {  	s3 =	simm.s32 $0x108;
	s8 =	sld [smem:$0x3FB2]  }
0x2e: {  	s3 =	simm.s32 @!p0 $0x1082;
	s9 =	sld [smem:$0x3FB3]  }
0x2f: {  	lr =	sadd.s32 s0, s3;
	s0 =	sld [smem:$0x3FAA]  }
0x30: {  	s3 =	sld [smem:$0x3FAD]  }
0x31: {  	[smem:$0x3FB6] =	sst s10  }
0x32: {  	s10 =	sld [smem:$0x3FB4];
	_ =	sdelay $0x3  }
0x33: {  	p0 =	seq.s32 s10, $0x1;
	s10 =	sld [smem:$0x3FB6];
	_ =	sdelay $0x3  }
0x34: {  	[smem:$0x3FB6] =	sst s10  }
0x35: {  	s10 =	sld [smem:$0x3FB5];
	_ =	sdelay $0x3  }
0x36: {  	p1 =	seq.s32 s10, $0x1;
	s10 =	sld [smem:$0x3FB6];
	_ =	sdelay $0x3  }
0x37: {  	[smem:$0x3FB6] =	sst s10  }
0x38: {  	s10 =	sld [smem:$0x3FB7]  }
0x39: {  	_ = 	snop;
	(pc) =	sbr.ind lr, $3  }
0x3a: {  	_ = 	snop  }
0x3b: {  	_ = 	snop  }
0x3c: {  	p2 =	seq.s32 s10, $0x1;
	s10 =	sld [smem:$0x3FB6]  }
0x3d: {  	_ =	shalt  }
0x3e: {  	_ =	shalt  }
0x3f: {  	_ =	shalt  }
0x40: {  	_ =	shalt  }
0x41: {  	_ =	shalt  }
0x42: {  	_ =	shalt  }
0x43: {  	_ =	shalt  }
0x44: {  	_ =	shalt  }
0x45: {  	_ =	shalt  }
0x46: {  	_ =	shalt  }
0x47: {  	_ =	shalt  }
0x48: {  	_ =	shalt  }
0x49: {  	_ =	shalt  }
0x4a: {  	_ =	shalt  }
0x4b: {  	_ =	shalt  }
0x4c: {  	_ =	shalt  }
0x4d: {  	_ =	shalt  }
0x4e: {  	_ =	shalt  }
0x4f: {  	_ =	shalt  }
0x50: {  	_ =	shalt  }
0x51: {  	_ =	shalt  }
0x52: {  	_ =	shalt  }
0x53: {  	_ =	shalt  }
0x54: {  	_ =	shalt  }
0x55: {  	_ =	shalt  }
0x56: {  	_ =	shalt  }
0x57: {  	_ =	shalt  }
0x58: {  	_ =	shalt  }
0x59: {  	_ =	shalt  }
0x5a: {  	_ =	shalt  }
0x5b: {  	_ =	shalt  }
0x5c: {  	_ =	shalt  }
0x5d: {  	_ =	shalt  }
0x5e: {  	_ =	shalt  }
0x5f: {  	_ =	shalt  }
0x60: {  	_ =	shalt  }
0x61: {  	_ =	shalt  }
0x62: {  	_ =	shalt  }
0x63: {  	_ =	shalt  }
0x64: {  	_ =	shalt  }
0x65: {  	_ =	shalt  }
0x66: {  	_ =	shalt  }
0x67: {  	_ =	shalt  }
0x68: {  	_ =	shalt  }
0x69: {  	_ =	shalt  }
0x6a: {  	_ =	shalt  }
0x6b: {  	_ =	shalt  }
0x6c: {  	_ =	shalt  }
0x6d: {  	_ =	shalt  }
0x6e: {  	_ =	shalt  }
0x6f: {  	_ =	shalt  }
0x70: {  	_ =	shalt  }
0x71: {  	_ =	shalt  }
0x72: {  	_ =	shalt  }
0x73: {  	_ =	shalt  }
0x74: {  	_ =	shalt  }
0x75: {  	_ =	shalt  }
0x76: {  	_ =	shalt  }
0x77: {  	_ =	shalt  }
0x78: {  	_ =	shalt  }
0x79: {  	_ =	shalt  }
0x7a: {  	_ =	shalt  }
0x7b: {  	_ =	shalt  }
0x7c: {  	_ =	shalt  }
0x7d: {  	_ =	shalt  }
0x7e: {  	_ =	shalt  }
0x7f: {  	_ =	shalt  }
0x80: {  	_ =	shalt  }
0x81: {  	_ =	shalt  }
0x82: {  	_ =	shalt  }
0x83: {  	_ =	shalt  }
0x84: {  	_ =	shalt  }
0x85: {  	_ =	shalt  }
0x86: {  	_ =	shalt  }
0x87: {  	_ =	shalt  }
.Lfunc_end0:
.L_simem_size_0:
called_computation_lowered:
.L_overlay_start_0:
0x88: {  	s2 =	sld [smem:$0x3FD9]  }
0x89: {  	s3 =	sld [smem:$0x3FFE];
	_ =	sdelay $0x1  }
0x8a: {  	s1 =	srdreg.scid  }
0x8b: {  	s0 =	sand.u32 $0x1, s1  }
0x8c: {  	s14 =	sshll.u32 s0, $0xA;
	s2 =	sadd.s32 s3, s2  }
0x8d: {  	s2 =	sadd.s32 s2, s14  }
0x8e: {  	[smem:$0x3FC2] =	sst s2  }
0x8f: {  	_ = 	snop  }
0x90: {  	s2 =	sld [smem:$0x3FD0];
	_ =	sdelay $0x2  }
0x91: {  	s15 =	simm.s32 $0xA;
	s4 =	simm.s32 $0x10  }
0x92: {  	[smem:s4], [sflag:s15] =	dma.local [hbm:s2], $0x1  }
0x93: {  	_ =	swait.eq [sflag:s15], $0x1  }
0x94: {  	[sflag:s15] =	ssyncset.done $0x0  }
0x95: {  	[sflag:s15] =	ssyncadd.s32 $0xFFFFFFFF  }
0x96: {  	s16 =	sld [smem:$0x10];
	(tm) =	ssettm $0x1  }
0x97: {  	s17 =	sld [smem:$0x3FFB];
	_ =	sdelay $0x3  }
0x98: {  	_ =	strace s17  }
0x99: {  	s3 =	sld [smem:$0x3FFC];
	_ =	sdelay $0x3  }
0x9a: {  	_ =	strace s3  }
0x9b: {  	s3 =	sld [smem:$0x3FFD];
	_ =	sdelay $0x3  }
0x9c: {  	_ =	strace s3  }
0x9d: {  	_ =	strace $0x8FFFFFFF  }
0x9e: {  	s18 =	sld [smem:$0x3FDB];
	_ =	sdelay $0x1  }
0x9f: {  	s19 =	simm.s32 $_scs_section_size  }
0xa0: {  	s5 =	simm.s32 $_size__tile_overlayer_lowered;
	s6 =	simm.s32 $_tile_overlayer_lowered  }
0xa1: {  	s22 =	simm.s32 $0x1BFF;
	s21 =	sshll.u32 s6, $0x1;
	s3 =	sadd.s32 s19, s18  }
0xa2: {  	s7 =	simm.s32 $0x0;
	s20 =	sshll.u32 s5, $0x1;
	s5 =	sadd.s32 s21, s3  }
0xa3: {  	[timem:s7], [sflag:s22] =	dma.local [hbm:s5], s20  }
0xa4: {  	_ =	swait.ge [sflag:s22], s20  }
0xa5: {  	s4 =	ssub.s32 $0x0, s20;
	[sflag:s22] =	ssyncset.done $0x0  }
0xa6: {  	[sflag:s22] =	ssyncadd.s32 s4;
	_ =	sdelay $0x1  }
0xa7: {  	s23 =	simm.s32 $0x1B8B  }
0xa8: {  	_ =	swait.ge [sflag:s23], $0x1  }
0xa9: {  	[sflag:s23] =	ssyncset.done $0x0  }
0xaa: {  	s25 =	simm.s32 $0x1B8E;
	s24 =	sld [smem:$0x3FFE];
	[sflag:s23] =	ssyncadd.s32 $0xFFFFFFFF  }
0xab: {  	s26 =	simm.s32 $execute0_lowered;
	[smem:$0x3FD2] =	sst s25  }
0xac: {  	s5 =	sshll.u32 s26, $0x1;
	_ =	strace $0x80000046;
	[dreg:$0x1] =	wrdreg $0xFFFFFFFF  }
0xad: {  	s28 =	simm.s32 $_size_execute0_lowered;
	s3 =	sadd.s32 s3, s5;
	[dreg:$0x0] =	wrdreg $0x0  }
0xae: {  	s5 =	sshll.u32 s28, $0x1;
	[dreg:$0x2] =	wrdreg s3  }
0xaf: {  	[dreg:$0x3] =	wrdreg s5  }
0xb0: {  	[dreg:$0x4] =	wrdreg $0xC0  }
0xb1: {  	_ =	task [dreg:s7], $0x5FFFF  }
0xb2: {  	[dreg:$0x1] =	wrdreg $0xFFFFFFFF  }
0xb3: {  	[dreg:$0x0] =	wrdreg $0x60  }
0xb4: {  	[dreg:$0x2] =	wrdreg s16  }
0xb5: {  	[dreg:$0x3] =	wrdreg s24  }
0xb6: {  	[dreg:$0x4] =	wrdreg $0x3E800  }
0xb7: {  	[dreg:$0x5] =	wrdreg $0x0  }
0xb8: {  	[dreg:$0x6] =	wrdreg $0x9  }
0xb9: {  	_ =	task.clear_ibuf [dreg:s7], $0x7FFFF;
	_ =	strace $0x90000046  }
0xba: {  	s29 =	simm.s32 $0x9;
	_ =	strace $0x80000048  }
0xbb: {  	_ =	swait.ge [sflag:s29], $0x1  }
0xbc: {  	[sflag:s29] =	ssyncadd.s32 $0xFFFFFFFF  }
0xbd: {  	_ =	strace $0x90000048  }
0xbe: {  	_ =	sfence  }
0xbf: {  	s30 =	sld [smem:$0x0];
	_ =	sdelay $0x2  }
0xc0: {  	s31 =	sshll.u32 s1, $0xD;
	s1 =	sshrl.u32 s1, $0x2  }
0xc1: {  	s3 =	sand.u32 $0x4000, s31;
	s1 =	sadd.s32 s1, s30  }
0xc2: {  	s0 =	sor.u32 s3, s0;
	s1 =	sshll.u32 s1, $0x11  }
0xc3: {  	s0 =	sor.u32 s1, s0  }
0xc4: {  	s0 =	sadd.s32 $0x8F2B, s0  }
0xc5: {  	[sflag:s0] =	ssyncadd.remote.s32 $0x1  }
0xc6: {  	_ =	sfence.sel $0xFFFF  }
0xc7: {  	[dreg:$0x0] =	wrdreg $0xFFFFFFFF;
	(pc) =	sbr.abs _section_cstart, $3  }
0xc8: {  	[dreg:$0x1] =	wrdreg $0xFFFFFFFF  }
0xc9: {  	_ =	task.clear_ibuf [dreg:s7], $0x2FFFF;
	_ =	strace $0x9FFFFFFF  }
0xca: {  	(tm) =	ssettm $0x7FFFFFFF  }
0xcb: {  	_ =	shalt  }
tec
execute0_lowered:
.L_overlay_start_1:
0x0: {  	(tag) =	ssettag $0x1  }
0x1: {  	s0 =	rddreg [dreg:$0x0]  }
0x2: {  	s1 =	rddreg [dreg:$0x1];
	s13 =	stileid.u32  }
0x3: {  	s3 =	rddreg [dreg:$0x2];
	s8 =	smul.u32 $0x280, s13  }
0x4: {  	s2 =	srdreg.scid;
	s10 =	smul.u32 $0xFA00, s13  }
0x5: {  	s4 =	rddreg [dreg:$0x3];
	s5 =	simm.s32 $0x0;
	s12 =	smul.u32 $0x50000, s13  }
0x6: {  	s2 =	sand.u32 $0x1, s2;
	[smem:$0x7FF] =	sst s5;
	s23 =	smul.u32 $0xA00, s13  }
0x7: {  	s6 =	sadd.s32 $0x7A1C00, s1;
	s7 =	smul.u32 $0x2800, s2;
	s26 =	ssub.s32 $0x2, s2  }
0x8: {  	_ =	strace $0x80000047;
	s2 =	sshll.u32 s2, $0x4;
	s11 =	sshrl.u32 s26, $0x1  }
0x9: {  	s10 =	sshrl.u32 s10, $0x2;
	s2 =	sor.u32 s13, s2;
	s14 =	sshrl.u32 s12, $0x2  }
0xa: {  	s9 =	sadd.s32 s8, s7;
	s7 =	sadd.s32 $0x7ABC00, s1;
	s15 =	sadd.s32 s10, s4  }
0xb: {  	s8 =	sadd.s32 $0x3D1200, s1;
	s16 =	sadd.s32 $0x7D0, s15;
	[dreg:$0x5] =	wrdreg s15  }
0xc: {  	s9 =	sshll.u32 s9, $0x4;
	s12 =	sadd.s32 $0x1F40, s15;
	[dreg:$0x6] =	wrdreg s16  }
0xd: {  	s13 =	sadd.s32 $0x2710, s15;
	s1 =	sadd.s32 s9, s1;
	[dreg:$0x14] =	wrdreg s12  }
0xe: {  	s9 =	ssub.s32 s26, s11;
	s11 =	sadd.s32 $0x1770, s15;
	[dreg:$0x15] =	wrdreg s13  }
0xf: {  	s16 =	sadd.s32 $0x2EE0, s15;
	[dreg:$0x13] =	wrdreg s11  }
0x10: {  	s17 =	sadd.s32 $0x7B5C00, s1;
	[dreg:$0x16] =	wrdreg s16  }
0x11: {  	s18 =	sadd.s32 $0x7B6000, s1;
	[dreg:$0x7] =	wrdreg s17  }
0x12: {  	s19 =	sadd.s32 $0x7B6400, s1;
	[dreg:$0x8] =	wrdreg s18  }
0x13: {  	s20 =	sadd.s32 $0x7B6800, s1;
	[dreg:$0x9] =	wrdreg s19  }
0x14: {  	s21 =	sadd.s32 $0x7B6C00, s1;
	[dreg:$0xa] =	wrdreg s20  }
0x15: {  	s22 =	sadd.s32 $0x7B7000, s1;
	[dreg:$0xb] =	wrdreg s21  }
0x16: {  	s9 =	smax.u32 s9, $0x1;
	[dreg:$0xc] =	wrdreg s22  }
0x17: {  	s24 =	sadd.s32 $0x7B7400, s1;
	[dreg:$0xd] =	wrdreg s9  }
0x18: {  	s28 =	simm.s32 $0x80;
	s25 =	sadd.s32 $0x7B7800, s1;
	[dreg:$0xe] =	wrdreg s24  }
0x19: {  	s29 =	simm.s32 $0x1A800;
	s26 =	sadd.s32 $0x7B7C00, s1;
	[dreg:$0xf] =	wrdreg s25  }
0x1a: {  	s30 =	simm.s32 $0x1A980;
	s1 =	sadd.s32 $0x7B8000, s1;
	[dreg:$0x10] =	wrdreg s26  }
0x1b: {  	s31 =	simm.s32 $0x1A700;
	[dreg:$0x11] =	wrdreg s1;
	s9 =	sadd.s32 $0xFA0, s15  }
0x1c: {  	s14 =	sadd.s32 s14, s3;
	s17 =	sadd.s32 $0x36B0, s15;
	[dreg:$0x12] =	wrdreg s9  }
0x1d: {  	s10 =	smul.u32 $0x50, s2;
	s18 =	sadd.s32 $0x6000, s14;
	[dreg:$0x17] =	wrdreg s17  }
0x1e: {  	s2 =	simm.s32 $0x1AA00;
	s19 =	sadd.s32 $0x8000, s14;
	[dreg:$0x18] =	wrdreg s18  }
0x1f: {  	s12 =	simm.s32 $0x0;
	s20 =	sadd.s32 $0xA000, s14;
	[dreg:$0x19] =	wrdreg s19  }
0x20: {  	s16 =	sadd.s32 $0x2000, s14;
	s21 =	sadd.s32 $0xC000, s14;
	[dreg:$0x1a] =	wrdreg s20  }
0x21: {  	s24 =	sadd.s32 s23, s7;
	s22 =	sadd.s32 $0xE000, s14;
	[dreg:$0x1b] =	wrdreg s21  }
0x22: {  	s25 =	sadd.s32 s23, s0;
	s23 =	sadd.s32 $0x10000, s14;
	[dreg:$0x1c] =	wrdreg s22  }
0x23: {  	s11 =	simm.s32 $0x1;
	s26 =	sadd.s32 $0x12000, s14;
	[dreg:$0x1d] =	wrdreg s23  }
0x24: {  	s1 =	simm.s32 $0x1A900;
	s17 =	sadd.s32 $0x4000, s14;
	[dreg:$0x1e] =	wrdreg s26  }
0x25: {  	s20 =	simm.s32 $0x17E80;
	s21 =	simm.s32 $0x2;
	s22 =	simm.s32 $0x18680  }
0x26: {  	v0 =	vimm.f32 $0.0e+00;
	v1 =	vimm.f32 $1.000000000e+00;
	s23 =	simm.s32 $0x1A680;
	s26 =	simm.s32 $0x1A780;
	s9 =	simm.s32 $0x1A880  }
.LBB2_1:
0x27: {  	s13 =	simm.s32 $0x0  }
.LBB2_2:
0x28: {  	p0 =	sne.s32 s13, $0x1F00  }
.Ltmp0:
0x29: {  	_ = 	snop;
	(pc) =	sbr.rel @p0 .LBB2_2-.Ltmp0, $3  }
0x2a: {  	_ =	sdelay $0x1  }
0x2b: {  	s15 =	sshra.s32 s13, $0x2  }
0x2c: {  	s13 =	sadd.s32 $0x40, s13;
	[tilespmem:s15+$0x17E80] =	vst v0  }
0x2d: {  	s13 =	simm.s32 $0x0;
	s15 =	simm.s32 $0x200  }
.LBB2_4:
0x2e: {  	p0 =	sne.s32 s15, $0x7E00;
	[tilespmem:s13+$0x186F0] =	vst v0  }
0x2f: {  	[tilespmem:s13+$0x18680] =	vst v0  }
0x30: {  	[tilespmem:s13+$0x18690] =	vst v0  }
.Ltmp1:
0x31: {  	[tilespmem:s13+$0x186A0] =	vst v0;
	(pc) =	sbr.rel @p0 .LBB2_4-.Ltmp1, $4  }
0x32: {  	[tilespmem:s13+$0x186B0] =	vst v0  }
0x33: {  	[tilespmem:s13+$0x186C0] =	vst v0  }
0x34: {  	[tilespmem:s13+$0x186D0] =	vst v0  }
0x35: {  	[tilespmem:s13+$0x186E0] =	vst v0;
	s13 =	sshra.s32 s15, $0x2;
	s15 =	sadd.s32 $0x200, s15  }
0x36: {  	[tilespmem:s13+$0x186F0] =	vst v0  }
0x37: {  	[tilespmem:s13+$0x18680] =	vst v0  }
0x38: {  	[tilespmem:s13+$0x18690] =	vst v0  }
0x39: {  	[tilespmem:s13+$0x186A0] =	vst v0  }
0x3a: {  	[tilespmem:s13+$0x186B0] =	vst v0  }
0x3b: {  	[tilespmem:s13+$0x186C0] =	vst v0  }
0x3c: {  	[tilespmem:s13+$0x186D0] =	vst v0  }
0x3d: {  	[tilespmem:s13+$0x186E0] =	vst v0  }
0x3e: {  	[tilespmem:$0x1A980] =	vst v1  }
0x3f: {  	[tilespmem:$0x1A990] =	vst v1  }
0x40: {  	[tilespmem:$0x1A9A0] =	vst v1  }
0x41: {  	[tilespmem:$0x1A9B0] =	vst v1  }
0x42: {  	[tilespmem:$0x1A9C0] =	vst v1  }
0x43: {  	[tilespmem:$0x1A9D0] =	vst v1  }
0x44: {  	[tilespmem:$0x1A9E0] =	vst v1  }
0x45: {  	s18 =	rddreg [dreg:$0x5];
	[tilespmem:$0x1A9F0] =	vst v1  }
0x46: {  	[spmem:s18] =	stream.linear.scatter [tilespmem:s20], [sflag:$0x2], $0x7D0, $0x38;
	[tilespmem:$0x1EA00] =	vst v63  }
0x47: {  	_ =	swait.ge [sflag:s21], $0x7D0  }
0x48: {  	[sflag:s21] =	ssyncset.done $0x0  }
0x49: {  	s19 =	rddreg [dreg:$0x6];
	[sflag:s21] =	ssyncadd.s32 $0xFFFFF830  }
0x4a: {  	[spmem:s19] =	stream.linear.scatter [tilespmem:s20], [sflag:$0x2], $0x7D0, $0x38;
	[tilespmem:$0x1EA00] =	vst v63  }
0x4b: {  	_ =	swait.ge [sflag:s21], $0x7D0  }
0x4c: {  	[sflag:s21] =	ssyncset.done $0x0  }
0x4d: {  	s15 =	rddreg [dreg:$0x12];
	[sflag:s21] =	ssyncadd.s32 $0xFFFFF830  }
0x4e: {  	[spmem:s15] =	stream.linear.scatter [tilespmem:s20], [sflag:$0x2], $0x7D0, $0x38;
	[tilespmem:$0x1EA00] =	vst v63  }
0x4f: {  	_ =	swait.ge [sflag:s21], $0x7D0  }
0x50: {  	[sflag:s21] =	ssyncset.done $0x0  }
0x51: {  	s18 =	rddreg [dreg:$0x13];
	[sflag:s21] =	ssyncadd.s32 $0xFFFFF830  }
0x52: {  	[spmem:s18] =	stream.linear.scatter [tilespmem:s20], [sflag:$0x2], $0x7D0, $0x38;
	[tilespmem:$0x1EA00] =	vst v63  }
0x53: {  	_ =	swait.ge [sflag:s21], $0x7D0  }
0x54: {  	[sflag:s21] =	ssyncset.done $0x0  }
0x55: {  	s19 =	rddreg [dreg:$0x14];
	[sflag:s21] =	ssyncadd.s32 $0xFFFFF830  }
0x56: {  	[spmem:s19] =	stream.linear.scatter [tilespmem:s20], [sflag:$0x2], $0x7D0, $0x38;
	[tilespmem:$0x1EA00] =	vst v63  }
0x57: {  	_ =	swait.ge [sflag:s21], $0x7D0  }
0x58: {  	[sflag:s21] =	ssyncset.done $0x0  }
0x59: {  	s15 =	rddreg [dreg:$0x15];
	[sflag:s21] =	ssyncadd.s32 $0xFFFFF830  }
0x5a: {  	[spmem:s15] =	stream.linear.scatter [tilespmem:s20], [sflag:$0x2], $0x7D0, $0x38;
	[tilespmem:$0x1EA00] =	vst v63  }
0x5b: {  	_ =	swait.ge [sflag:s21], $0x7D0  }
0x5c: {  	[sflag:s21] =	ssyncset.done $0x0  }
0x5d: {  	s18 =	rddreg [dreg:$0x16];
	[sflag:s21] =	ssyncadd.s32 $0xFFFFF830  }
0x5e: {  	[spmem:s18] =	stream.linear.scatter [tilespmem:s20], [sflag:$0x2], $0x7D0, $0x38;
	[tilespmem:$0x1EA00] =	vst v63  }
0x5f: {  	_ =	swait.ge [sflag:s21], $0x7D0  }
0x60: {  	[sflag:s21] =	ssyncset.done $0x0  }
0x61: {  	s19 =	rddreg [dreg:$0x17];
	[sflag:s21] =	ssyncadd.s32 $0xFFFFF830  }
0x62: {  	[spmem:s19] =	stream.linear.scatter [tilespmem:s20], [sflag:$0x2], $0x7D0, $0x38;
	[tilespmem:$0x1EA00] =	vst v63  }
0x63: {  	_ =	swait.ge [sflag:s21], $0x7D0  }
0x64: {  	[sflag:s21] =	ssyncset.done $0x0  }
0x65: {  	[sflag:s21] =	ssyncadd.s32 $0xFFFFF830  }
0x66: {  	[spmem:s14] =	stream.linear.scatter [tilespmem:s22], [sflag:$0x2], $0x2000, $0x38;
	[tilespmem:$0x1EA00] =	vst v63  }
0x67: {  	_ =	swait.ge [sflag:s21], $0x2000  }
0x68: {  	[sflag:s21] =	ssyncset.done $0x0  }
0x69: {  	[sflag:s21] =	ssyncadd.s32 $0xFFFFE000  }
0x6a: {  	[spmem:s16] =	stream.linear.scatter [tilespmem:s22], [sflag:$0x2], $0x2000, $0x38;
	[tilespmem:$0x1EA00] =	vst v63  }
0x6b: {  	_ =	swait.ge [sflag:s21], $0x2000  }
0x6c: {  	[sflag:s21] =	ssyncset.done $0x0  }
0x6d: {  	[sflag:s21] =	ssyncadd.s32 $0xFFFFE000  }
0x6e: {  	[spmem:s17] =	stream.linear.scatter [tilespmem:s22], [sflag:$0x2], $0x2000, $0x38;
	[tilespmem:$0x1EA00] =	vst v63  }
0x6f: {  	_ =	swait.ge [sflag:s21], $0x2000  }
0x70: {  	[sflag:s21] =	ssyncset.done $0x0  }
0x71: {  	s15 =	rddreg [dreg:$0x18];
	[sflag:s21] =	ssyncadd.s32 $0xFFFFE000  }
0x72: {  	[spmem:s15] =	stream.linear.scatter [tilespmem:s22], [sflag:$0x2], $0x2000, $0x38;
	[tilespmem:$0x1EA00] =	vst v63  }
0x73: {  	_ =	swait.ge [sflag:s21], $0x2000  }
0x74: {  	[sflag:s21] =	ssyncset.done $0x0  }
0x75: {  	s18 =	smov.u32 s16;
	s16 =	rddreg [dreg:$0x19];
	[sflag:s21] =	ssyncadd.s32 $0xFFFFE000  }
0x76: {  	[spmem:s16] =	stream.linear.scatter [tilespmem:s22], [sflag:$0x2], $0x2000, $0x38;
	[tilespmem:$0x1EA00] =	vst v63  }
0x77: {  	_ =	swait.ge [sflag:s21], $0x2000  }
0x78: {  	[sflag:s21] =	ssyncset.done $0x0  }
0x79: {  	s19 =	smov.u32 s17;
	s17 =	rddreg [dreg:$0x1a];
	[sflag:s21] =	ssyncadd.s32 $0xFFFFE000  }
0x7a: {  	[spmem:s17] =	stream.linear.scatter [tilespmem:s22], [sflag:$0x2], $0x2000, $0x38;
	[tilespmem:$0x1EA00] =	vst v63  }
0x7b: {  	_ =	swait.ge [sflag:s21], $0x2000  }
0x7c: {  	[sflag:s21] =	ssyncset.done $0x0  }
0x7d: {  	s15 =	rddreg [dreg:$0x1b];
	[sflag:s21] =	ssyncadd.s32 $0xFFFFE000  }
0x7e: {  	[spmem:s15] =	stream.linear.scatter [tilespmem:s22], [sflag:$0x2], $0x2000, $0x38;
	[tilespmem:$0x1EA00] =	vst v63  }
0x7f: {  	_ =	swait.ge [sflag:s21], $0x2000  }
0x80: {  	[sflag:s21] =	ssyncset.done $0x0  }
0x81: {  	s16 =	rddreg [dreg:$0x1c];
	[sflag:s21] =	ssyncadd.s32 $0xFFFFE000  }
0x82: {  	[spmem:s16] =	stream.linear.scatter [tilespmem:s22], [sflag:$0x2], $0x2000, $0x38;
	[tilespmem:$0x1EA00] =	vst v63  }
0x83: {  	_ =	swait.ge [sflag:s21], $0x2000  }
0x84: {  	[sflag:s21] =	ssyncset.done $0x0  }
0x85: {  	s17 =	rddreg [dreg:$0x1d];
	[sflag:s21] =	ssyncadd.s32 $0xFFFFE000  }
0x86: {  	[spmem:s17] =	stream.linear.scatter [tilespmem:s22], [sflag:$0x2], $0x2000, $0x38;
	[tilespmem:$0x1EA00] =	vst v63  }
0x87: {  	_ =	swait.ge [sflag:s21], $0x2000  }
0x88: {  	[sflag:s21] =	ssyncset.done $0x0  }
0x89: {  	s15 =	rddreg [dreg:$0x1e];
	[sflag:s21] =	ssyncadd.s32 $0xFFFFE000  }
0x8a: {  	[spmem:s15] =	stream.linear.scatter [tilespmem:s22], [sflag:$0x2], $0x2000, $0x38;
	[tilespmem:$0x1EA00] =	vst v63  }
0x8b: {  	_ =	swait.ge [sflag:s21], $0x2000  }
0x8c: {  	[sflag:s21] =	ssyncset.done $0x0  }
0x8d: {  	[sflag:s21] =	ssyncadd.s32 $0xFFFFE000  }
0x8e: {  	s16 =	sadd.s32 $0x0, s25;
	[bflag:$0x0] =	sbarrier.arrive $0xFFFF  }
0x8f: {  	[tilespmem:s23], [sflag:$0x2] =	stream.linear.gather [hbm4b:s16+s5], $0x80, $0x38;
	[tilespmem:$0x1EA00] =	vst v63  }
0x90: {  	_ =	swait.ge [sflag:s21], $0x80  }
0x91: {  	[sflag:s21] =	ssyncset.done $0x0  }
0x92: {  	s17 =	sadd.s32 $0x0, s24;
	[sflag:s21] =	ssyncadd.s32 $0xFFFFFF80  }
0x93: {  	[tilespmem:s26], [sflag:$0x2] =	stream.linear.gather [hbm4b:s17+s5], $0x80, $0x38;
	[tilespmem:$0x1EA00] =	vst v63  }
0x94: {  	_ =	swait.ge [sflag:s21], $0x80  }
0x95: {  	[sflag:s21] =	ssyncset.done $0x0  }
0x96: {  	[sflag:s21] =	ssyncadd.s32 $0xFFFFFF80  }
0x97: {  	v2 =	vld [tilespmem:$0x1A7D0]  }
0x98: {  	v3 =	vld [tilespmem:$0x1A6D0]  }
0x99: {  	v4 =	vld [tilespmem:$0x1A7E0]  }
0x9a: {  	v5 =	vld [tilespmem:$0x1A790]  }
0x9b: {  	v6 =	vld [tilespmem:$0x1A7F0]  }
0x9c: {  	v7 =	vld [tilespmem:$0x1A7B0]  }
0x9d: {  	v8 =	vld [tilespmem:$0x1A6B0]  }
0x9e: {  	v9 =	vld [tilespmem:$0x1A7A0]  }
0x9f: {  	v10 =	vld [tilespmem:$0x1A6A0]  }
0xa0: {  	v11 =	vld [tilespmem:$0x1A6F0]  }
0xa1: {  	v12 =	vld [tilespmem:$0x1A690]  }
0xa2: {  	v13 =	vld [tilespmem:$0x1A6E0];
	v3 =	vmul.u32 $0x19, v3  }
0xa3: {  	v14 =	vld [tilespmem:$0x1A6C0];
	v8 =	vmul.u32 $0x19, v8  }
0xa4: {  	v10 =	vmul.u32 $0x19, v10;
	v2 =	vadd.s32 v2, v3;
	v3 =	vld [tilespmem:$0x1A680]  }
0xa5: {  	v58 =	vld [tilespmem:$0x1A7C0];
	v59 =	vmul.u32 $0x19, v11;
	[tilespmem:$0x1A850] =	vst v2;
	v2 =	vadd.s32 v7, v8  }
0xa6: {  	v60 =	vmul.u32 $0x19, v12;
	v9 =	vadd.s32 v9, v10;
	[tilespmem:$0x1A830] =	vst v2;
	v2 =	vld [tilespmem:$0x1A780]  }
0xa7: {  	v61 =	vmul.u32 $0x19, v13;
	v6 =	vadd.s32 v6, v59;
	[tilespmem:$0x1A820] =	vst v9  }
0xa8: {  	v62 =	vmul.u32 $0x19, v14;
	v5 =	vadd.s32 v5, v60;
	[tilespmem:$0x1A870] =	vst v6  }
0xa9: {  	v4 =	vadd.s32 v4, v61;
	[tilespmem:$0x1A810] =	vst v5;
	v3 =	vmul.u32 $0x19, v3  }
0xaa: {  	v63 =	vadd.s32 v58, v62;
	[tilespmem:$0x1A860] =	vst v4  }
0xab: {  	s13 =	simm.s32 $0x10;
	s15 =	simm.s32 $0x20;
	[tilespmem:$0x1A840] =	vst v63;
	v2 =	vadd.s32 v2, v3  }
.LBB2_6:
0xac: {  	p0 =	sne.s32 s15, $0x9F0;
	[tilespmem:$0x1A800] =	vst v2;
	s16 =	smov.u32 s15;
	s15 =	sadd.s32 $0x10, s15  }
0xad: {  	[spmem:s4] =	stream.indirect.scatter.add.f32 [tilespmem:s30], [sflag:$0x2], $0x1, s29, s28, $0xb8;
	[tilespmem:$0x1EA00] =	vst v63  }
0xae: {  	_ =	swait.ge [sflag:s21], $0x80  }
0xaf: {  	[sflag:s21] =	ssyncset.done $0x0  }
0xb0: {  	s17 =	sadd.s32 s13, s25;
	[sflag:s21] =	ssyncadd.s32 $0xFFFFFF80  }
0xb1: {  	[tilespmem:s23], [sflag:$0x2] =	stream.linear.gather [hbm4b:s17+s5], $0x80, $0x38;
	[tilespmem:$0x1EA00] =	vst v63  }
0xb2: {  	_ =	swait.ge [sflag:s21], $0x80  }
0xb3: {  	[sflag:s21] =	ssyncset.done $0x0  }
0xb4: {  	s17 =	sadd.s32 s13, s24;
	s13 =	smov.u32 s16;
	[sflag:s21] =	ssyncadd.s32 $0xFFFFFF80  }
0xb5: {  	[tilespmem:s26], [sflag:$0x2] =	stream.linear.gather [hbm4b:s17+s5], $0x80, $0x38;
	[tilespmem:$0x1EA00] =	vst v63  }
0xb6: {  	_ =	swait.ge [sflag:s21], $0x80  }
0xb7: {  	[sflag:s21] =	ssyncset.done $0x0  }
0xb8: {  	[sflag:s21] =	ssyncadd.s32 $0xFFFFFF80  }
0xb9: {  	v2 =	vld [tilespmem:$0x1A7D0]  }
0xba: {  	v3 =	vld [tilespmem:$0x1A6D0]  }
0xbb: {  	v4 =	vld [tilespmem:$0x1A7E0]  }
0xbc: {  	v5 =	vld [tilespmem:$0x1A790]  }
0xbd: {  	v6 =	vld [tilespmem:$0x1A7F0]  }
0xbe: {  	v7 =	vld [tilespmem:$0x1A7B0]  }
0xbf: {  	v8 =	vld [tilespmem:$0x1A6B0];
	v3 =	vmul.u32 $0x19, v3  }
0xc0: {  	v9 =	vld [tilespmem:$0x1A7A0]  }
0xc1: {  	v10 =	vld [tilespmem:$0x1A6A0];
	v2 =	vadd.s32 v2, v3  }
0xc2: {  	[tilespmem:$0x1A850] =	vst v2;
	v2 =	vld [tilespmem:$0x1A6F0]  }
0xc3: {  	v3 =	vld [tilespmem:$0x1A690]  }
0xc4: {  	v8 =	vmul.u32 $0x19, v8;
	v11 =	vld [tilespmem:$0x1A6E0]  }
0xc5: {  	v12 =	vld [tilespmem:$0x1A6C0]  }
0xc6: {  	v13 =	vld [tilespmem:$0x1A680];
	v10 =	vmul.u32 $0x19, v10;
	v7 =	vadd.s32 v7, v8  }
0xc7: {  	[tilespmem:$0x1A830] =	vst v7;
	v7 =	vld [tilespmem:$0x1A7C0];
	v2 =	vmul.u32 $0x19, v2  }
0xc8: {  	v8 =	vld [tilespmem:$0x1A780];
	v3 =	vmul.u32 $0x19, v3;
	v9 =	vadd.s32 v9, v10  }
.Ltmp2:
0xc9: {  	[tilespmem:$0x1A820] =	vst v9;
	v9 =	vmul.u32 $0x19, v11;
	v2 =	vadd.s32 v6, v2;
	(pc) =	sbr.rel @p0 .LBB2_6-.Ltmp2, $4  }
0xca: {  	v3 =	vadd.s32 v5, v3;
	v5 =	vmul.u32 $0x19, v12;
	[tilespmem:$0x1A870] =	vst v2  }
0xcb: {  	v2 =	vmul.u32 $0x19, v13;
	[tilespmem:$0x1A810] =	vst v3;
	v3 =	vadd.s32 v4, v9  }
0xcc: {  	v4 =	vadd.s32 v7, v5;
	[tilespmem:$0x1A860] =	vst v3  }
0xcd: {  	v2 =	vadd.s32 v8, v2;
	[tilespmem:$0x1A840] =	vst v4  }
0xce: {  	[tilespmem:$0x1A800] =	vst v2  }
0xcf: {  	[spmem:s4] =	stream.indirect.scatter.add.f32 [tilespmem:s30], [sflag:$0x2], $0x1, s29, s28, $0xb8;
	[tilespmem:$0x1EA00] =	vst v63  }
0xd0: {  	_ =	swait.ge [sflag:s21], $0x80  }
0xd1: {  	[sflag:s21] =	ssyncset.done $0x0  }
0xd2: {  	s15 =	sadd.s32 s13, s25;
	[sflag:s21] =	ssyncadd.s32 $0xFFFFFF80  }
0xd3: {  	[tilespmem:s23], [sflag:$0x2] =	stream.linear.gather [hbm4b:s15+s5], $0x80, $0x38;
	[tilespmem:$0x1EA00] =	vst v63  }
0xd4: {  	_ =	swait.ge [sflag:s21], $0x80  }
0xd5: {  	[sflag:s21] =	ssyncset.done $0x0  }
0xd6: {  	s17 =	sadd.s32 s13, s24;
	[sflag:s21] =	ssyncadd.s32 $0xFFFFFF80  }
0xd7: {  	[tilespmem:s26], [sflag:$0x2] =	stream.linear.gather [hbm4b:s17+s5], $0x80, $0x38;
	[tilespmem:$0x1EA00] =	vst v63  }
0xd8: {  	_ =	swait.ge [sflag:s21], $0x80  }
0xd9: {  	[sflag:s21] =	ssyncset.done $0x0  }
0xda: {  	[sflag:s21] =	ssyncadd.s32 $0xFFFFFF80  }
0xdb: {  	v2 =	vld [tilespmem:$0x1A7D0]  }
0xdc: {  	v3 =	vld [tilespmem:$0x1A6D0]  }
0xdd: {  	v4 =	vld [tilespmem:$0x1A7E0]  }
0xde: {  	v5 =	vld [tilespmem:$0x1A790]  }
0xdf: {  	v6 =	vld [tilespmem:$0x1A7F0]  }
0xe0: {  	v7 =	vld [tilespmem:$0x1A7B0]  }
0xe1: {  	v8 =	vld [tilespmem:$0x1A6B0]  }
0xe2: {  	v9 =	vld [tilespmem:$0x1A7A0]  }
0xe3: {  	v10 =	vld [tilespmem:$0x1A6A0]  }
0xe4: {  	v11 =	vld [tilespmem:$0x1A6F0]  }
0xe5: {  	v12 =	vld [tilespmem:$0x1A690]  }
0xe6: {  	v13 =	vld [tilespmem:$0x1A6E0];
	v3 =	vmul.u32 $0x19, v3  }
0xe7: {  	v14 =	vld [tilespmem:$0x1A6C0];
	v8 =	vmul.u32 $0x19, v8  }
0xe8: {  	v10 =	vmul.u32 $0x19, v10;
	v2 =	vadd.s32 v2, v3;
	v3 =	vld [tilespmem:$0x1A680]  }
0xe9: {  	v58 =	vld [tilespmem:$0x1A7C0];
	v59 =	vmul.u32 $0x19, v11;
	[tilespmem:$0x1A850] =	vst v2;
	v2 =	vadd.s32 v7, v8  }
0xea: {  	v60 =	vmul.u32 $0x19, v12;
	v9 =	vadd.s32 v9, v10;
	[tilespmem:$0x1A830] =	vst v2;
	v2 =	vld [tilespmem:$0x1A780]  }
0xeb: {  	v61 =	vmul.u32 $0x19, v13;
	v6 =	vadd.s32 v6, v59;
	[tilespmem:$0x1A820] =	vst v9  }
0xec: {  	v62 =	vmul.u32 $0x19, v14;
	v5 =	vadd.s32 v5, v60;
	[tilespmem:$0x1A870] =	vst v6  }
0xed: {  	v4 =	vadd.s32 v4, v61;
	[tilespmem:$0x1A810] =	vst v5;
	v3 =	vmul.u32 $0x19, v3  }
0xee: {  	v63 =	vadd.s32 v58, v62;
	[tilespmem:$0x1A860] =	vst v4  }
0xef: {  	[tilespmem:$0x1A840] =	vst v63;
	v2 =	vadd.s32 v2, v3  }
0xf0: {  	[tilespmem:$0x1A800] =	vst v2  }
0xf1: {  	[spmem:s4] =	stream.indirect.scatter.add.f32 [tilespmem:s30], [sflag:$0x2], $0x1, s29, s28, $0xb8;
	[tilespmem:$0x1EA00] =	vst v63  }
0xf2: {  	_ =	swait.ge [sflag:s21], $0x80  }
0xf3: {  	[sflag:s21] =	ssyncset.done $0x0  }
0xf4: {  	[sflag:s21] =	ssyncadd.s32 $0xFFFFFF80  }
0xf5: {  	s13 =	simm.s32 $0x0;
	s15 =	simm.s32 $0x0;
	[bflag:$0x0] =	sbarrier.arrive $0xFFFF  }
.LBB2_8:
0xf6: {  	s16 =	sadd.s32 s10, s15  }
0xf7: {  	s16 =	sshll.u32 s16, $0x4  }
0xf8: {  	s17 =	sadd.s32 s0, s16  }
0xf9: {  	[tilespmem:s23], [sflag:$0x2] =	stream.linear.gather [hbm4b:s17+s13], $0x80, $0x38;
	[tilespmem:$0x1EA00] =	vst v63  }
0xfa: {  	_ =	swait.ge [sflag:s21], $0x80  }
0xfb: {  	[sflag:s21] =	ssyncset.done $0x0  }
0xfc: {  	s17 =	sadd.s32 s6, s16;
	[sflag:s21] =	ssyncadd.s32 $0xFFFFFF80  }
0xfd: {  	[tilespmem:s31], [sflag:$0x2] =	stream.linear.gather [hbm4b:s17+s13], $0x80, $0x38;
	[tilespmem:$0x1EA00] =	vst v63  }
0xfe: {  	_ =	swait.ge [sflag:s21], $0x80  }
0xff: {  	[sflag:s21] =	ssyncset.done $0x0  }
0x100: {  	s16 =	sadd.s32 s7, s16;
	[sflag:s21] =	ssyncadd.s32 $0xFFFFFF80  }
0x101: {  	[tilespmem:s26], [sflag:$0x2] =	stream.linear.gather [hbm4b:s16+s13], $0x80, $0x38;
	[tilespmem:$0x1EA00] =	vst v63  }
0x102: {  	_ =	swait.ge [sflag:s21], $0x80  }
0x103: {  	[sflag:s21] =	ssyncset.done $0x0  }
0x104: {  	[sflag:s21] =	ssyncadd.s32 $0xFFFFFF80  }
0x105: {  	v2 =	vld [tilespmem:$0x1A680]  }
0x106: {  	v3 =	vld [tilespmem:$0x1A780]  }
0x107: {  	v4 =	vld [tilespmem:$0x1A700]  }
0x108: {  	v5 =	vld [tilespmem:$0x1A780]  }
0x109: {  	v6 =	vld [tilespmem:$0x1A690]  }
0x10a: {  	v7 =	vld [tilespmem:$0x1A790]  }
0x10b: {  	v8 =	vld [tilespmem:$0x1A710]  }
0x10c: {  	v9 =	vld [tilespmem:$0x1A790]  }
0x10d: {  	v10 =	vld [tilespmem:$0x1A6A0]  }
0x10e: {  	v11 =	vld [tilespmem:$0x1A7A0]  }
0x10f: {  	v12 =	vld [tilespmem:$0x1A720]  }
0x110: {  	v13 =	vld [tilespmem:$0x1A7A0]  }
0x111: {  	v14 =	vld [tilespmem:$0x1A6B0]  }
0x112: {  	v15 =	vld [tilespmem:$0x1A7B0]  }
0x113: {  	v16 =	vld [tilespmem:$0x1A730]  }
0x114: {  	v17 =	vld [tilespmem:$0x1A7B0]  }
0x115: {  	v18 =	vld [tilespmem:$0x1A6C0]  }
0x116: {  	v19 =	vld [tilespmem:$0x1A7C0]  }
0x117: {  	v20 =	vld [tilespmem:$0x1A740]  }
0x118: {  	v21 =	vld [tilespmem:$0x1A7C0];
	v2 =	vmul.u32 $0x19, v2  }
0x119: {  	v22 =	vld [tilespmem:$0x1A6D0];
	v4 =	vmul.u32 $0x19, v4  }
0x11a: {  	v42 =	vld [tilespmem:$0x1A7D0];
	v2 =	vadd.s32 v3, v2;
	v3 =	vmul.u32 $0x19, v6  }
0x11b: {  	v44 =	vld [tilespmem:$0x1A750];
	v43 =	vmul.u32 $0x19, v8;
	[tilespmem:$0x1A800] =	vst v2;
	v2 =	vadd.s32 v5, v4  }
0x11c: {  	v45 =	vld [tilespmem:$0x1A7D0];
	[tilespmem:$0x1A880] =	vst v2;
	v2 =	vadd.s32 v7, v3;
	v3 =	vmul.u32 $0x19, v10  }
0x11d: {  	v47 =	vld [tilespmem:$0x1A6E0];
	v46 =	vmul.u32 $0x19, v12;
	[tilespmem:$0x1A810] =	vst v2;
	v2 =	vadd.s32 v9, v43  }
0x11e: {  	v48 =	vld [tilespmem:$0x1A7E0];
	[tilespmem:$0x1A890] =	vst v2;
	v2 =	vadd.s32 v11, v3;
	v3 =	vmul.u32 $0x19, v14  }
0x11f: {  	v50 =	vld [tilespmem:$0x1A760];
	v49 =	vmul.u32 $0x19, v16;
	[tilespmem:$0x1A820] =	vst v2;
	v2 =	vadd.s32 v13, v46  }
0x120: {  	v51 =	vld [tilespmem:$0x1A7E0];
	[tilespmem:$0x1A8A0] =	vst v2;
	v2 =	vadd.s32 v15, v3;
	v3 =	vmul.u32 $0x19, v18  }
0x121: {  	v53 =	vld [tilespmem:$0x1A6F0];
	v52 =	vmul.u32 $0x19, v20;
	[tilespmem:$0x1A830] =	vst v2;
	v2 =	vadd.s32 v17, v49  }
0x122: {  	v54 =	vld [tilespmem:$0x1A770];
	[tilespmem:$0x1A8B0] =	vst v2;
	v2 =	vadd.s32 v19, v3;
	v3 =	vmul.u32 $0x19, v22  }
0x123: {  	v56 =	vld [tilespmem:$0x1A7F0];
	v55 =	vmul.u32 $0x19, v44;
	[tilespmem:$0x1A840] =	vst v2;
	v2 =	vadd.s32 v21, v52  }
0x124: {  	v57 =	vld [tilespmem:$0x1A7F0];
	[tilespmem:$0x1A8C0] =	vst v2;
	v2 =	vadd.s32 v42, v3;
	v3 =	vmul.u32 $0x19, v47  }
0x125: {  	v58 =	vmul.u32 $0x19, v50;
	[tilespmem:$0x1A850] =	vst v2;
	v2 =	vadd.s32 v45, v55  }
0x126: {  	[tilespmem:$0x1A8D0] =	vst v2;
	v2 =	vadd.s32 v48, v3;
	v3 =	vmul.u32 $0x19, v53  }
0x127: {  	v59 =	vmul.u32 $0x19, v54;
	[tilespmem:$0x1A860] =	vst v2;
	v2 =	vadd.s32 v51, v58  }
0x128: {  	[tilespmem:$0x1A8E0] =	vst v2;
	v2 =	vadd.s32 v56, v3  }
0x129: {  	[tilespmem:$0x1A870] =	vst v2;
	v2 =	vadd.s32 v57, v59  }
0x12a: {  	[tilespmem:$0x1A8F0] =	vst v2  }
0x12b: {  	[tilespmem:s1], [sflag:$0x2] =	stream.indirect.gather [spmem:s4], $0x1, s29, s28, $0xb8;
	[tilespmem:$0x1EA00] =	vst v63  }
0x12c: {  	_ =	swait.ge [sflag:s21], $0x80  }
0x12d: {  	[sflag:s21] =	ssyncset.done $0x0  }
0x12e: {  	[sflag:s21] =	ssyncadd.s32 $0xFFFFFF80  }
0x12f: {  	v2 =	vld [tilespmem:$0x1A900]  }
0x130: {  	v3 =	vld [tilespmem:$0x1A910]  }
0x131: {  	v60 =	vld [tilespmem:$0x1A920]  }
0x132: {  	v61 =	vld [tilespmem:$0x1A930]  }
0x133: {  	v62 =	vld [tilespmem:$0x1A940]  }
0x134: {  	(erf) = vrcp.f32 v2;
	v2 =	vld [tilespmem:$0x1A950]  }
0x135: {  	(erf) = vrcp.f32 v3;
	v3 =	vld [tilespmem:$0x1A960]  }
0x136: {  	v63 =	vld [tilespmem:$0x1A970];
	(erf) = vrcp.f32 v60  }
0x137: {  	(erf) = vrcp.f32 v61  }
0x138: {  	(erf) = vrcp.f32 v62  }
0x139: {  	(erf) = vrcp.f32 v2  }
0x13a: {  	(erf) = vrcp.f32 v3  }
0x13b: {  	(erf) = vrcp.f32 v63;
	_ =	sdelay $0x1  }
0x13c: {  	v2 =	vpop (erf)  }
0x13d: {  	v3 =	vpop (erf);
	[tilespmem:$0x1A900] =	vst v2  }
0x13e: {  	v2 =	vpop (erf);
	[tilespmem:$0x1A910] =	vst v3  }
0x13f: {  	v3 =	vpop (erf);
	[tilespmem:$0x1A920] =	vst v2  }
0x140: {  	v2 =	vpop (erf);
	[tilespmem:$0x1A930] =	vst v3  }
0x141: {  	v3 =	vpop (erf);
	[tilespmem:$0x1A940] =	vst v2  }
0x142: {  	v2 =	vpop (erf);
	[tilespmem:$0x1A950] =	vst v3  }
0x143: {  	[tilespmem:$0x1A960] =	vst v2;
	v2 =	vpop (erf)  }
0x144: {  	[tilespmem:$0x1A970] =	vst v2  }
0x145: {  	[tilespmem:s2], [sflag:$0x1] =	stream.indirect.gather [hbm4b:s8+s28], $0x80, s9, s28, $0xb8;
	[tilespmem:$0x1EA00] =	vst v63  }
0x146: {  	_ =	swait.ge [sflag:s11], $0x4000  }
0x147: {  	[sflag:s11] =	ssyncset.done $0x0  }
0x148: {  	s16 =	simm.s32 $0x0;
	[sflag:s11] =	ssyncadd.s32 $0xFFFFC000  }
.LBB2_9:
0x149: {  	s17 =	sshll.u32 s16, $0x4  }
0x14a: {  	s17 =	sand.u32 $0x3FFFFFF0, s17  }
0x14b: {  	v2 =	vld [tilespmem:s17+$0x1A900];
	s17 =	sshll.u32 s16, $0xB  }
0x14c: {  	s17 =	sand.u32 $0x3FFFF800, s17  }
0x14d: {  	v3 =	vld [tilespmem:s17+$0x1AA00]  }
0x14e: {  	v4 =	vld [tilespmem:s17+$0x1AA10]  }
0x14f: {  	v5 =	vld [tilespmem:s17+$0x1AA20]  }
0x150: {  	v7 =	vld [tilespmem:s17+$0x1AA30];
	v6 =	vbroadcast v2, $0x0  }
0x151: {  	v8 =	vld [tilespmem:s17+$0x1AA40]  }
0x152: {  	v9 =	vld [tilespmem:s17+$0x1AA50];
	v3 =	vmul.f32 v6, v3  }
0x153: {  	v10 =	vld [tilespmem:s17+$0x1AA60];
	v4 =	vmul.f32 v4, v6  }
0x154: {  	v24 =	vld [tilespmem:s17+$0x1AA70];
	[tilespmem:s17+$0x1AA00] =	vst v3;
	v3 =	vmul.f32 v5, v6  }
0x155: {  	v26 =	vld [tilespmem:s17+$0x1AA80];
	v25 =	vmul.f32 v7, v6;
	[tilespmem:s17+$0x1AA10] =	vst v4  }
0x156: {  	v27 =	vld [tilespmem:s17+$0x1AA90];
	[tilespmem:s17+$0x1AA20] =	vst v3;
	v3 =	vmul.f32 v8, v6  }
0x157: {  	v29 =	vld [tilespmem:s17+$0x1AAA0];
	v28 =	vmul.f32 v9, v6;
	[tilespmem:s17+$0x1AA30] =	vst v25  }
0x158: {  	v11 =	vld [tilespmem:s17+$0x1AAB0];
	v30 =	vbroadcast v2, $0x1;
	[tilespmem:s17+$0x1AA40] =	vst v3;
	v3 =	vmul.f32 v10, v6  }
0x159: {  	v32 =	vld [tilespmem:s17+$0x1AAC0];
	v31 =	vmul.f32 v24, v6;
	[tilespmem:s17+$0x1AA50] =	vst v28  }
0x15a: {  	v33 =	vld [tilespmem:s17+$0x1AAD0];
	[tilespmem:s17+$0x1AA60] =	vst v3;
	v3 =	vmul.f32 v26, v30  }
0x15b: {  	v35 =	vld [tilespmem:s17+$0x1AAE0];
	v34 =	vmul.f32 v27, v30;
	[tilespmem:s17+$0x1AA70] =	vst v31  }
0x15c: {  	v36 =	vld [tilespmem:s17+$0x1AAF0];
	[tilespmem:s17+$0x1AA80] =	vst v3;
	v3 =	vmul.f32 v29, v30  }
0x15d: {  	v38 =	vld [tilespmem:s17+$0x1AB00];
	v37 =	vmul.f32 v11, v30;
	[tilespmem:s17+$0x1AA90] =	vst v34  }
0x15e: {  	v39 =	vld [tilespmem:s17+$0x1AB10];
	[tilespmem:s17+$0x1AAA0] =	vst v3;
	v3 =	vmul.f32 v32, v30  }
0x15f: {  	v41 =	vld [tilespmem:s17+$0x1AB20];
	v40 =	vmul.f32 v33, v30;
	[tilespmem:s17+$0x1AAB0] =	vst v37  }
0x160: {  	v43 =	vld [tilespmem:s17+$0x1AB30];
	v42 =	vbroadcast v2, $0x2;
	[tilespmem:s17+$0x1AAC0] =	vst v3;
	v3 =	vmul.f32 v35, v30  }
0x161: {  	v45 =	vld [tilespmem:s17+$0x1AB40];
	v44 =	vmul.f32 v36, v30;
	[tilespmem:s17+$0x1AAD0] =	vst v40  }
0x162: {  	v46 =	vld [tilespmem:s17+$0x1AB50];
	[tilespmem:s17+$0x1AAE0] =	vst v3;
	v3 =	vmul.f32 v38, v42  }
0x163: {  	v48 =	vld [tilespmem:s17+$0x1AB60];
	v47 =	vmul.f32 v39, v42;
	[tilespmem:s17+$0x1AAF0] =	vst v44  }
0x164: {  	v49 =	vld [tilespmem:s17+$0x1AB70];
	[tilespmem:s17+$0x1AB00] =	vst v3;
	v3 =	vmul.f32 v41, v42  }
0x165: {  	v51 =	vld [tilespmem:s17+$0x1AB80];
	v50 =	vmul.f32 v43, v42;
	[tilespmem:s17+$0x1AB10] =	vst v47  }
0x166: {  	v52 =	vld [tilespmem:s17+$0x1AB90];
	[tilespmem:s17+$0x1AB20] =	vst v3;
	v3 =	vmul.f32 v45, v42  }
0x167: {  	v54 =	vld [tilespmem:s17+$0x1ABA0];
	v53 =	vmul.f32 v46, v42;
	[tilespmem:s17+$0x1AB30] =	vst v50  }
0x168: {  	v56 =	vld [tilespmem:s17+$0x1ABB0];
	v55 =	vbroadcast v2, $0x3;
	[tilespmem:s17+$0x1AB40] =	vst v3;
	v3 =	vmul.f32 v48, v42  }
0x169: {  	v58 =	vld [tilespmem:s17+$0x1ABC0];
	v57 =	vmul.f32 v49, v42;
	[tilespmem:s17+$0x1AB50] =	vst v53  }
0x16a: {  	v59 =	vld [tilespmem:s17+$0x1ABD0];
	[tilespmem:s17+$0x1AB60] =	vst v3;
	v3 =	vmul.f32 v51, v55  }
0x16b: {  	v61 =	vld [tilespmem:s17+$0x1ABE0];
	v60 =	vmul.f32 v52, v55;
	[tilespmem:s17+$0x1AB70] =	vst v57  }
0x16c: {  	v62 =	vld [tilespmem:s17+$0x1ABF0];
	[tilespmem:s17+$0x1AB80] =	vst v3;
	v3 =	vmul.f32 v54, v55  }
0x16d: {  	v12 =	vld [tilespmem:s17+$0x1AC00];
	v63 =	vmul.f32 v56, v55;
	[tilespmem:s17+$0x1AB90] =	vst v60  }
0x16e: {  	v13 =	vld [tilespmem:s17+$0x1AC10];
	[tilespmem:s17+$0x1ABA0] =	vst v3;
	v3 =	vmul.f32 v58, v55  }
0x16f: {  	v15 =	vld [tilespmem:s17+$0x1AC20];
	v14 =	vmul.f32 v59, v55;
	[tilespmem:s17+$0x1ABB0] =	vst v63  }
0x170: {  	v17 =	vld [tilespmem:s17+$0x1AC30];
	v16 =	vbroadcast v2, $0x4;
	[tilespmem:s17+$0x1ABC0] =	vst v3;
	v3 =	vmul.f32 v61, v55  }
0x171: {  	v19 =	vld [tilespmem:s17+$0x1AC40];
	v18 =	vmul.f32 v62, v55;
	[tilespmem:s17+$0x1ABD0] =	vst v14  }
0x172: {  	v20 =	vld [tilespmem:s17+$0x1AC50];
	[tilespmem:s17+$0x1ABE0] =	vst v3;
	v3 =	vmul.f32 v12, v16  }
0x173: {  	v22 =	vld [tilespmem:s17+$0x1AC60];
	v21 =	vmul.f32 v13, v16;
	[tilespmem:s17+$0x1ABF0] =	vst v18  }
0x174: {  	v23 =	vld [tilespmem:s17+$0x1AC70];
	[tilespmem:s17+$0x1AC00] =	vst v3;
	v3 =	vmul.f32 v15, v16  }
0x175: {  	v24 =	vmul.f32 v17, v16;
	[tilespmem:s17+$0x1AC10] =	vst v21;
	v25 =	vld [tilespmem:s17+$0x1AC80]  }
0x176: {  	v33 =	vld [tilespmem:s17+$0x1ACD0];
	[tilespmem:s17+$0x1AC20] =	vst v3;
	v3 =	vmul.f32 v19, v16  }
0x177: {  	v27 =	vmul.f32 v20, v16;
	[tilespmem:s17+$0x1AC30] =	vst v24;
	v28 =	vld [tilespmem:s17+$0x1ACA0]  }
0x178: {  	v36 =	vld [tilespmem:s17+$0x1ACF0];
	v29 =	vbroadcast v2, $0x5;
	[tilespmem:s17+$0x1AC40] =	vst v3;
	v3 =	vmul.f32 v22, v16  }
0x179: {  	[tilespmem:s17+$0x1AC50] =	vst v27;
	v31 =	vmul.f32 v23, v16;
	v32 =	vld [tilespmem:s17+$0x1ACC0]  }
0x17a: {  	v26 =	vld [tilespmem:s17+$0x1AC90];
	[tilespmem:s17+$0x1AC60] =	vst v3;
	v3 =	vmul.f32 v25, v29  }
0x17b: {  	[tilespmem:s17+$0x1AC70] =	vst v31;
	v40 =	vmul.f32 v33, v29;
	v35 =	vld [tilespmem:s17+$0x1ACE0]  }
0x17c: {  	v30 =	vld [tilespmem:s17+$0x1ACB0];
	[tilespmem:s17+$0x1AC80] =	vst v3;
	v3 =	vmul.f32 v28, v29  }
0x17d: {  	v44 =	vmul.f32 v36, v29;
	[tilespmem:s17+$0x1ACD0] =	vst v40;
	v38 =	vld [tilespmem:s17+$0x1AD00]  }
0x17e: {  	v39 =	vld [tilespmem:s17+$0x1AD10];
	[tilespmem:s17+$0x1ACA0] =	vst v3;
	v3 =	vmul.f32 v32, v29  }
0x17f: {  	v34 =	vmul.f32 v26, v29;
	[tilespmem:s17+$0x1ACF0] =	vst v44;
	v41 =	vld [tilespmem:s17+$0x1AD20]  }
0x180: {  	v43 =	vld [tilespmem:s17+$0x1AD30];
	v42 =	vbroadcast v2, $0x6;
	[tilespmem:s17+$0x1ACC0] =	vst v3;
	v3 =	vmul.f32 v35, v29  }
0x181: {  	[tilespmem:s17+$0x1AC90] =	vst v34;
	v37 =	vmul.f32 v30, v29;
	v45 =	vld [tilespmem:s17+$0x1AD40]  }
0x182: {  	v46 =	vld [tilespmem:s17+$0x1AD50];
	[tilespmem:s17+$0x1ACE0] =	vst v3;
	v3 =	vmul.f32 v38, v42  }
0x183: {  	[tilespmem:s17+$0x1ACB0] =	vst v37;
	v48 =	vld [tilespmem:s17+$0x1AD60];
	v47 =	vmul.f32 v39, v42  }
0x184: {  	v49 =	vld [tilespmem:s17+$0x1AD70];
	[tilespmem:s17+$0x1AD00] =	vst v3;
	v3 =	vmul.f32 v41, v42  }
0x185: {  	v50 =	vmul.f32 v43, v42;
	v51 =	vld [tilespmem:s17+$0x1AD80];
	[tilespmem:s17+$0x1AD10] =	vst v47  }
0x186: {  	v52 =	vld [tilespmem:s17+$0x1AD90];
	[tilespmem:s17+$0x1AD20] =	vst v3;
	v3 =	vmul.f32 v45, v42  }
0x187: {  	v53 =	vmul.f32 v46, v42;
	[tilespmem:s17+$0x1AD30] =	vst v50;
	v54 =	vld [tilespmem:s17+$0x1ADA0]  }
0x188: {  	v56 =	vld [tilespmem:s17+$0x1ADB0];
	v55 =	vbroadcast v2, $0x7;
	[tilespmem:s17+$0x1AD40] =	vst v3;
	v3 =	vmul.f32 v48, v42  }
0x189: {  	v57 =	vmul.f32 v49, v42;
	[tilespmem:s17+$0x1AD50] =	vst v53;
	v58 =	vld [tilespmem:s17+$0x1ADC0]  }
0x18a: {  	v59 =	vld [tilespmem:s17+$0x1ADD0];
	[tilespmem:s17+$0x1AD60] =	vst v3;
	v3 =	vmul.f32 v51, v55  }
0x18b: {  	[tilespmem:s17+$0x1AD70] =	vst v57;
	v61 =	vld [tilespmem:s17+$0x1ADE0];
	v60 =	vmul.f32 v52, v55  }
0x18c: {  	v62 =	vld [tilespmem:s17+$0x1ADF0];
	[tilespmem:s17+$0x1AD80] =	vst v3;
	v3 =	vmul.f32 v54, v55  }
0x18d: {  	v63 =	vmul.f32 v56, v55;
	v12 =	vld [tilespmem:s17+$0x1AE00];
	[tilespmem:s17+$0x1AD90] =	vst v60  }
0x18e: {  	v13 =	vld [tilespmem:s17+$0x1AE10];
	[tilespmem:s17+$0x1ADA0] =	vst v3;
	v3 =	vmul.f32 v58, v55  }
0x18f: {  	v14 =	vmul.f32 v59, v55;
	[tilespmem:s17+$0x1ADB0] =	vst v63;
	v15 =	vld [tilespmem:s17+$0x1AE20]  }
0x190: {  	v17 =	vld [tilespmem:s17+$0x1AE30];
	v16 =	vbroadcast v2, $0x8;
	[tilespmem:s17+$0x1ADC0] =	vst v3;
	v3 =	vmul.f32 v61, v55  }
0x191: {  	v18 =	vmul.f32 v62, v55;
	[tilespmem:s17+$0x1ADD0] =	vst v14;
	v19 =	vld [tilespmem:s17+$0x1AE40]  }
0x192: {  	v20 =	vld [tilespmem:s17+$0x1AE50];
	[tilespmem:s17+$0x1ADE0] =	vst v3;
	v3 =	vmul.f32 v12, v16  }
0x193: {  	[tilespmem:s17+$0x1ADF0] =	vst v18;
	v22 =	vld [tilespmem:s17+$0x1AE60];
	v21 =	vmul.f32 v13, v16  }
0x194: {  	v23 =	vld [tilespmem:s17+$0x1AE70];
	[tilespmem:s17+$0x1AE00] =	vst v3;
	v3 =	vmul.f32 v15, v16  }
0x195: {  	v24 =	vmul.f32 v17, v16;
	v25 =	vld [tilespmem:s17+$0x1AE80];
	[tilespmem:s17+$0x1AE10] =	vst v21  }
0x196: {  	v26 =	vld [tilespmem:s17+$0x1AE90];
	[tilespmem:s17+$0x1AE20] =	vst v3;
	v3 =	vmul.f32 v19, v16  }
0x197: {  	v27 =	vmul.f32 v20, v16;
	[tilespmem:s17+$0x1AE30] =	vst v24;
	v28 =	vld [tilespmem:s17+$0x1AEA0]  }
0x198: {  	v30 =	vld [tilespmem:s17+$0x1AEB0];
	v29 =	vbroadcast v2, $0x9;
	[tilespmem:s17+$0x1AE40] =	vst v3;
	v3 =	vmul.f32 v22, v16  }
0x199: {  	v31 =	vmul.f32 v23, v16;
	[tilespmem:s17+$0x1AE50] =	vst v27;
	v32 =	vld [tilespmem:s17+$0x1AEC0]  }
0x19a: {  	v33 =	vld [tilespmem:s17+$0x1AED0];
	[tilespmem:s17+$0x1AE60] =	vst v3;
	v3 =	vmul.f32 v25, v29  }
0x19b: {  	[tilespmem:s17+$0x1AE70] =	vst v31;
	v35 =	vld [tilespmem:s17+$0x1AEE0];
	v34 =	vmul.f32 v26, v29  }
0x19c: {  	v36 =	vld [tilespmem:s17+$0x1AEF0];
	[tilespmem:s17+$0x1AE80] =	vst v3;
	v3 =	vmul.f32 v28, v29  }
0x19d: {  	v37 =	vmul.f32 v30, v29;
	v38 =	vld [tilespmem:s17+$0x1AF00];
	[tilespmem:s17+$0x1AE90] =	vst v34  }
0x19e: {  	v39 =	vld [tilespmem:s17+$0x1AF10];
	[tilespmem:s17+$0x1AEA0] =	vst v3;
	v3 =	vmul.f32 v32, v29  }
0x19f: {  	v40 =	vmul.f32 v33, v29;
	[tilespmem:s17+$0x1AEB0] =	vst v37;
	v41 =	vld [tilespmem:s17+$0x1AF20]  }
0x1a0: {  	v43 =	vld [tilespmem:s17+$0x1AF30];
	v42 =	vbroadcast v2, $0xA;
	[tilespmem:s17+$0x1AEC0] =	vst v3;
	v3 =	vmul.f32 v35, v29  }
0x1a1: {  	v44 =	vmul.f32 v36, v29;
	[tilespmem:s17+$0x1AED0] =	vst v40;
	v45 =	vld [tilespmem:s17+$0x1AF40]  }
0x1a2: {  	v46 =	vld [tilespmem:s17+$0x1AF50];
	[tilespmem:s17+$0x1AEE0] =	vst v3;
	v3 =	vmul.f32 v38, v42  }
0x1a3: {  	[tilespmem:s17+$0x1AEF0] =	vst v44;
	v48 =	vld [tilespmem:s17+$0x1AF60];
	v47 =	vmul.f32 v39, v42  }
0x1a4: {  	v49 =	vld [tilespmem:s17+$0x1AF70];
	[tilespmem:s17+$0x1AF00] =	vst v3;
	v3 =	vmul.f32 v41, v42  }
0x1a5: {  	v50 =	vmul.f32 v43, v42;
	v51 =	vld [tilespmem:s17+$0x1AF80];
	[tilespmem:s17+$0x1AF10] =	vst v47  }
0x1a6: {  	v52 =	vld [tilespmem:s17+$0x1AF90];
	[tilespmem:s17+$0x1AF20] =	vst v3;
	v3 =	vmul.f32 v45, v42  }
0x1a7: {  	v53 =	vmul.f32 v46, v42;
	[tilespmem:s17+$0x1AF30] =	vst v50;
	v54 =	vld [tilespmem:s17+$0x1AFA0]  }
0x1a8: {  	v56 =	vld [tilespmem:s17+$0x1AFB0];
	v55 =	vbroadcast v2, $0xB;
	[tilespmem:s17+$0x1AF40] =	vst v3;
	v3 =	vmul.f32 v48, v42  }
0x1a9: {  	v57 =	vmul.f32 v49, v42;
	[tilespmem:s17+$0x1AF50] =	vst v53;
	v58 =	vld [tilespmem:s17+$0x1AFC0]  }
0x1aa: {  	v59 =	vld [tilespmem:s17+$0x1AFD0];
	[tilespmem:s17+$0x1AF60] =	vst v3;
	v3 =	vmul.f32 v51, v55  }
0x1ab: {  	[tilespmem:s17+$0x1AF70] =	vst v57;
	v61 =	vld [tilespmem:s17+$0x1AFE0];
	v60 =	vmul.f32 v52, v55  }
0x1ac: {  	v62 =	vld [tilespmem:s17+$0x1AFF0];
	[tilespmem:s17+$0x1AF80] =	vst v3;
	v3 =	vmul.f32 v54, v55  }
0x1ad: {  	v63 =	vmul.f32 v56, v55;
	v12 =	vld [tilespmem:s17+$0x1B000];
	[tilespmem:s17+$0x1AF90] =	vst v60  }
0x1ae: {  	v13 =	vld [tilespmem:s17+$0x1B010];
	[tilespmem:s17+$0x1AFA0] =	vst v3;
	v3 =	vmul.f32 v58, v55  }
0x1af: {  	v14 =	vmul.f32 v59, v55;
	[tilespmem:s17+$0x1AFB0] =	vst v63;
	v15 =	vld [tilespmem:s17+$0x1B020]  }
0x1b0: {  	v17 =	vld [tilespmem:s17+$0x1B030];
	v16 =	vbroadcast v2, $0xC;
	[tilespmem:s17+$0x1AFC0] =	vst v3;
	v3 =	vmul.f32 v61, v55  }
0x1b1: {  	v18 =	vmul.f32 v62, v55;
	[tilespmem:s17+$0x1AFD0] =	vst v14;
	v19 =	vld [tilespmem:s17+$0x1B040]  }
0x1b2: {  	v20 =	vld [tilespmem:s17+$0x1B050];
	[tilespmem:s17+$0x1AFE0] =	vst v3;
	v3 =	vmul.f32 v12, v16  }
0x1b3: {  	[tilespmem:s17+$0x1AFF0] =	vst v18;
	v22 =	vld [tilespmem:s17+$0x1B060];
	v21 =	vmul.f32 v13, v16  }
0x1b4: {  	v23 =	vld [tilespmem:s17+$0x1B070];
	[tilespmem:s17+$0x1B000] =	vst v3;
	v3 =	vmul.f32 v15, v16  }
0x1b5: {  	v24 =	vmul.f32 v17, v16;
	v25 =	vld [tilespmem:s17+$0x1B080];
	[tilespmem:s17+$0x1B010] =	vst v21  }
0x1b6: {  	v26 =	vld [tilespmem:s17+$0x1B090];
	[tilespmem:s17+$0x1B020] =	vst v3;
	v3 =	vmul.f32 v19, v16  }
0x1b7: {  	v27 =	vmul.f32 v20, v16;
	[tilespmem:s17+$0x1B030] =	vst v24;
	v28 =	vld [tilespmem:s17+$0x1B0A0]  }
0x1b8: {  	v30 =	vld [tilespmem:s17+$0x1B0B0];
	v29 =	vbroadcast v2, $0xD;
	[tilespmem:s17+$0x1B040] =	vst v3;
	v3 =	vmul.f32 v22, v16  }
0x1b9: {  	v31 =	vmul.f32 v23, v16;
	[tilespmem:s17+$0x1B050] =	vst v27;
	v32 =	vld [tilespmem:s17+$0x1B0C0]  }
0x1ba: {  	v33 =	vld [tilespmem:s17+$0x1B0D0];
	[tilespmem:s17+$0x1B060] =	vst v3;
	v3 =	vmul.f32 v25, v29  }
0x1bb: {  	[tilespmem:s17+$0x1B070] =	vst v31;
	v35 =	vld [tilespmem:s17+$0x1B0E0];
	v34 =	vmul.f32 v26, v29  }
0x1bc: {  	v36 =	vld [tilespmem:s17+$0x1B0F0];
	[tilespmem:s17+$0x1B080] =	vst v3;
	v3 =	vmul.f32 v28, v29  }
0x1bd: {  	v37 =	vmul.f32 v30, v29;
	v38 =	vld [tilespmem:s17+$0x1B100];
	[tilespmem:s17+$0x1B090] =	vst v34  }
0x1be: {  	v39 =	vld [tilespmem:s17+$0x1B110];
	[tilespmem:s17+$0x1B0A0] =	vst v3;
	v3 =	vmul.f32 v32, v29  }
0x1bf: {  	v40 =	vmul.f32 v33, v29;
	[tilespmem:s17+$0x1B0B0] =	vst v37;
	v41 =	vld [tilespmem:s17+$0x1B120]  }
0x1c0: {  	v43 =	vld [tilespmem:s17+$0x1B130];
	v42 =	vbroadcast v2, $0xE;
	[tilespmem:s17+$0x1B0C0] =	vst v3;
	v3 =	vmul.f32 v35, v29  }
0x1c1: {  	v44 =	vmul.f32 v36, v29;
	[tilespmem:s17+$0x1B0D0] =	vst v40;
	v45 =	vld [tilespmem:s17+$0x1B140]  }
0x1c2: {  	v46 =	vld [tilespmem:s17+$0x1B150];
	[tilespmem:s17+$0x1B0E0] =	vst v3;
	v3 =	vmul.f32 v38, v42  }
0x1c3: {  	[tilespmem:s17+$0x1B0F0] =	vst v44;
	v48 =	vld [tilespmem:s17+$0x1B160];
	v47 =	vmul.f32 v39, v42  }
0x1c4: {  	v49 =	vld [tilespmem:s17+$0x1B170];
	[tilespmem:s17+$0x1B100] =	vst v3;
	v3 =	vmul.f32 v41, v42  }
0x1c5: {  	v50 =	vmul.f32 v43, v42;
	v51 =	vld [tilespmem:s17+$0x1B180];
	[tilespmem:s17+$0x1B110] =	vst v47  }
0x1c6: {  	v52 =	vld [tilespmem:s17+$0x1B190];
	[tilespmem:s17+$0x1B120] =	vst v3;
	v3 =	vmul.f32 v45, v42  }
0x1c7: {  	v53 =	vmul.f32 v46, v42;
	[tilespmem:s17+$0x1B130] =	vst v50;
	v54 =	vld [tilespmem:s17+$0x1B1A0]  }
0x1c8: {  	v2 =	vbroadcast v2, $0xF;
	v58 =	vld [tilespmem:s17+$0x1B1D0];
	[tilespmem:s17+$0x1B140] =	vst v3;
	v3 =	vmul.f32 v48, v42  }
0x1c9: {  	v57 =	vld [tilespmem:s17+$0x1B1C0];
	v56 =	vmul.f32 v49, v42;
	[tilespmem:s17+$0x1B150] =	vst v53  }
0x1ca: {  	v55 =	vld [tilespmem:s17+$0x1B1B0];
	[tilespmem:s17+$0x1B160] =	vst v3;
	v3 =	vmul.f32 v51, v2  }
0x1cb: {  	v60 =	vld [tilespmem:s17+$0x1B1E0];
	v59 =	vmul.f32 v52, v2;
	[tilespmem:s17+$0x1B170] =	vst v56  }
0x1cc: {  	v61 =	vld [tilespmem:s17+$0x1B1F0];
	[tilespmem:s17+$0x1B180] =	vst v3;
	v3 =	vmul.f32 v54, v2  }
0x1cd: {  	[tilespmem:s17+$0x1B190] =	vst v59;
	v63 =	vmul.f32 v58, v2  }
0x1ce: {  	p0 =	sne.s32 s16, $0x7;
	[tilespmem:s17+$0x1B1A0] =	vst v3;
	v3 =	vmul.f32 v57, v2  }
.Ltmp3:
0x1cf: {  	v62 =	vmul.f32 v55, v2;
	[tilespmem:s17+$0x1B1D0] =	vst v63;
	(pc) =	sbr.rel @p0 .LBB2_9-.Ltmp3, $4  }
0x1d0: {  	[tilespmem:s17+$0x1B1C0] =	vst v3;
	v3 =	vmul.f32 v60, v2  }
0x1d1: {  	[tilespmem:s17+$0x1B1B0] =	vst v62;
	v2 =	vmul.f32 v61, v2  }
0x1d2: {  	[tilespmem:s17+$0x1B1E0] =	vst v3  }
0x1d3: {  	s16 =	sadd.s32 $0x1, s16;
	[tilespmem:s17+$0x1B1F0] =	vst v2  }
0x1d4: {  	s15 =	sadd.s32 $0x1, s15  }
0x1d5: {  	p0 =	sne.s32 s15, $0x50  }
.Ltmp4:
0x1d6: {  	_ = 	snop;
	(pc) =	sbr.rel @p0 .LBB2_8-.Ltmp4, $4  }
0x1d7: {  	[spmem:s3] =	stream.indirect.scatter.add.f32 [tilespmem:s2], [sflag:$0x2], $0x80, s23, s28, $0xb8;
	[tilespmem:$0x1EA00] =	vst v63  }
0x1d8: {  	_ =	swait.ge [sflag:s21], $0x4000  }
0x1d9: {  	[sflag:s21] =	ssyncset.done $0x0  }
0x1da: {  	[sflag:s21] =	ssyncadd.s32 $0xFFFFC000  }
0x1db: {  	[bflag:$0x0] =	sbarrier.arrive $0xFFFF  }
0x1dc: {  	[tilespmem:s22], [sflag:$0x2] =	stream.linear.gather [spmem:s14], $0x2000, $0x38;
	[tilespmem:$0x1EA00] =	vst v63  }
0x1dd: {  	_ =	swait.ge [sflag:s21], $0x2000  }
0x1de: {  	[sflag:s21] =	ssyncset.done $0x0  }
0x1df: {  	s13 =	rddreg [dreg:$0x7];
	[sflag:s21] =	ssyncadd.s32 $0xFFFFE000  }
0x1e0: {  	[hbm4b:s13+s5] =	stream.linear.scatter [tilespmem:s22], [sflag:$0x2], $0x2000, $0x38;
	[tilespmem:$0x1EA00] =	vst v63  }
0x1e1: {  	_ =	swait.ge [sflag:s21], $0x2000  }
0x1e2: {  	[sflag:s21] =	ssyncset.done $0x0  }
0x1e3: {  	[sflag:s21] =	ssyncadd.s32 $0xFFFFE000  }
0x1e4: {  	[tilespmem:s22], [sflag:$0x2] =	stream.linear.gather [spmem:s18], $0x2000, $0x38;
	[tilespmem:$0x1EA00] =	vst v63  }
0x1e5: {  	_ =	swait.ge [sflag:s21], $0x2000  }
0x1e6: {  	[sflag:s21] =	ssyncset.done $0x0  }
0x1e7: {  	s16 =	smov.u32 s18;
	s18 =	rddreg [dreg:$0x8];
	[sflag:s21] =	ssyncadd.s32 $0xFFFFE000  }
0x1e8: {  	[hbm4b:s18+s5] =	stream.linear.scatter [tilespmem:s22], [sflag:$0x2], $0x2000, $0x38;
	[tilespmem:$0x1EA00] =	vst v63  }
0x1e9: {  	_ =	swait.ge [sflag:s21], $0x2000  }
0x1ea: {  	[sflag:s21] =	ssyncset.done $0x0  }
0x1eb: {  	[sflag:s21] =	ssyncadd.s32 $0xFFFFE000  }
0x1ec: {  	[tilespmem:s22], [sflag:$0x2] =	stream.linear.gather [spmem:s19], $0x2000, $0x38;
	[tilespmem:$0x1EA00] =	vst v63  }
0x1ed: {  	_ =	swait.ge [sflag:s21], $0x2000  }
0x1ee: {  	[sflag:s21] =	ssyncset.done $0x0  }
0x1ef: {  	s17 =	smov.u32 s19;
	s19 =	rddreg [dreg:$0x9];
	[sflag:s21] =	ssyncadd.s32 $0xFFFFE000  }
0x1f0: {  	[hbm4b:s19+s5] =	stream.linear.scatter [tilespmem:s22], [sflag:$0x2], $0x2000, $0x38;
	[tilespmem:$0x1EA00] =	vst v63  }
0x1f1: {  	_ =	swait.ge [sflag:s21], $0x2000  }
0x1f2: {  	[sflag:s21] =	ssyncset.done $0x0  }
0x1f3: {  	s15 =	rddreg [dreg:$0x18];
	[sflag:s21] =	ssyncadd.s32 $0xFFFFE000  }
0x1f4: {  	[tilespmem:s22], [sflag:$0x2] =	stream.linear.gather [spmem:s15], $0x2000, $0x38;
	[tilespmem:$0x1EA00] =	vst v63  }
0x1f5: {  	_ =	swait.ge [sflag:s21], $0x2000  }
0x1f6: {  	[sflag:s21] =	ssyncset.done $0x0  }
0x1f7: {  	s18 =	rddreg [dreg:$0xa];
	[sflag:s21] =	ssyncadd.s32 $0xFFFFE000  }
0x1f8: {  	[hbm4b:s18+s5] =	stream.linear.scatter [tilespmem:s22], [sflag:$0x2], $0x2000, $0x38;
	[tilespmem:$0x1EA00] =	vst v63  }
0x1f9: {  	_ =	swait.ge [sflag:s21], $0x2000  }
0x1fa: {  	[sflag:s21] =	ssyncset.done $0x0  }
0x1fb: {  	s19 =	rddreg [dreg:$0x19];
	[sflag:s21] =	ssyncadd.s32 $0xFFFFE000  }
0x1fc: {  	[tilespmem:s22], [sflag:$0x2] =	stream.linear.gather [spmem:s19], $0x2000, $0x38;
	[tilespmem:$0x1EA00] =	vst v63  }
0x1fd: {  	_ =	swait.ge [sflag:s21], $0x2000  }
0x1fe: {  	[sflag:s21] =	ssyncset.done $0x0  }
0x1ff: {  	s15 =	rddreg [dreg:$0xb];
	[sflag:s21] =	ssyncadd.s32 $0xFFFFE000  }
0x200: {  	[hbm4b:s15+s5] =	stream.linear.scatter [tilespmem:s22], [sflag:$0x2], $0x2000, $0x38;
	[tilespmem:$0x1EA00] =	vst v63  }
0x201: {  	_ =	swait.ge [sflag:s21], $0x2000  }
0x202: {  	[sflag:s21] =	ssyncset.done $0x0  }
0x203: {  	s18 =	rddreg [dreg:$0x1a];
	[sflag:s21] =	ssyncadd.s32 $0xFFFFE000  }
0x204: {  	[tilespmem:s22], [sflag:$0x2] =	stream.linear.gather [spmem:s18], $0x2000, $0x38;
	[tilespmem:$0x1EA00] =	vst v63  }
0x205: {  	_ =	swait.ge [sflag:s21], $0x2000  }
0x206: {  	[sflag:s21] =	ssyncset.done $0x0  }
0x207: {  	s19 =	rddreg [dreg:$0xc];
	[sflag:s21] =	ssyncadd.s32 $0xFFFFE000  }
0x208: {  	[hbm4b:s19+s5] =	stream.linear.scatter [tilespmem:s22], [sflag:$0x2], $0x2000, $0x38;
	[tilespmem:$0x1EA00] =	vst v63  }
0x209: {  	_ =	swait.ge [sflag:s21], $0x2000  }
0x20a: {  	[sflag:s21] =	ssyncset.done $0x0  }
0x20b: {  	s15 =	rddreg [dreg:$0x1b];
	[sflag:s21] =	ssyncadd.s32 $0xFFFFE000  }
0x20c: {  	[tilespmem:s22], [sflag:$0x2] =	stream.linear.gather [spmem:s15], $0x2000, $0x38;
	[tilespmem:$0x1EA00] =	vst v63  }
0x20d: {  	_ =	swait.ge [sflag:s21], $0x2000  }
0x20e: {  	[sflag:s21] =	ssyncset.done $0x0  }
0x20f: {  	s18 =	rddreg [dreg:$0xe];
	[sflag:s21] =	ssyncadd.s32 $0xFFFFE000  }
0x210: {  	[hbm4b:s18+s5] =	stream.linear.scatter [tilespmem:s22], [sflag:$0x2], $0x2000, $0x38;
	[tilespmem:$0x1EA00] =	vst v63  }
0x211: {  	_ =	swait.ge [sflag:s21], $0x2000  }
0x212: {  	[sflag:s21] =	ssyncset.done $0x0  }
0x213: {  	s19 =	rddreg [dreg:$0x1c];
	[sflag:s21] =	ssyncadd.s32 $0xFFFFE000  }
0x214: {  	[tilespmem:s22], [sflag:$0x2] =	stream.linear.gather [spmem:s19], $0x2000, $0x38;
	[tilespmem:$0x1EA00] =	vst v63  }
0x215: {  	_ =	swait.ge [sflag:s21], $0x2000  }
0x216: {  	[sflag:s21] =	ssyncset.done $0x0  }
0x217: {  	s15 =	rddreg [dreg:$0xf];
	[sflag:s21] =	ssyncadd.s32 $0xFFFFE000  }
0x218: {  	[hbm4b:s15+s5] =	stream.linear.scatter [tilespmem:s22], [sflag:$0x2], $0x2000, $0x38;
	[tilespmem:$0x1EA00] =	vst v63  }
0x219: {  	_ =	swait.ge [sflag:s21], $0x2000  }
0x21a: {  	[sflag:s21] =	ssyncset.done $0x0  }
0x21b: {  	s18 =	rddreg [dreg:$0x1d];
	[sflag:s21] =	ssyncadd.s32 $0xFFFFE000  }
0x21c: {  	[tilespmem:s22], [sflag:$0x2] =	stream.linear.gather [spmem:s18], $0x2000, $0x38;
	[tilespmem:$0x1EA00] =	vst v63  }
0x21d: {  	_ =	swait.ge [sflag:s21], $0x2000  }
0x21e: {  	[sflag:s21] =	ssyncset.done $0x0  }
0x21f: {  	s19 =	rddreg [dreg:$0x10];
	[sflag:s21] =	ssyncadd.s32 $0xFFFFE000  }
0x220: {  	[hbm4b:s19+s5] =	stream.linear.scatter [tilespmem:s22], [sflag:$0x2], $0x2000, $0x38;
	[tilespmem:$0x1EA00] =	vst v63  }
0x221: {  	_ =	swait.ge [sflag:s21], $0x2000  }
0x222: {  	[sflag:s21] =	ssyncset.done $0x0  }
0x223: {  	s15 =	rddreg [dreg:$0x1e];
	[sflag:s21] =	ssyncadd.s32 $0xFFFFE000  }
0x224: {  	[tilespmem:s22], [sflag:$0x2] =	stream.linear.gather [spmem:s15], $0x2000, $0x38;
	[tilespmem:$0x1EA00] =	vst v63  }
0x225: {  	_ =	swait.ge [sflag:s21], $0x2000  }
0x226: {  	[sflag:s21] =	ssyncset.done $0x0  }
0x227: {  	s18 =	rddreg [dreg:$0x11];
	[sflag:s21] =	ssyncadd.s32 $0xFFFFE000  }
0x228: {  	[hbm4b:s18+s5] =	stream.linear.scatter [tilespmem:s22], [sflag:$0x2], $0x2000, $0x38;
	[tilespmem:$0x1EA00] =	vst v63  }
0x229: {  	_ =	swait.ge [sflag:s21], $0x2000  }
0x22a: {  	s12 =	sadd.s32 $0x1, s12;
	s19 =	rddreg [dreg:$0xd]  }
0x22b: {  	p0 =	sne.s32 s12, s19  }
.Ltmp5:
0x22c: {  	_ = 	snop;
	(pc) =	sbr.rel @p0 .LBB2_1-.Ltmp5, $3  }
0x22d: {  	_ =	sdelay $0x1  }
0x22e: {  	[sflag:s21] =	ssyncset.done $0x0  }
0x22f: {  	[sflag:s21] =	ssyncadd.s32 $0xFFFFE000  }
0x230: {  	_ =	sfence.sel $0x180000  }
0x231: {  	[bflag:$0x0] =	sbarrier.arrive $0xFFFF  }
0x232: {  	_ =	strace $0x90000047  }
0x233: {  	s0 =	stileid.u32;
	[bflag:$0x2] =	sbarrier.arrive $0xFFFF  }
0x234: {  	p0 =	sne.s32 s0, $0x0;
	s0 =	rddreg [dreg:$0x4]  }
0x235: {  	s0 =	sadd.s32 @!p0 $0x100000, s0  }
0x236: {  	[sflag:s0] =	ssyncadd.tile.s32 @!p0 $0x1;
	_ =	shalt  }
.Lfunc_end2:
_tile_overlayer_lowered:
.L_overlay_start_2:
0x237: {  	(tag) =	ssettag $0x2  }
0x238: {  	s0 =	rddreg [dreg:$0x0];
	s2 =	stileid.u32  }
0x239: {  	s1 =	rddreg [dreg:$0x1];
	p0 =	sne.s32 s2, $0x0  }
0x23a: {  	s3 =	rddreg [dreg:$0x2];
	[bflag:$0x3] =	sbarrier.arrive $0xFFFF;
	s2 =	simm.s32 @!p0 $0x1C02  }
0x23b: {  	[timem:s3], [sflag:s2] =	dma.local @!p0 [hbm:s0], s1  }
0x23c: {  	s0 =	simm.s32 @!p0 $0x2  }
0x23d: {  	_ =	swait.ge @!p0 [sflag:s0], s1  }
0x23e: {  	s1 =	ssub.s32 @!p0 $0x0, s1;
	[sflag:s0] =	ssyncset.done @!p0 $0x0  }
0x23f: {  	[sflag:s0] =	ssyncadd.s32 @!p0 s1  }
0x240: {  	[bflag:$0x3] =	sbarrier.arrive $0xFFFF  }
0x241: {  	_ =	shalt  }

</sc_bundles>
